<compile_context>
chip_gen: v7x
topology: tpu7x:2x2x1
jax: 0.10.2.dev20260603
libtpu: 0.0.44.dev20260713+nightly
codegen_flags: <defaults>
</compile_context>

<pallas_src>
import functools

import jax
import jax.numpy as jnp
from jax import lax
from jax.experimental import pallas as pl
from jax.experimental.pallas import tpu as pltpu
from jax.experimental.pallas import tpu_sc as plsc

N_NODES = 10000
N_PAD = 10240
D_IN = 128
E_EDGES = 320000
CH = 128
NCHUNK = 80
E_PAD = 2 * 16 * NCHUNK * CH
DEG_W = 128
DEG_OUT = 128
ROWS_PER_TILE = N_PAD // 16

_MESH = plsc.VectorSubcoreMesh(core_axis_name="c", subcore_axis_name="s")



@functools.partial(
    pl.kernel,
    mesh=_MESH,
    out_type=jax.ShapeDtypeStruct((2, N_PAD, DEG_OUT), jnp.float32),
    scratch_types=[
        pltpu.VMEM((NCHUNK, CH), jnp.int32),
        pltpu.VMEM((CH, DEG_W), jnp.float32),
        pltpu.VMEM((CH, DEG_W), jnp.float32),
        pltpu.VMEM_SHARED((N_PAD, DEG_W), jnp.float32),
        pltpu.SemaphoreType.DMA,
    ],
)
def _sc_degree(col_hbm, out_hbm, cidx, ones_v, zeros_v, dacc, g0):
    c = lax.axis_index("c")
    s = lax.axis_index("s")
    one16 = jnp.ones((16,), jnp.float32)
    zero16 = jnp.zeros((16,), jnp.float32)

    def _fill(i, _):
        for j in range(DEG_W // 16):
            ones_v[i, pl.ds(j * 16, 16)] = one16
            zeros_v[i, pl.ds(j * 16, 16)] = zero16
        return 0

    lax.fori_loop(0, CH, _fill, 0)
    for blk in range(ROWS_PER_TILE // CH):
        pltpu.sync_copy(zeros_v, dacc.at[pl.ds(s * ROWS_PER_TILE + blk * CH, CH)])
    pltpu.sync_copy(col_hbm.at[c, s], cidx)
    plsc.subcore_barrier()

    def _fire(j, _):
        pltpu.async_copy(ones_v, dacc.at[cidx.at[j]], g0, add=True)
        return 0

    lax.fori_loop(0, NCHUNK, _fire, 0)

    def _drain(j, _):
        pltpu.make_async_copy(ones_v, dacc.at[cidx.at[j]], g0).wait()
        return 0

    lax.fori_loop(0, NCHUNK, _drain, 0)
    plsc.subcore_barrier()
    pltpu.sync_copy(
        dacc.at[pl.ds(s * ROWS_PER_TILE, ROWS_PER_TILE), pl.ds(0, DEG_OUT)],
        out_hbm.at[c, pl.ds(s * ROWS_PER_TILE, ROWS_PER_TILE)])


@functools.partial(
    pl.kernel,
    mesh=_MESH,
    out_type=jax.ShapeDtypeStruct((2, N_PAD, D_IN), jnp.float32),
    scratch_types=[
        pltpu.VMEM((NCHUNK // 2, CH), jnp.int32),
        pltpu.VMEM((NCHUNK // 2, CH), jnp.int32),
        pltpu.VMEM((CH, D_IN), jnp.float32),
        pltpu.VMEM((CH, D_IN), jnp.float32),
        pltpu.VMEM_SHARED((N_PAD, D_IN), jnp.float32),
        pltpu.SemaphoreType.DMA,
        pltpu.SemaphoreType.DMA,
    ],
)
def _sc_scatter(vals_hbm, row_hbm, col_hbm, out_hbm, ridx, cidx, rows0, rows1,
                acc, g0, g1):
    c = lax.axis_index("c")
    s = lax.axis_index("s")
    zero16 = jnp.zeros((16,), jnp.float32)
    half = NCHUNK // 2

    def _zrow(i, _):
        for j in range(D_IN // 16):
            rows0[i, pl.ds(j * 16, 16)] = zero16
        return 0

    lax.fori_loop(0, CH, _zrow, 0)
    for blk in range(ROWS_PER_TILE // CH):
        pltpu.sync_copy(rows0, acc.at[pl.ds(s * ROWS_PER_TILE + blk * CH, CH)])
    plsc.subcore_barrier()

    for h in range(2):
        pltpu.sync_copy(row_hbm.at[c, s, h], ridx)
        pltpu.sync_copy(col_hbm.at[c, s, h], cidx)
        pltpu.async_copy(vals_hbm.at[ridx.at[0]], rows0, g0)
        pltpu.async_copy(vals_hbm.at[ridx.at[1]], rows1, g1)

        def _body(k, _):
            j = 2 * k
            pltpu.make_async_copy(vals_hbm.at[ridx.at[j]], rows0, g0).wait()
            pltpu.sync_copy(rows0, acc.at[cidx.at[j]], add=True)
            pltpu.async_copy(vals_hbm.at[ridx.at[j + 2]], rows0, g0)
            pltpu.make_async_copy(vals_hbm.at[ridx.at[j + 1]], rows1, g1).wait()
            pltpu.sync_copy(rows1, acc.at[cidx.at[j + 1]], add=True)
            pltpu.async_copy(vals_hbm.at[ridx.at[j + 3]], rows1, g1)
            return 0

        lax.fori_loop(0, half // 2 - 1, _body, 0)
        jlast = half - 2
        pltpu.make_async_copy(vals_hbm.at[ridx.at[jlast]], rows0, g0).wait()
        pltpu.sync_copy(rows0, acc.at[cidx.at[jlast]], add=True)
        pltpu.make_async_copy(vals_hbm.at[ridx.at[jlast + 1]], rows1, g1).wait()
        pltpu.sync_copy(rows1, acc.at[cidx.at[jlast + 1]], add=True)
    plsc.subcore_barrier()
    pltpu.sync_copy(acc.at[pl.ds(s * ROWS_PER_TILE, ROWS_PER_TILE)],
                    out_hbm.at[c, pl.ds(s * ROWS_PER_TILE, ROWS_PER_TILE)])



_RB = 5120


def _dis_block(d0, d1):
    deg = d0[:, 0:1] + d1[:, 0:1] + 1.0
    return lax.rsqrt(deg)


def _prescale_body(d0, d1, x_ref, o_ref, dis_ref):
    dis = _dis_block(d0, d1)
    o_ref[...] = x_ref[...] * dis
    dis_ref[...] = jnp.broadcast_to(dis, dis_ref.shape)


def _mid_body(dis_ref, a0, a1, xp_ref, w1, b1, w2, o_ref):
    dis = dis_ref[:, 0:1]
    s1 = (a0[...] + a1[...] + xp_ref[...]) * dis
    h = jnp.maximum(
        jnp.dot(s1, w1[...], preferred_element_type=jnp.float32) + b1[...], 0.0)
    g = jnp.dot(h, w2[...], preferred_element_type=jnp.float32)
    o_ref[...] = g * dis


def _final_body(dis_ref, a0, a1, gp_ref, b2, o_ref):
    dis = dis_ref[:, 0:1]
    o_ref[...] = (a0[...] + a1[...] + gp_ref[...]) * dis + b2[...]


def _row_spec(width):
    return pl.BlockSpec((_RB, width), lambda i: (i, 0))


def _full_spec(shape):
    return pl.BlockSpec(shape, lambda i: tuple(0 for _ in shape))



def kernel(x, edge_index, conv1_weight, conv1_bias, conv2_weight, conv2_bias):
    ei = edge_index.astype(jnp.int32)
    pad_i = jnp.arange(E_PAD - E_EDGES, dtype=jnp.int32)
    pad_src = pad_i % N_PAD
    pad_dst = N_NODES + pad_i % (N_PAD - N_NODES)
    row = jnp.concatenate([ei[0], pad_src]).reshape(2, 16, 2, NCHUNK // 2, CH)
    col = jnp.concatenate([ei[1], pad_dst]).reshape(2, 16, 2, NCHUNK // 2, CH)
    col4 = col.reshape(2, 16, NCHUNK, CH)
    x_pad = jnp.zeros((N_PAD, D_IN), x.dtype).at[:N_NODES].set(x)
    b1 = conv1_bias.reshape(1, -1)
    b2 = conv2_bias.reshape(1, -1)

    deg2 = _sc_degree(col4)
    d0, d1 = deg2[0], deg2[1]

    grid = (N_PAD // _RB,)
    xp, disb = pl.pallas_call(
        _prescale_body,
        grid=grid,
        in_specs=[_row_spec(DEG_OUT), _row_spec(DEG_OUT), _row_spec(D_IN)],
        out_specs=(_row_spec(D_IN), _row_spec(D_IN)),
        out_shape=(jax.ShapeDtypeStruct((N_PAD, D_IN), jnp.float32),
                   jax.ShapeDtypeStruct((N_PAD, D_IN), jnp.float32)),
    )(d0, d1, x_pad)

    acc1 = _sc_scatter(xp, row, col)

    gp = pl.pallas_call(
        _mid_body,
        grid=grid,
        in_specs=[
            _row_spec(D_IN),
            _row_spec(D_IN), _row_spec(D_IN), _row_spec(D_IN),
            _full_spec(conv1_weight.shape), _full_spec(b1.shape),
            _full_spec(conv2_weight.shape),
        ],
        out_specs=_row_spec(D_IN),
        out_shape=jax.ShapeDtypeStruct((N_PAD, D_IN), jnp.float32),
    )(disb, acc1[0], acc1[1], xp, conv1_weight, b1, conv2_weight)

    acc2 = _sc_scatter(gp, row, col)

    out = pl.pallas_call(
        _final_body,
        grid=grid,
        in_specs=[
            _row_spec(D_IN),
            _row_spec(D_IN), _row_spec(D_IN), _row_spec(D_IN),
            _full_spec(b2.shape),
        ],
        out_specs=_row_spec(D_IN),
        out_shape=jax.ShapeDtypeStruct((N_PAD, D_IN), jnp.float32),
    )(disb, acc2[0], acc2[1], gp, b2)

    return out[:N_NODES]

# --- scband reference (transcript-rebuilt; emitter-appended) ---
"""Pipeline reference for scband-meta-encoder-77799037599906 (READ-ONLY COPY).

The authoritative reference and input builder live on the scoring server;
editing this copy changes nothing except your own understanding.
"""

import jax, jax.numpy as jnp
import numpy as np


def gcn_conv(x, edge_index, W, b):
    # GCN conv with self-loops and symmetric normalization (PyG gcn_norm),
    # weight applied as x @ W (meta-learned weight of shape [in, out]).
    N = x.shape[0]
    self_loops = jnp.arange(N, dtype=edge_index.dtype)
    row = jnp.concatenate([edge_index[0], self_loops])  # source nodes
    col = jnp.concatenate([edge_index[1], self_loops])  # target nodes
    ones = jnp.ones(col.shape[0], dtype=x.dtype)
    deg = jax.ops.segment_sum(ones, col, num_segments=N)
    deg_inv_sqrt = jnp.where(deg > 0, deg ** -0.5, 0.0)
    norm = deg_inv_sqrt[row] * deg_inv_sqrt[col]
    h = x @ W
    msgs = norm[:, None] * jnp.take(h, row, axis=0)
    out = jax.ops.segment_sum(msgs, col, num_segments=N)
    return out + b


def setup_inputs(seed: int = 0):
    key = jax.random.key(seed)
    k0, k1, k2, k3 = jax.random.split(key, 4)
    N, E = 10000, 320000
    d_in, d_out = 128, 128
    x = jax.random.normal(k0, (N, d_in), dtype=jnp.float32)
    edge_index = jax.random.randint(k1, (2, E), 0, N, dtype=jnp.int64)
    conv1_weight = jax.random.normal(k2, (d_in, 2 * d_out), dtype=jnp.float32) * 0.05
    conv1_bias = jnp.zeros((2 * d_out,), dtype=jnp.float32)
    conv2_weight = jax.random.normal(k3, (2 * d_out, d_out), dtype=jnp.float32) * 0.05
    conv2_bias = jnp.zeros((d_out,), dtype=jnp.float32)
    return {"x": x, "edge_index": edge_index,
            "conv1_weight": conv1_weight, "conv1_bias": conv1_bias,
            "conv2_weight": conv2_weight, "conv2_bias": conv2_bias}


def reference(x, edge_index, conv1_weight, conv1_bias, conv2_weight, conv2_bias):
    # MetaEncoder.forward: relu(conv1(x)) -> conv2
    h = jax.nn.relu(gcn_conv(x, edge_index, conv1_weight, conv1_bias))
    return gcn_conv(h, edge_index, conv2_weight, conv2_bias)

if __name__ == "__main__":
    import jax
    _d = setup_inputs()
    print(jax.jit(kernel)(*tuple(_d.values())))

</pallas_src>

<mosaic_0001>
#map = affine_map<(d0, d1) -> (0, 0)>
#map1 = affine_map<(d0, d1) -> (0, 0, 0, 0, 0)>
#map2 = affine_map<(d0, d1) -> (0, 0, 0)>
module attributes {stable_mosaic.version = 14 : i64} {
  func.func @_sc_scatter(%arg0: i32, %arg1: i32, %arg2: memref<10240x128xf32, #tpu.memory_space<hbm>>, %arg3: memref<2x16x2x40x128xi32, #tpu.memory_space<hbm>>, %arg4: memref<2x16x2x40x128xi32, #tpu.memory_space<hbm>>, %arg5: memref<2x10240x128xf32, #tpu.memory_space<hbm>>, %arg6: memref<40x128xi32, #tpu.memory_space<vmem>>, %arg7: memref<40x128xi32, #tpu.memory_space<vmem>>, %arg8: memref<128x128xf32, #tpu.memory_space<vmem>>, %arg9: memref<128x128xf32, #tpu.memory_space<vmem>>, %arg10: memref<10240x128xf32, #tpu.memory_space<vmem_shared>>, %arg11: memref<!tpu.dma_semaphore, #tpu.memory_space<semaphore_mem>>, %arg12: memref<!tpu.dma_semaphore, #tpu.memory_space<semaphore_mem>>) attributes {dimension_semantics = [#tpu.dimension_semantics<core_parallel>, #tpu.dimension_semantics<subcore_parallel>], iteration_bounds = array<i64: 2, 16>, scalar_prefetch = 0 : i64, scratch_operands = 7 : i64, tpu.core_type = #tpu.core_type<sc_vector_subcore>, window_params = [{transform_indices = #map}, {transform_indices = #map1}, {transform_indices = #map1}, {transform_indices = #map2}]} {
    %broadcast_in_dim3A = arith.constant 0.000000e+00 : f32
    %broadcast_in_dim3A_0 = vector.broadcast %broadcast_in_dim3A : f32 to vector<16xf32>
    %scan3A = arith.constant 0 : i32
    %scan3A_1 = arith.constant 0 : i32
    %scan3A_2 = arith.constant 128 : i32
    %scan3A_3 = arith.addi %scan3A_1, %scan3A_2 : i32
    %scan3A_4 = arith.constant 1 : i32
    %scan3A_5 = scf.for %scan3A_105 = %scan3A_1 to %scan3A_3 step %scan3A_4 iter_args(%scan3A_106 = %scan3A) -> (i32)  : i32 {
      %swap3A = arith.index_cast %scan3A_105 : i32 to index
      %swap3A_107 = arith.constant 0 : index
      %swap3A_108 = tpu.vector_load %arg8[%swap3A, %swap3A_107] {strides = array<i32>} : memref<128x128xf32, #tpu.memory_space<vmem>>, vector<1x16xf32>,
      %swap3A_109 = vector.shape_cast %swap3A_108 : vector<1x16xf32> to vector<16xf32>
      %swap3A_110 = vector.shape_cast %broadcast_in_dim3A_0 : vector<16xf32> to vector<1x16xf32>
      tpu.vector_store %arg8[%swap3A, %swap3A_107], %swap3A_110 {strides = array<i32>} : memref<128x128xf32, #tpu.memory_space<vmem>>, vector<1x16xf32>,
      %swap3A_111 = arith.index_cast %scan3A_105 : i32 to index
      %swap3A_112 = arith.constant 16 : index
      %swap3A_113 = tpu.vector_load %arg8[%swap3A_111, %swap3A_112] {strides = array<i32>} : memref<128x128xf32, #tpu.memory_space<vmem>>, vector<1x16xf32>,
      %swap3A_114 = vector.shape_cast %swap3A_113 : vector<1x16xf32> to vector<16xf32>
      %swap3A_115 = vector.shape_cast %broadcast_in_dim3A_0 : vector<16xf32> to vector<1x16xf32>
      tpu.vector_store %arg8[%swap3A_111, %swap3A_112], %swap3A_115 {strides = array<i32>} : memref<128x128xf32, #tpu.memory_space<vmem>>, vector<1x16xf32>,
      %swap3A_116 = arith.index_cast %scan3A_105 : i32 to index
      %swap3A_117 = arith.constant 32 : index
      %swap3A_118 = tpu.vector_load %arg8[%swap3A_116, %swap3A_117] {strides = array<i32>} : memref<128x128xf32, #tpu.memory_space<vmem>>, vector<1x16xf32>,
      %swap3A_119 = vector.shape_cast %swap3A_118 : vector<1x16xf32> to vector<16xf32>
      %swap3A_120 = vector.shape_cast %broadcast_in_dim3A_0 : vector<16xf32> to vector<1x16xf32>
      tpu.vector_store %arg8[%swap3A_116, %swap3A_117], %swap3A_120 {strides = array<i32>} : memref<128x128xf32, #tpu.memory_space<vmem>>, vector<1x16xf32>,
      %swap3A_121 = arith.index_cast %scan3A_105 : i32 to index
      %swap3A_122 = arith.constant 48 : index
      %swap3A_123 = tpu.vector_load %arg8[%swap3A_121, %swap3A_122] {strides = array<i32>} : memref<128x128xf32, #tpu.memory_space<vmem>>, vector<1x16xf32>,
      %swap3A_124 = vector.shape_cast %swap3A_123 : vector<1x16xf32> to vector<16xf32>
      %swap3A_125 = vector.shape_cast %broadcast_in_dim3A_0 : vector<16xf32> to vector<1x16xf32>
      tpu.vector_store %arg8[%swap3A_121, %swap3A_122], %swap3A_125 {strides = array<i32>} : memref<128x128xf32, #tpu.memory_space<vmem>>, vector<1x16xf32>,
      %swap3A_126 = arith.index_cast %scan3A_105 : i32 to index
      %swap3A_127 = arith.constant 64 : index
      %swap3A_128 = tpu.vector_load %arg8[%swap3A_126, %swap3A_127] {strides = array<i32>} : memref<128x128xf32, #tpu.memory_space<vmem>>, vector<1x16xf32>,
      %swap3A_129 = vector.shape_cast %swap3A_128 : vector<1x16xf32> to vector<16xf32>
      %swap3A_130 = vector.shape_cast %broadcast_in_dim3A_0 : vector<16xf32> to vector<1x16xf32>
      tpu.vector_store %arg8[%swap3A_126, %swap3A_127], %swap3A_130 {strides = array<i32>} : memref<128x128xf32, #tpu.memory_space<vmem>>, vector<1x16xf32>,
      %swap3A_131 = arith.index_cast %scan3A_105 : i32 to index
      %swap3A_132 = arith.constant 80 : index
      %swap3A_133 = tpu.vector_load %arg8[%swap3A_131, %swap3A_132] {strides = array<i32>} : memref<128x128xf32, #tpu.memory_space<vmem>>, vector<1x16xf32>,
      %swap3A_134 = vector.shape_cast %swap3A_133 : vector<1x16xf32> to vector<16xf32>
      %swap3A_135 = vector.shape_cast %broadcast_in_dim3A_0 : vector<16xf32> to vector<1x16xf32>
      tpu.vector_store %arg8[%swap3A_131, %swap3A_132], %swap3A_135 {strides = array<i32>} : memref<128x128xf32, #tpu.memory_space<vmem>>, vector<1x16xf32>,
      %swap3A_136 = arith.index_cast %scan3A_105 : i32 to index
      %swap3A_137 = arith.constant 96 : index
      %swap3A_138 = tpu.vector_load %arg8[%swap3A_136, %swap3A_137] {strides = array<i32>} : memref<128x128xf32, #tpu.memory_space<vmem>>, vector<1x16xf32>,
      %swap3A_139 = vector.shape_cast %swap3A_138 : vector<1x16xf32> to vector<16xf32>
      %swap3A_140 = vector.shape_cast %broadcast_in_dim3A_0 : vector<16xf32> to vector<1x16xf32>
      tpu.vector_store %arg8[%swap3A_136, %swap3A_137], %swap3A_140 {strides = array<i32>} : memref<128x128xf32, #tpu.memory_space<vmem>>, vector<1x16xf32>,
      %swap3A_141 = arith.index_cast %scan3A_105 : i32 to index
      %swap3A_142 = arith.constant 112 : index
      %swap3A_143 = tpu.vector_load %arg8[%swap3A_141, %swap3A_142] {strides = array<i32>} : memref<128x128xf32, #tpu.memory_space<vmem>>, vector<1x16xf32>,
      %swap3A_144 = vector.shape_cast %swap3A_143 : vector<1x16xf32> to vector<16xf32>
      %swap3A_145 = vector.shape_cast %broadcast_in_dim3A_0 : vector<16xf32> to vector<1x16xf32>
      tpu.vector_store %arg8[%swap3A_141, %swap3A_142], %swap3A_145 {strides = array<i32>} : memref<128x128xf32, #tpu.memory_space<vmem>>, vector<1x16xf32>,
      %scan3A_146 = arith.constant 0 : i32
      scf.yield %scan3A_146 : i32
    }
    %scan3A_6 = arith.constant 128 : i32
    %mul3A = arith.constant 640 : i32
    %mul3A_7 = arith.muli %arg1, %mul3A : i32
    %add3A = arith.constant 0 : i32
    %add3A_8 = arith.addi %mul3A_7, %add3A : i32
    "tpu.region"() ({
      %run_scoped3A_105 = tpu.sem_alloc : memref<!tpu.dma_semaphore, #tpu.memory_space<semaphore_mem>>
      %dma_start3A_106 = arith.constant 0 : i32
      %dma_start3A_107 = tpu.memref_slice %arg10[%add3A_8, %dma_start3A_106] : memref<10240x128xf32, #tpu.memory_space<vmem_shared>> -> memref<128x128xf32, #tpu.memory_space<vmem_shared>>
      %dma_start3A_108 = arith.constant 0 : i32
      %dma_start3A_109 = tpu.memref_slice %arg10[%add3A_8, %dma_start3A_108] : memref<10240x128xf32, #tpu.memory_space<vmem_shared>> -> memref<128x128xf32, #tpu.memory_space<vmem_shared>>
      tpu.enqueue_dma source(%arg8 : memref<128x128xf32, #tpu.memory_space<vmem>>) target(%dma_start3A_109 : memref<128x128xf32, #tpu.memory_space<vmem_shared>>) target_semaphore(%run_scoped3A_105 : memref<!tpu.dma_semaphore, #tpu.memory_space<semaphore_mem>>)
      %dma_wait3A_110 = arith.constant 0 : i32
      %dma_wait3A_111 = tpu.memref_slice %arg10[%add3A_8, %dma_wait3A_110] : memref<10240x128xf32, #tpu.memory_space<vmem_shared>> -> memref<128x128xf32, #tpu.memory_space<vmem_shared>>
      %dma_wait3A_112 = arith.constant 0 : i32
      %dma_wait3A_113 = tpu.memref_slice %arg10[%add3A_8, %dma_wait3A_112] : memref<10240x128xf32, #tpu.memory_space<vmem_shared>> -> memref<128x128xf32, #tpu.memory_space<vmem_shared>>
      tpu.wait_dma2 semaphore(%run_scoped3A_105 : memref<!tpu.dma_semaphore, #tpu.memory_space<semaphore_mem>>) src(%arg8 : memref<128x128xf32, #tpu.memory_space<vmem>>) dst(%dma_wait3A_113 : memref<128x128xf32, #tpu.memory_space<vmem_shared>>)
      tpu.yield
    }) : () -> ()
    %mul3A_9 = arith.constant 640 : i32
    %mul3A_10 = arith.muli %arg1, %mul3A_9 : i32
    %add3A_11 = arith.constant 128 : i32
    %add3A_12 = arith.addi %mul3A_10, %add3A_11 : i32
    "tpu.region"() ({
      %run_scoped3A_105 = tpu.sem_alloc : memref<!tpu.dma_semaphore, #tpu.memory_space<semaphore_mem>>
      %dma_start3A_106 = arith.constant 0 : i32
      %dma_start3A_107 = tpu.memref_slice %arg10[%add3A_12, %dma_start3A_106] : memref<10240x128xf32, #tpu.memory_space<vmem_shared>> -> memref<128x128xf32, #tpu.memory_space<vmem_shared>>
      %dma_start3A_108 = arith.constant 0 : i32
      %dma_start3A_109 = tpu.memref_slice %arg10[%add3A_12, %dma_start3A_108] : memref<10240x128xf32, #tpu.memory_space<vmem_shared>> -> memref<128x128xf32, #tpu.memory_space<vmem_shared>>
      tpu.enqueue_dma source(%arg8 : memref<128x128xf32, #tpu.memory_space<vmem>>) target(%dma_start3A_109 : memref<128x128xf32, #tpu.memory_space<vmem_shared>>) target_semaphore(%run_scoped3A_105 : memref<!tpu.dma_semaphore, #tpu.memory_space<semaphore_mem>>)
      %dma_wait3A_110 = arith.constant 0 : i32
      %dma_wait3A_111 = tpu.memref_slice %arg10[%add3A_12, %dma_wait3A_110] : memref<10240x128xf32, #tpu.memory_space<vmem_shared>> -> memref<128x128xf32, #tpu.memory_space<vmem_shared>>
      %dma_wait3A_112 = arith.constant 0 : i32
      %dma_wait3A_113 = tpu.memref_slice %arg10[%add3A_12, %dma_wait3A_112] : memref<10240x128xf32, #tpu.memory_space<vmem_shared>> -> memref<128x128xf32, #tpu.memory_space<vmem_shared>>
      tpu.wait_dma2 semaphore(%run_scoped3A_105 : memref<!tpu.dma_semaphore, #tpu.memory_space<semaphore_mem>>) src(%arg8 : memref<128x128xf32, #tpu.memory_space<vmem>>) dst(%dma_wait3A_113 : memref<128x128xf32, #tpu.memory_space<vmem_shared>>)
      tpu.yield
    }) : () -> ()
    %mul3A_13 = arith.constant 640 : i32
    %mul3A_14 = arith.muli %arg1, %mul3A_13 : i32
    %add3A_15 = arith.constant 256 : i32
    %add3A_16 = arith.addi %mul3A_14, %add3A_15 : i32
    "tpu.region"() ({
      %run_scoped3A_105 = tpu.sem_alloc : memref<!tpu.dma_semaphore, #tpu.memory_space<semaphore_mem>>
      %dma_start3A_106 = arith.constant 0 : i32
      %dma_start3A_107 = tpu.memref_slice %arg10[%add3A_16, %dma_start3A_106] : memref<10240x128xf32, #tpu.memory_space<vmem_shared>> -> memref<128x128xf32, #tpu.memory_space<vmem_shared>>
      %dma_start3A_108 = arith.constant 0 : i32
      %dma_start3A_109 = tpu.memref_slice %arg10[%add3A_16, %dma_start3A_108] : memref<10240x128xf32, #tpu.memory_space<vmem_shared>> -> memref<128x128xf32, #tpu.memory_space<vmem_shared>>
      tpu.enqueue_dma source(%arg8 : memref<128x128xf32, #tpu.memory_space<vmem>>) target(%dma_start3A_109 : memref<128x128xf32, #tpu.memory_space<vmem_shared>>) target_semaphore(%run_scoped3A_105 : memref<!tpu.dma_semaphore, #tpu.memory_space<semaphore_mem>>)
      %dma_wait3A_110 = arith.constant 0 : i32
      %dma_wait3A_111 = tpu.memref_slice %arg10[%add3A_16, %dma_wait3A_110] : memref<10240x128xf32, #tpu.memory_space<vmem_shared>> -> memref<128x128xf32, #tpu.memory_space<vmem_shared>>
      %dma_wait3A_112 = arith.constant 0 : i32
      %dma_wait3A_113 = tpu.memref_slice %arg10[%add3A_16, %dma_wait3A_112] : memref<10240x128xf32, #tpu.memory_space<vmem_shared>> -> memref<128x128xf32, #tpu.memory_space<vmem_shared>>
      tpu.wait_dma2 semaphore(%run_scoped3A_105 : memref<!tpu.dma_semaphore, #tpu.memory_space<semaphore_mem>>) src(%arg8 : memref<128x128xf32, #tpu.memory_space<vmem>>) dst(%dma_wait3A_113 : memref<128x128xf32, #tpu.memory_space<vmem_shared>>)
      tpu.yield
    }) : () -> ()
    %mul3A_17 = arith.constant 640 : i32
    %mul3A_18 = arith.muli %arg1, %mul3A_17 : i32
    %add3A_19 = arith.constant 384 : i32
    %add3A_20 = arith.addi %mul3A_18, %add3A_19 : i32
    "tpu.region"() ({
      %run_scoped3A_105 = tpu.sem_alloc : memref<!tpu.dma_semaphore, #tpu.memory_space<semaphore_mem>>
      %dma_start3A_106 = arith.constant 0 : i32
      %dma_start3A_107 = tpu.memref_slice %arg10[%add3A_20, %dma_start3A_106] : memref<10240x128xf32, #tpu.memory_space<vmem_shared>> -> memref<128x128xf32, #tpu.memory_space<vmem_shared>>
      %dma_start3A_108 = arith.constant 0 : i32
      %dma_start3A_109 = tpu.memref_slice %arg10[%add3A_20, %dma_start3A_108] : memref<10240x128xf32, #tpu.memory_space<vmem_shared>> -> memref<128x128xf32, #tpu.memory_space<vmem_shared>>
      tpu.enqueue_dma source(%arg8 : memref<128x128xf32, #tpu.memory_space<vmem>>) target(%dma_start3A_109 : memref<128x128xf32, #tpu.memory_space<vmem_shared>>) target_semaphore(%run_scoped3A_105 : memref<!tpu.dma_semaphore, #tpu.memory_space<semaphore_mem>>)
      %dma_wait3A_110 = arith.constant 0 : i32
      %dma_wait3A_111 = tpu.memref_slice %arg10[%add3A_20, %dma_wait3A_110] : memref<10240x128xf32, #tpu.memory_space<vmem_shared>> -> memref<128x128xf32, #tpu.memory_space<vmem_shared>>
      %dma_wait3A_112 = arith.constant 0 : i32
      %dma_wait3A_113 = tpu.memref_slice %arg10[%add3A_20, %dma_wait3A_112] : memref<10240x128xf32, #tpu.memory_space<vmem_shared>> -> memref<128x128xf32, #tpu.memory_space<vmem_shared>>
      tpu.wait_dma2 semaphore(%run_scoped3A_105 : memref<!tpu.dma_semaphore, #tpu.memory_space<semaphore_mem>>) src(%arg8 : memref<128x128xf32, #tpu.memory_space<vmem>>) dst(%dma_wait3A_113 : memref<128x128xf32, #tpu.memory_space<vmem_shared>>)
      tpu.yield
    }) : () -> ()
    %mul3A_21 = arith.constant 640 : i32
    %mul3A_22 = arith.muli %arg1, %mul3A_21 : i32
    %add3A_23 = arith.constant 512 : i32
    %add3A_24 = arith.addi %mul3A_22, %add3A_23 : i32
    "tpu.region"() ({
      %run_scoped3A_105 = tpu.sem_alloc : memref<!tpu.dma_semaphore, #tpu.memory_space<semaphore_mem>>
      %dma_start3A_106 = arith.constant 0 : i32
      %dma_start3A_107 = tpu.memref_slice %arg10[%add3A_24, %dma_start3A_106] : memref<10240x128xf32, #tpu.memory_space<vmem_shared>> -> memref<128x128xf32, #tpu.memory_space<vmem_shared>>
      %dma_start3A_108 = arith.constant 0 : i32
      %dma_start3A_109 = tpu.memref_slice %arg10[%add3A_24, %dma_start3A_108] : memref<10240x128xf32, #tpu.memory_space<vmem_shared>> -> memref<128x128xf32, #tpu.memory_space<vmem_shared>>
      tpu.enqueue_dma source(%arg8 : memref<128x128xf32, #tpu.memory_space<vmem>>) target(%dma_start3A_109 : memref<128x128xf32, #tpu.memory_space<vmem_shared>>) target_semaphore(%run_scoped3A_105 : memref<!tpu.dma_semaphore, #tpu.memory_space<semaphore_mem>>)
      %dma_wait3A_110 = arith.constant 0 : i32
      %dma_wait3A_111 = tpu.memref_slice %arg10[%add3A_24, %dma_wait3A_110] : memref<10240x128xf32, #tpu.memory_space<vmem_shared>> -> memref<128x128xf32, #tpu.memory_space<vmem_shared>>
      %dma_wait3A_112 = arith.constant 0 : i32
      %dma_wait3A_113 = tpu.memref_slice %arg10[%add3A_24, %dma_wait3A_112] : memref<10240x128xf32, #tpu.memory_space<vmem_shared>> -> memref<128x128xf32, #tpu.memory_space<vmem_shared>>
      tpu.wait_dma2 semaphore(%run_scoped3A_105 : memref<!tpu.dma_semaphore, #tpu.memory_space<semaphore_mem>>) src(%arg8 : memref<128x128xf32, #tpu.memory_space<vmem>>) dst(%dma_wait3A_113 : memref<128x128xf32, #tpu.memory_space<vmem_shared>>)
      tpu.yield
    }) : () -> ()
    %barrier3A = arith.constant 0 : index
    tpu.barrier barrier_id(%barrier3A)
    %run_scoped3A = arith.constant 0 : i32
    "tpu.region"() ({
      %run_scoped3A_105 = tpu.sem_alloc : memref<!tpu.dma_semaphore, #tpu.memory_space<semaphore_mem>>
      %dma_start3A_106 = arith.constant 0 : i32
      %dma_start3A_107 = arith.constant 0 : i32
      %dma_start3A_108 = tpu.memref_slice %arg3[%arg0, %arg1, %run_scoped3A, %dma_start3A_106, %dma_start3A_107] : memref<2x16x2x40x128xi32, #tpu.memory_space<hbm>> -> memref<1x1x1x40x128xi32, #tpu.memory_space<hbm>>
      %dma_start3A_109 = tpu.memref_squeeze %dma_start3A_108 : memref<1x1x1x40x128xi32, #tpu.memory_space<hbm>> -> memref<40x128xi32, #tpu.memory_space<hbm>>
      %dma_start3A_110 = arith.constant 0 : i32
      %dma_start3A_111 = arith.constant 0 : i32
      %dma_start3A_112 = tpu.memref_slice %arg3[%arg0, %arg1, %run_scoped3A, %dma_start3A_110, %dma_start3A_111] : memref<2x16x2x40x128xi32, #tpu.memory_space<hbm>> -> memref<1x1x1x40x128xi32, #tpu.memory_space<hbm>>
      %dma_start3A_113 = tpu.memref_squeeze %dma_start3A_112 : memref<1x1x1x40x128xi32, #tpu.memory_space<hbm>> -> memref<40x128xi32, #tpu.memory_space<hbm>>
      tpu.enqueue_dma source(%dma_start3A_113 : memref<40x128xi32, #tpu.memory_space<hbm>>) target(%arg6 : memref<40x128xi32, #tpu.memory_space<vmem>>) target_semaphore(%run_scoped3A_105 : memref<!tpu.dma_semaphore, #tpu.memory_space<semaphore_mem>>)
      %dma_wait3A_114 = arith.constant 0 : i32
      %dma_wait3A_115 = arith.constant 0 : i32
      %dma_wait3A_116 = tpu.memref_slice %arg3[%arg0, %arg1, %run_scoped3A, %dma_wait3A_114, %dma_wait3A_115] : memref<2x16x2x40x128xi32, #tpu.memory_space<hbm>> -> memref<1x1x1x40x128xi32, #tpu.memory_space<hbm>>
      %dma_wait3A_117 = tpu.memref_squeeze %dma_wait3A_116 : memref<1x1x1x40x128xi32, #tpu.memory_space<hbm>> -> memref<40x128xi32, #tpu.memory_space<hbm>>
      %dma_wait3A_118 = arith.constant 0 : i32
      %dma_wait3A_119 = arith.constant 0 : i32
      %dma_wait3A_120 = tpu.memref_slice %arg3[%arg0, %arg1, %run_scoped3A, %dma_wait3A_118, %dma_wait3A_119] : memref<2x16x2x40x128xi32, #tpu.memory_space<hbm>> -> memref<1x1x1x40x128xi32, #tpu.memory_space<hbm>>
      %dma_wait3A_121 = tpu.memref_squeeze %dma_wait3A_120 : memref<1x1x1x40x128xi32, #tpu.memory_space<hbm>> -> memref<40x128xi32, #tpu.memory_space<hbm>>
      tpu.wait_dma2 semaphore(%run_scoped3A_105 : memref<!tpu.dma_semaphore, #tpu.memory_space<semaphore_mem>>) src(%dma_wait3A_121 : memref<40x128xi32, #tpu.memory_space<hbm>>) dst(%arg6 : memref<40x128xi32, #tpu.memory_space<vmem>>)
      tpu.yield
    }) : () -> ()
    %run_scoped3A_25 = arith.constant 0 : i32
    "tpu.region"() ({
      %run_scoped3A_105 = tpu.sem_alloc : memref<!tpu.dma_semaphore, #tpu.memory_space<semaphore_mem>>
      %dma_start3A_106 = arith.constant 0 : i32
      %dma_start3A_107 = arith.constant 0 : i32
      %dma_start3A_108 = tpu.memref_slice %arg4[%arg0, %arg1, %run_scoped3A_25, %dma_start3A_106, %dma_start3A_107] : memref<2x16x2x40x128xi32, #tpu.memory_space<hbm>> -> memref<1x1x1x40x128xi32, #tpu.memory_space<hbm>>
      %dma_start3A_109 = tpu.memref_squeeze %dma_start3A_108 : memref<1x1x1x40x128xi32, #tpu.memory_space<hbm>> -> memref<40x128xi32, #tpu.memory_space<hbm>>
      %dma_start3A_110 = arith.constant 0 : i32
      %dma_start3A_111 = arith.constant 0 : i32
      %dma_start3A_112 = tpu.memref_slice %arg4[%arg0, %arg1, %run_scoped3A_25, %dma_start3A_110, %dma_start3A_111] : memref<2x16x2x40x128xi32, #tpu.memory_space<hbm>> -> memref<1x1x1x40x128xi32, #tpu.memory_space<hbm>>
      %dma_start3A_113 = tpu.memref_squeeze %dma_start3A_112 : memref<1x1x1x40x128xi32, #tpu.memory_space<hbm>> -> memref<40x128xi32, #tpu.memory_space<hbm>>
      tpu.enqueue_dma source(%dma_start3A_113 : memref<40x128xi32, #tpu.memory_space<hbm>>) target(%arg7 : memref<40x128xi32, #tpu.memory_space<vmem>>) target_semaphore(%run_scoped3A_105 : memref<!tpu.dma_semaphore, #tpu.memory_space<semaphore_mem>>)
      %dma_wait3A_114 = arith.constant 0 : i32
      %dma_wait3A_115 = arith.constant 0 : i32
      %dma_wait3A_116 = tpu.memref_slice %arg4[%arg0, %arg1, %run_scoped3A_25, %dma_wait3A_114, %dma_wait3A_115] : memref<2x16x2x40x128xi32, #tpu.memory_space<hbm>> -> memref<1x1x1x40x128xi32, #tpu.memory_space<hbm>>
      %dma_wait3A_117 = tpu.memref_squeeze %dma_wait3A_116 : memref<1x1x1x40x128xi32, #tpu.memory_space<hbm>> -> memref<40x128xi32, #tpu.memory_space<hbm>>
      %dma_wait3A_118 = arith.constant 0 : i32
      %dma_wait3A_119 = arith.constant 0 : i32
      %dma_wait3A_120 = tpu.memref_slice %arg4[%arg0, %arg1, %run_scoped3A_25, %dma_wait3A_118, %dma_wait3A_119] : memref<2x16x2x40x128xi32, #tpu.memory_space<hbm>> -> memref<1x1x1x40x128xi32, #tpu.memory_space<hbm>>
      %dma_wait3A_121 = tpu.memref_squeeze %dma_wait3A_120 : memref<1x1x1x40x128xi32, #tpu.memory_space<hbm>> -> memref<40x128xi32, #tpu.memory_space<hbm>>
      tpu.wait_dma2 semaphore(%run_scoped3A_105 : memref<!tpu.dma_semaphore, #tpu.memory_space<semaphore_mem>>) src(%dma_wait3A_121 : memref<40x128xi32, #tpu.memory_space<hbm>>) dst(%arg7 : memref<40x128xi32, #tpu.memory_space<vmem>>)
      tpu.yield
    }) : () -> ()
    %dma_start3A = arith.constant 0 : i32
    %dma_start3A_26 = arith.constant 0 : i32
    %dma_start3A_27 = tpu.memref_slice %arg6[%dma_start3A, %dma_start3A_26] : memref<40x128xi32, #tpu.memory_space<vmem>> -> memref<1x128xi32, #tpu.memory_space<vmem>>
    %dma_start3A_28 = tpu.memref_squeeze %dma_start3A_27 : memref<1x128xi32, #tpu.memory_space<vmem>> -> memref<128xi32, #tpu.memory_space<vmem>>
    %dma_start3A_29 = arith.constant 0 : i32
    %dma_start3A_30 = arith.constant 0 : i32
    %dma_start3A_31 = tpu.memref_slice %arg2[%dma_start3A_29, %dma_start3A_30] : memref<10240x128xf32, #tpu.memory_space<hbm>> -> memref<10240x128xf32, #tpu.memory_space<hbm>>
    tpu.enqueue_indirect_dma source(%dma_start3A_31 : memref<10240x128xf32, #tpu.memory_space<hbm>>) target(%arg8 : memref<128x128xf32, #tpu.memory_space<vmem>>) offsets(%dma_start3A_28 : memref<128xi32, #tpu.memory_space<vmem>>) semaphore(%arg11 : memref<!tpu.dma_semaphore, #tpu.memory_space<semaphore_mem>>)
    %dma_start3A_32 = arith.constant 1 : i32
    %dma_start3A_33 = arith.constant 0 : i32
    %dma_start3A_34 = tpu.memref_slice %arg6[%dma_start3A_32, %dma_start3A_33] : memref<40x128xi32, #tpu.memory_space<vmem>> -> memref<1x128xi32, #tpu.memory_space<vmem>>
    %dma_start3A_35 = tpu.memref_squeeze %dma_start3A_34 : memref<1x128xi32, #tpu.memory_space<vmem>> -> memref<128xi32, #tpu.memory_space<vmem>>
    %dma_start3A_36 = arith.constant 0 : i32
    %dma_start3A_37 = arith.constant 0 : i32
    %dma_start3A_38 = tpu.memref_slice %arg2[%dma_start3A_36, %dma_start3A_37] : memref<10240x128xf32, #tpu.memory_space<hbm>> -> memref<10240x128xf32, #tpu.memory_space<hbm>>
    tpu.enqueue_indirect_dma source(%dma_start3A_38 : memref<10240x128xf32, #tpu.memory_space<hbm>>) target(%arg9 : memref<128x128xf32, #tpu.memory_space<vmem>>) offsets(%dma_start3A_35 : memref<128xi32, #tpu.memory_space<vmem>>) semaphore(%arg12 : memref<!tpu.dma_semaphore, #tpu.memory_space<semaphore_mem>>)
    %scan3A_39 = arith.constant 0 : i32
    %scan3A_40 = arith.constant 0 : i32
    %scan3A_41 = arith.constant 19 : i32
    %scan3A_42 = arith.addi %scan3A_40, %scan3A_41 : i32
    %scan3A_43 = arith.constant 1 : i32
    %scan3A_44 = scf.for %scan3A_105 = %scan3A_40 to %scan3A_42 step %scan3A_43 iter_args(%scan3A_106 = %scan3A_39) -> (i32)  : i32 {
      %mul3A_107 = arith.constant 2 : i32
      %mul3A_108 = arith.muli %mul3A_107, %scan3A_105 : i32
      %dma_wait3A_109 = arith.constant 0 : i32
      %dma_wait3A_110 = tpu.memref_slice %arg6[%mul3A_108, %dma_wait3A_109] : memref<40x128xi32, #tpu.memory_space<vmem>> -> memref<1x128xi32, #tpu.memory_space<vmem>>
      %dma_wait3A_111 = tpu.memref_squeeze %dma_wait3A_110 : memref<1x128xi32, #tpu.memory_space<vmem>> -> memref<128xi32, #tpu.memory_space<vmem>>
      %dma_wait3A_112 = arith.constant 0 : i32
      %dma_wait3A_113 = arith.constant 0 : i32
      %dma_wait3A_114 = tpu.memref_slice %arg2[%dma_wait3A_112, %dma_wait3A_113] : memref<10240x128xf32, #tpu.memory_space<hbm>> -> memref<10240x128xf32, #tpu.memory_space<hbm>>
      tpu.wait_indirect_dma semaphore(%arg11 : memref<!tpu.dma_semaphore, #tpu.memory_space<semaphore_mem>>) src(%dma_wait3A_114 : memref<10240x128xf32, #tpu.memory_space<hbm>>) dst(%arg8 : memref<128x128xf32, #tpu.memory_space<vmem>>)
      "tpu.region"() ({
        %run_scoped3A_142 = tpu.sem_alloc : memref<!tpu.dma_semaphore, #tpu.memory_space<semaphore_mem>>
        %dma_start3A_143 = arith.constant 0 : i32
        %dma_start3A_144 = tpu.memref_slice %arg7[%mul3A_108, %dma_start3A_143] : memref<40x128xi32, #tpu.memory_space<vmem>> -> memref<1x128xi32, #tpu.memory_space<vmem>>
        %dma_start3A_145 = tpu.memref_squeeze %dma_start3A_144 : memref<1x128xi32, #tpu.memory_space<vmem>> -> memref<128xi32, #tpu.memory_space<vmem>>
        %dma_start3A_146 = arith.constant 0 : i32
        %dma_start3A_147 = arith.constant 0 : i32
        %dma_start3A_148 = tpu.memref_slice %arg10[%dma_start3A_146, %dma_start3A_147] : memref<10240x128xf32, #tpu.memory_space<vmem_shared>> -> memref<10240x128xf32, #tpu.memory_space<vmem_shared>>
        tpu.enqueue_indirect_dma source(%arg8 : memref<128x128xf32, #tpu.memory_space<vmem>>) target(%dma_start3A_148 : memref<10240x128xf32, #tpu.memory_space<vmem_shared>>) offsets(%dma_start3A_145 : memref<128xi32, #tpu.memory_space<vmem>>) semaphore(%run_scoped3A_142 : memref<!tpu.dma_semaphore, #tpu.memory_space<semaphore_mem>>) {add = true}
        %dma_wait3A_149 = arith.constant 0 : i32
        %dma_wait3A_150 = tpu.memref_slice %arg7[%mul3A_108, %dma_wait3A_149] : memref<40x128xi32, #tpu.memory_space<vmem>> -> memref<1x128xi32, #tpu.memory_space<vmem>>
        %dma_wait3A_151 = tpu.memref_squeeze %dma_wait3A_150 : memref<1x128xi32, #tpu.memory_space<vmem>> -> memref<128xi32, #tpu.memory_space<vmem>>
        %dma_wait3A_152 = arith.constant 0 : i32
        %dma_wait3A_153 = arith.constant 0 : i32
        %dma_wait3A_154 = tpu.memref_slice %arg10[%dma_wait3A_152, %dma_wait3A_153] : memref<10240x128xf32, #tpu.memory_space<vmem_shared>> -> memref<10240x128xf32, #tpu.memory_space<vmem_shared>>
        tpu.wait_indirect_dma semaphore(%run_scoped3A_142 : memref<!tpu.dma_semaphore, #tpu.memory_space<semaphore_mem>>) src(%arg8 : memref<128x128xf32, #tpu.memory_space<vmem>>) dst(%dma_wait3A_154 : memref<10240x128xf32, #tpu.memory_space<vmem_shared>>)
        tpu.yield
      }) : () -> ()
      %add3A_115 = arith.constant 2 : i32
      %add3A_116 = arith.addi %mul3A_108, %add3A_115 : i32
      %dma_start3A_117 = arith.constant 0 : i32
      %dma_start3A_118 = tpu.memref_slice %arg6[%add3A_116, %dma_start3A_117] : memref<40x128xi32, #tpu.memory_space<vmem>> -> memref<1x128xi32, #tpu.memory_space<vmem>>
      %dma_start3A_119 = tpu.memref_squeeze %dma_start3A_118 : memref<1x128xi32, #tpu.memory_space<vmem>> -> memref<128xi32, #tpu.memory_space<vmem>>
      %dma_start3A_120 = arith.constant 0 : i32
      %dma_start3A_121 = arith.constant 0 : i32
      %dma_start3A_122 = tpu.memref_slice %arg2[%dma_start3A_120, %dma_start3A_121] : memref<10240x128xf32, #tpu.memory_space<hbm>> -> memref<10240x128xf32, #tpu.memory_space<hbm>>
      tpu.enqueue_indirect_dma source(%dma_start3A_122 : memref<10240x128xf32, #tpu.memory_space<hbm>>) target(%arg8 : memref<128x128xf32, #tpu.memory_space<vmem>>) offsets(%dma_start3A_119 : memref<128xi32, #tpu.memory_space<vmem>>) semaphore(%arg11 : memref<!tpu.dma_semaphore, #tpu.memory_space<semaphore_mem>>)
      %add3A_123 = arith.constant 1 : i32
      %add3A_124 = arith.addi %mul3A_108, %add3A_123 : i32
      %dma_wait3A_125 = arith.constant 0 : i32
      %dma_wait3A_126 = tpu.memref_slice %arg6[%add3A_124, %dma_wait3A_125] : memref<40x128xi32, #tpu.memory_space<vmem>> -> memref<1x128xi32, #tpu.memory_space<vmem>>
      %dma_wait3A_127 = tpu.memref_squeeze %dma_wait3A_126 : memref<1x128xi32, #tpu.memory_space<vmem>> -> memref<128xi32, #tpu.memory_space<vmem>>
      %dma_wait3A_128 = arith.constant 0 : i32
      %dma_wait3A_129 = arith.constant 0 : i32
      %dma_wait3A_130 = tpu.memref_slice %arg2[%dma_wait3A_128, %dma_wait3A_129] : memref<10240x128xf32, #tpu.memory_space<hbm>> -> memref<10240x128xf32, #tpu.memory_space<hbm>>
      tpu.wait_indirect_dma semaphore(%arg12 : memref<!tpu.dma_semaphore, #tpu.memory_space<semaphore_mem>>) src(%dma_wait3A_130 : memref<10240x128xf32, #tpu.memory_space<hbm>>) dst(%arg9 : memref<128x128xf32, #tpu.memory_space<vmem>>)
      %add3A_131 = arith.constant 1 : i32
      %add3A_132 = arith.addi %mul3A_108, %add3A_131 : i32
      "tpu.region"() ({
        %run_scoped3A_142 = tpu.sem_alloc : memref<!tpu.dma_semaphore, #tpu.memory_space<semaphore_mem>>
        %dma_start3A_143 = arith.constant 0 : i32
        %dma_start3A_144 = tpu.memref_slice %arg7[%add3A_132, %dma_start3A_143] : memref<40x128xi32, #tpu.memory_space<vmem>> -> memref<1x128xi32, #tpu.memory_space<vmem>>
        %dma_start3A_145 = tpu.memref_squeeze %dma_start3A_144 : memref<1x128xi32, #tpu.memory_space<vmem>> -> memref<128xi32, #tpu.memory_space<vmem>>
        %dma_start3A_146 = arith.constant 0 : i32
        %dma_start3A_147 = arith.constant 0 : i32
        %dma_start3A_148 = tpu.memref_slice %arg10[%dma_start3A_146, %dma_start3A_147] : memref<10240x128xf32, #tpu.memory_space<vmem_shared>> -> memref<10240x128xf32, #tpu.memory_space<vmem_shared>>
        tpu.enqueue_indirect_dma source(%arg9 : memref<128x128xf32, #tpu.memory_space<vmem>>) target(%dma_start3A_148 : memref<10240x128xf32, #tpu.memory_space<vmem_shared>>) offsets(%dma_start3A_145 : memref<128xi32, #tpu.memory_space<vmem>>) semaphore(%run_scoped3A_142 : memref<!tpu.dma_semaphore, #tpu.memory_space<semaphore_mem>>) {add = true}
        %dma_wait3A_149 = arith.constant 0 : i32
        %dma_wait3A_150 = tpu.memref_slice %arg7[%add3A_132, %dma_wait3A_149] : memref<40x128xi32, #tpu.memory_space<vmem>> -> memref<1x128xi32, #tpu.memory_space<vmem>>
        %dma_wait3A_151 = tpu.memref_squeeze %dma_wait3A_150 : memref<1x128xi32, #tpu.memory_space<vmem>> -> memref<128xi32, #tpu.memory_space<vmem>>
        %dma_wait3A_152 = arith.constant 0 : i32
        %dma_wait3A_153 = arith.constant 0 : i32
        %dma_wait3A_154 = tpu.memref_slice %arg10[%dma_wait3A_152, %dma_wait3A_153] : memref<10240x128xf32, #tpu.memory_space<vmem_shared>> -> memref<10240x128xf32, #tpu.memory_space<vmem_shared>>
        tpu.wait_indirect_dma semaphore(%run_scoped3A_142 : memref<!tpu.dma_semaphore, #tpu.memory_space<semaphore_mem>>) src(%arg9 : memref<128x128xf32, #tpu.memory_space<vmem>>) dst(%dma_wait3A_154 : memref<10240x128xf32, #tpu.memory_space<vmem_shared>>)
        tpu.yield
      }) : () -> ()
      %add3A_133 = arith.constant 3 : i32
      %add3A_134 = arith.addi %mul3A_108, %add3A_133 : i32
      %dma_start3A_135 = arith.constant 0 : i32
      %dma_start3A_136 = tpu.memref_slice %arg6[%add3A_134, %dma_start3A_135] : memref<40x128xi32, #tpu.memory_space<vmem>> -> memref<1x128xi32, #tpu.memory_space<vmem>>
      %dma_start3A_137 = tpu.memref_squeeze %dma_start3A_136 : memref<1x128xi32, #tpu.memory_space<vmem>> -> memref<128xi32, #tpu.memory_space<vmem>>
      %dma_start3A_138 = arith.constant 0 : i32
      %dma_start3A_139 = arith.constant 0 : i32
      %dma_start3A_140 = tpu.memref_slice %arg2[%dma_start3A_138, %dma_start3A_139] : memref<10240x128xf32, #tpu.memory_space<hbm>> -> memref<10240x128xf32, #tpu.memory_space<hbm>>
      tpu.enqueue_indirect_dma source(%dma_start3A_140 : memref<10240x128xf32, #tpu.memory_space<hbm>>) target(%arg9 : memref<128x128xf32, #tpu.memory_space<vmem>>) offsets(%dma_start3A_137 : memref<128xi32, #tpu.memory_space<vmem>>) semaphore(%arg12 : memref<!tpu.dma_semaphore, #tpu.memory_space<semaphore_mem>>)
      %scan3A_141 = arith.constant 0 : i32
      scf.yield %scan3A_141 : i32
    }
    %scan3A_45 = arith.constant 19 : i32
    %dma_wait3A = arith.constant 38 : i32
    %dma_wait3A_46 = arith.constant 0 : i32
    %dma_wait3A_47 = tpu.memref_slice %arg6[%dma_wait3A, %dma_wait3A_46] : memref<40x128xi32, #tpu.memory_space<vmem>> -> memref<1x128xi32, #tpu.memory_space<vmem>>
    %dma_wait3A_48 = tpu.memref_squeeze %dma_wait3A_47 : memref<1x128xi32, #tpu.memory_space<vmem>> -> memref<128xi32, #tpu.memory_space<vmem>>
    %dma_wait3A_49 = arith.constant 0 : i32
    %dma_wait3A_50 = arith.constant 0 : i32
    %dma_wait3A_51 = tpu.memref_slice %arg2[%dma_wait3A_49, %dma_wait3A_50] : memref<10240x128xf32, #tpu.memory_space<hbm>> -> memref<10240x128xf32, #tpu.memory_space<hbm>>
    tpu.wait_indirect_dma semaphore(%arg11 : memref<!tpu.dma_semaphore, #tpu.memory_space<semaphore_mem>>) src(%dma_wait3A_51 : memref<10240x128xf32, #tpu.memory_space<hbm>>) dst(%arg8 : memref<128x128xf32, #tpu.memory_space<vmem>>)
    %run_scoped3A_52 = arith.constant 38 : i32
    "tpu.region"() ({
      %run_scoped3A_105 = tpu.sem_alloc : memref<!tpu.dma_semaphore, #tpu.memory_space<semaphore_mem>>
      %dma_start3A_106 = arith.constant 0 : i32
      %dma_start3A_107 = tpu.memref_slice %arg7[%run_scoped3A_52, %dma_start3A_106] : memref<40x128xi32, #tpu.memory_space<vmem>> -> memref<1x128xi32, #tpu.memory_space<vmem>>
      %dma_start3A_108 = tpu.memref_squeeze %dma_start3A_107 : memref<1x128xi32, #tpu.memory_space<vmem>> -> memref<128xi32, #tpu.memory_space<vmem>>
      %dma_start3A_109 = arith.constant 0 : i32
      %dma_start3A_110 = arith.constant 0 : i32
      %dma_start3A_111 = tpu.memref_slice %arg10[%dma_start3A_109, %dma_start3A_110] : memref<10240x128xf32, #tpu.memory_space<vmem_shared>> -> memref<10240x128xf32, #tpu.memory_space<vmem_shared>>
      tpu.enqueue_indirect_dma source(%arg8 : memref<128x128xf32, #tpu.memory_space<vmem>>) target(%dma_start3A_111 : memref<10240x128xf32, #tpu.memory_space<vmem_shared>>) offsets(%dma_start3A_108 : memref<128xi32, #tpu.memory_space<vmem>>) semaphore(%run_scoped3A_105 : memref<!tpu.dma_semaphore, #tpu.memory_space<semaphore_mem>>) {add = true}
      %dma_wait3A_112 = arith.constant 0 : i32
      %dma_wait3A_113 = tpu.memref_slice %arg7[%run_scoped3A_52, %dma_wait3A_112] : memref<40x128xi32, #tpu.memory_space<vmem>> -> memref<1x128xi32, #tpu.memory_space<vmem>>
      %dma_wait3A_114 = tpu.memref_squeeze %dma_wait3A_113 : memref<1x128xi32, #tpu.memory_space<vmem>> -> memref<128xi32, #tpu.memory_space<vmem>>
      %dma_wait3A_115 = arith.constant 0 : i32
      %dma_wait3A_116 = arith.constant 0 : i32
      %dma_wait3A_117 = tpu.memref_slice %arg10[%dma_wait3A_115, %dma_wait3A_116] : memref<10240x128xf32, #tpu.memory_space<vmem_shared>> -> memref<10240x128xf32, #tpu.memory_space<vmem_shared>>
      tpu.wait_indirect_dma semaphore(%run_scoped3A_105 : memref<!tpu.dma_semaphore, #tpu.memory_space<semaphore_mem>>) src(%arg8 : memref<128x128xf32, #tpu.memory_space<vmem>>) dst(%dma_wait3A_117 : memref<10240x128xf32, #tpu.memory_space<vmem_shared>>)
      tpu.yield
    }) : () -> ()
    %dma_wait3A_53 = arith.constant 39 : i32
    %dma_wait3A_54 = arith.constant 0 : i32
    %dma_wait3A_55 = tpu.memref_slice %arg6[%dma_wait3A_53, %dma_wait3A_54] : memref<40x128xi32, #tpu.memory_space<vmem>> -> memref<1x128xi32, #tpu.memory_space<vmem>>
    %dma_wait3A_56 = tpu.memref_squeeze %dma_wait3A_55 : memref<1x128xi32, #tpu.memory_space<vmem>> -> memref<128xi32, #tpu.memory_space<vmem>>
    %dma_wait3A_57 = arith.constant 0 : i32
    %dma_wait3A_58 = arith.constant 0 : i32
    %dma_wait3A_59 = tpu.memref_slice %arg2[%dma_wait3A_57, %dma_wait3A_58] : memref<10240x128xf32, #tpu.memory_space<hbm>> -> memref<10240x128xf32, #tpu.memory_space<hbm>>
    tpu.wait_indirect_dma semaphore(%arg12 : memref<!tpu.dma_semaphore, #tpu.memory_space<semaphore_mem>>) src(%dma_wait3A_59 : memref<10240x128xf32, #tpu.memory_space<hbm>>) dst(%arg9 : memref<128x128xf32, #tpu.memory_space<vmem>>)
    %run_scoped3A_60 = arith.constant 39 : i32
    "tpu.region"() ({
      %run_scoped3A_105 = tpu.sem_alloc : memref<!tpu.dma_semaphore, #tpu.memory_space<semaphore_mem>>
      %dma_start3A_106 = arith.constant 0 : i32
      %dma_start3A_107 = tpu.memref_slice %arg7[%run_scoped3A_60, %dma_start3A_106] : memref<40x128xi32, #tpu.memory_space<vmem>> -> memref<1x128xi32, #tpu.memory_space<vmem>>
      %dma_start3A_108 = tpu.memref_squeeze %dma_start3A_107 : memref<1x128xi32, #tpu.memory_space<vmem>> -> memref<128xi32, #tpu.memory_space<vmem>>
      %dma_start3A_109 = arith.constant 0 : i32
      %dma_start3A_110 = arith.constant 0 : i32
      %dma_start3A_111 = tpu.memref_slice %arg10[%dma_start3A_109, %dma_start3A_110] : memref<10240x128xf32, #tpu.memory_space<vmem_shared>> -> memref<10240x128xf32, #tpu.memory_space<vmem_shared>>
      tpu.enqueue_indirect_dma source(%arg9 : memref<128x128xf32, #tpu.memory_space<vmem>>) target(%dma_start3A_111 : memref<10240x128xf32, #tpu.memory_space<vmem_shared>>) offsets(%dma_start3A_108 : memref<128xi32, #tpu.memory_space<vmem>>) semaphore(%run_scoped3A_105 : memref<!tpu.dma_semaphore, #tpu.memory_space<semaphore_mem>>) {add = true}
      %dma_wait3A_112 = arith.constant 0 : i32
      %dma_wait3A_113 = tpu.memref_slice %arg7[%run_scoped3A_60, %dma_wait3A_112] : memref<40x128xi32, #tpu.memory_space<vmem>> -> memref<1x128xi32, #tpu.memory_space<vmem>>
      %dma_wait3A_114 = tpu.memref_squeeze %dma_wait3A_113 : memref<1x128xi32, #tpu.memory_space<vmem>> -> memref<128xi32, #tpu.memory_space<vmem>>
      %dma_wait3A_115 = arith.constant 0 : i32
      %dma_wait3A_116 = arith.constant 0 : i32
      %dma_wait3A_117 = tpu.memref_slice %arg10[%dma_wait3A_115, %dma_wait3A_116] : memref<10240x128xf32, #tpu.memory_space<vmem_shared>> -> memref<10240x128xf32, #tpu.memory_space<vmem_shared>>
      tpu.wait_indirect_dma semaphore(%run_scoped3A_105 : memref<!tpu.dma_semaphore, #tpu.memory_space<semaphore_mem>>) src(%arg9 : memref<128x128xf32, #tpu.memory_space<vmem>>) dst(%dma_wait3A_117 : memref<10240x128xf32, #tpu.memory_space<vmem_shared>>)
      tpu.yield
    }) : () -> ()
    %run_scoped3A_61 = arith.constant 1 : i32
    "tpu.region"() ({
      %run_scoped3A_105 = tpu.sem_alloc : memref<!tpu.dma_semaphore, #tpu.memory_space<semaphore_mem>>
      %dma_start3A_106 = arith.constant 0 : i32
      %dma_start3A_107 = arith.constant 0 : i32
      %dma_start3A_108 = tpu.memref_slice %arg3[%arg0, %arg1, %run_scoped3A_61, %dma_start3A_106, %dma_start3A_107] : memref<2x16x2x40x128xi32, #tpu.memory_space<hbm>> -> memref<1x1x1x40x128xi32, #tpu.memory_space<hbm>>
      %dma_start3A_109 = tpu.memref_squeeze %dma_start3A_108 : memref<1x1x1x40x128xi32, #tpu.memory_space<hbm>> -> memref<40x128xi32, #tpu.memory_space<hbm>>
      %dma_start3A_110 = arith.constant 0 : i32
      %dma_start3A_111 = arith.constant 0 : i32
      %dma_start3A_112 = tpu.memref_slice %arg3[%arg0, %arg1, %run_scoped3A_61, %dma_start3A_110, %dma_start3A_111] : memref<2x16x2x40x128xi32, #tpu.memory_space<hbm>> -> memref<1x1x1x40x128xi32, #tpu.memory_space<hbm>>
      %dma_start3A_113 = tpu.memref_squeeze %dma_start3A_112 : memref<1x1x1x40x128xi32, #tpu.memory_space<hbm>> -> memref<40x128xi32, #tpu.memory_space<hbm>>
      tpu.enqueue_dma source(%dma_start3A_113 : memref<40x128xi32, #tpu.memory_space<hbm>>) target(%arg6 : memref<40x128xi32, #tpu.memory_space<vmem>>) target_semaphore(%run_scoped3A_105 : memref<!tpu.dma_semaphore, #tpu.memory_space<semaphore_mem>>)
      %dma_wait3A_114 = arith.constant 0 : i32
      %dma_wait3A_115 = arith.constant 0 : i32
      %dma_wait3A_116 = tpu.memref_slice %arg3[%arg0, %arg1, %run_scoped3A_61, %dma_wait3A_114, %dma_wait3A_115] : memref<2x16x2x40x128xi32, #tpu.memory_space<hbm>> -> memref<1x1x1x40x128xi32, #tpu.memory_space<hbm>>
      %dma_wait3A_117 = tpu.memref_squeeze %dma_wait3A_116 : memref<1x1x1x40x128xi32, #tpu.memory_space<hbm>> -> memref<40x128xi32, #tpu.memory_space<hbm>>
      %dma_wait3A_118 = arith.constant 0 : i32
      %dma_wait3A_119 = arith.constant 0 : i32
      %dma_wait3A_120 = tpu.memref_slice %arg3[%arg0, %arg1, %run_scoped3A_61, %dma_wait3A_118, %dma_wait3A_119] : memref<2x16x2x40x128xi32, #tpu.memory_space<hbm>> -> memref<1x1x1x40x128xi32, #tpu.memory_space<hbm>>
      %dma_wait3A_121 = tpu.memref_squeeze %dma_wait3A_120 : memref<1x1x1x40x128xi32, #tpu.memory_space<hbm>> -> memref<40x128xi32, #tpu.memory_space<hbm>>
      tpu.wait_dma2 semaphore(%run_scoped3A_105 : memref<!tpu.dma_semaphore, #tpu.memory_space<semaphore_mem>>) src(%dma_wait3A_121 : memref<40x128xi32, #tpu.memory_space<hbm>>) dst(%arg6 : memref<40x128xi32, #tpu.memory_space<vmem>>)
      tpu.yield
    }) : () -> ()
    %run_scoped3A_62 = arith.constant 1 : i32
    "tpu.region"() ({
      %run_scoped3A_105 = tpu.sem_alloc : memref<!tpu.dma_semaphore, #tpu.memory_space<semaphore_mem>>
      %dma_start3A_106 = arith.constant 0 : i32
      %dma_start3A_107 = arith.constant 0 : i32
      %dma_start3A_108 = tpu.memref_slice %arg4[%arg0, %arg1, %run_scoped3A_62, %dma_start3A_106, %dma_start3A_107] : memref<2x16x2x40x128xi32, #tpu.memory_space<hbm>> -> memref<1x1x1x40x128xi32, #tpu.memory_space<hbm>>
      %dma_start3A_109 = tpu.memref_squeeze %dma_start3A_108 : memref<1x1x1x40x128xi32, #tpu.memory_space<hbm>> -> memref<40x128xi32, #tpu.memory_space<hbm>>
      %dma_start3A_110 = arith.constant 0 : i32
      %dma_start3A_111 = arith.constant 0 : i32
      %dma_start3A_112 = tpu.memref_slice %arg4[%arg0, %arg1, %run_scoped3A_62, %dma_start3A_110, %dma_start3A_111] : memref<2x16x2x40x128xi32, #tpu.memory_space<hbm>> -> memref<1x1x1x40x128xi32, #tpu.memory_space<hbm>>
      %dma_start3A_113 = tpu.memref_squeeze %dma_start3A_112 : memref<1x1x1x40x128xi32, #tpu.memory_space<hbm>> -> memref<40x128xi32, #tpu.memory_space<hbm>>
      tpu.enqueue_dma source(%dma_start3A_113 : memref<40x128xi32, #tpu.memory_space<hbm>>) target(%arg7 : memref<40x128xi32, #tpu.memory_space<vmem>>) target_semaphore(%run_scoped3A_105 : memref<!tpu.dma_semaphore, #tpu.memory_space<semaphore_mem>>)
      %dma_wait3A_114 = arith.constant 0 : i32
      %dma_wait3A_115 = arith.constant 0 : i32
      %dma_wait3A_116 = tpu.memref_slice %arg4[%arg0, %arg1, %run_scoped3A_62, %dma_wait3A_114, %dma_wait3A_115] : memref<2x16x2x40x128xi32, #tpu.memory_space<hbm>> -> memref<1x1x1x40x128xi32, #tpu.memory_space<hbm>>
      %dma_wait3A_117 = tpu.memref_squeeze %dma_wait3A_116 : memref<1x1x1x40x128xi32, #tpu.memory_space<hbm>> -> memref<40x128xi32, #tpu.memory_space<hbm>>
      %dma_wait3A_118 = arith.constant 0 : i32
      %dma_wait3A_119 = arith.constant 0 : i32
      %dma_wait3A_120 = tpu.memref_slice %arg4[%arg0, %arg1, %run_scoped3A_62, %dma_wait3A_118, %dma_wait3A_119] : memref<2x16x2x40x128xi32, #tpu.memory_space<hbm>> -> memref<1x1x1x40x128xi32, #tpu.memory_space<hbm>>
      %dma_wait3A_121 = tpu.memref_squeeze %dma_wait3A_120 : memref<1x1x1x40x128xi32, #tpu.memory_space<hbm>> -> memref<40x128xi32, #tpu.memory_space<hbm>>
      tpu.wait_dma2 semaphore(%run_scoped3A_105 : memref<!tpu.dma_semaphore, #tpu.memory_space<semaphore_mem>>) src(%dma_wait3A_121 : memref<40x128xi32, #tpu.memory_space<hbm>>) dst(%arg7 : memref<40x128xi32, #tpu.memory_space<vmem>>)
      tpu.yield
    }) : () -> ()
    %dma_start3A_63 = arith.constant 0 : i32
    %dma_start3A_64 = arith.constant 0 : i32
    %dma_start3A_65 = tpu.memref_slice %arg6[%dma_start3A_63, %dma_start3A_64] : memref<40x128xi32, #tpu.memory_space<vmem>> -> memref<1x128xi32, #tpu.memory_space<vmem>>
    %dma_start3A_66 = tpu.memref_squeeze %dma_start3A_65 : memref<1x128xi32, #tpu.memory_space<vmem>> -> memref<128xi32, #tpu.memory_space<vmem>>
    %dma_start3A_67 = arith.constant 0 : i32
    %dma_start3A_68 = arith.constant 0 : i32
    %dma_start3A_69 = tpu.memref_slice %arg2[%dma_start3A_67, %dma_start3A_68] : memref<10240x128xf32, #tpu.memory_space<hbm>> -> memref<10240x128xf32, #tpu.memory_space<hbm>>
    tpu.enqueue_indirect_dma source(%dma_start3A_69 : memref<10240x128xf32, #tpu.memory_space<hbm>>) target(%arg8 : memref<128x128xf32, #tpu.memory_space<vmem>>) offsets(%dma_start3A_66 : memref<128xi32, #tpu.memory_space<vmem>>) semaphore(%arg11 : memref<!tpu.dma_semaphore, #tpu.memory_space<semaphore_mem>>)
    %dma_start3A_70 = arith.constant 1 : i32
    %dma_start3A_71 = arith.constant 0 : i32
    %dma_start3A_72 = tpu.memref_slice %arg6[%dma_start3A_70, %dma_start3A_71] : memref<40x128xi32, #tpu.memory_space<vmem>> -> memref<1x128xi32, #tpu.memory_space<vmem>>
    %dma_start3A_73 = tpu.memref_squeeze %dma_start3A_72 : memref<1x128xi32, #tpu.memory_space<vmem>> -> memref<128xi32, #tpu.memory_space<vmem>>
    %dma_start3A_74 = arith.constant 0 : i32
    %dma_start3A_75 = arith.constant 0 : i32
    %dma_start3A_76 = tpu.memref_slice %arg2[%dma_start3A_74, %dma_start3A_75] : memref<10240x128xf32, #tpu.memory_space<hbm>> -> memref<10240x128xf32, #tpu.memory_space<hbm>>
    tpu.enqueue_indirect_dma source(%dma_start3A_76 : memref<10240x128xf32, #tpu.memory_space<hbm>>) target(%arg9 : memref<128x128xf32, #tpu.memory_space<vmem>>) offsets(%dma_start3A_73 : memref<128xi32, #tpu.memory_space<vmem>>) semaphore(%arg12 : memref<!tpu.dma_semaphore, #tpu.memory_space<semaphore_mem>>)
    %scan3A_77 = arith.constant 0 : i32
    %scan3A_78 = arith.constant 0 : i32
    %scan3A_79 = arith.constant 19 : i32
    %scan3A_80 = arith.addi %scan3A_78, %scan3A_79 : i32
    %scan3A_81 = arith.constant 1 : i32
    %scan3A_82 = scf.for %scan3A_105 = %scan3A_78 to %scan3A_80 step %scan3A_81 iter_args(%scan3A_106 = %scan3A_77) -> (i32)  : i32 {
      %mul3A_107 = arith.constant 2 : i32
      %mul3A_108 = arith.muli %mul3A_107, %scan3A_105 : i32
      %dma_wait3A_109 = arith.constant 0 : i32
      %dma_wait3A_110 = tpu.memref_slice %arg6[%mul3A_108, %dma_wait3A_109] : memref<40x128xi32, #tpu.memory_space<vmem>> -> memref<1x128xi32, #tpu.memory_space<vmem>>
      %dma_wait3A_111 = tpu.memref_squeeze %dma_wait3A_110 : memref<1x128xi32, #tpu.memory_space<vmem>> -> memref<128xi32, #tpu.memory_space<vmem>>
      %dma_wait3A_112 = arith.constant 0 : i32
      %dma_wait3A_113 = arith.constant 0 : i32
      %dma_wait3A_114 = tpu.memref_slice %arg2[%dma_wait3A_112, %dma_wait3A_113] : memref<10240x128xf32, #tpu.memory_space<hbm>> -> memref<10240x128xf32, #tpu.memory_space<hbm>>
      tpu.wait_indirect_dma semaphore(%arg11 : memref<!tpu.dma_semaphore, #tpu.memory_space<semaphore_mem>>) src(%dma_wait3A_114 : memref<10240x128xf32, #tpu.memory_space<hbm>>) dst(%arg8 : memref<128x128xf32, #tpu.memory_space<vmem>>)
      "tpu.region"() ({
        %run_scoped3A_142 = tpu.sem_alloc : memref<!tpu.dma_semaphore, #tpu.memory_space<semaphore_mem>>
        %dma_start3A_143 = arith.constant 0 : i32
        %dma_start3A_144 = tpu.memref_slice %arg7[%mul3A_108, %dma_start3A_143] : memref<40x128xi32, #tpu.memory_space<vmem>> -> memref<1x128xi32, #tpu.memory_space<vmem>>
        %dma_start3A_145 = tpu.memref_squeeze %dma_start3A_144 : memref<1x128xi32, #tpu.memory_space<vmem>> -> memref<128xi32, #tpu.memory_space<vmem>>
        %dma_start3A_146 = arith.constant 0 : i32
        %dma_start3A_147 = arith.constant 0 : i32
        %dma_start3A_148 = tpu.memref_slice %arg10[%dma_start3A_146, %dma_start3A_147] : memref<10240x128xf32, #tpu.memory_space<vmem_shared>> -> memref<10240x128xf32, #tpu.memory_space<vmem_shared>>
        tpu.enqueue_indirect_dma source(%arg8 : memref<128x128xf32, #tpu.memory_space<vmem>>) target(%dma_start3A_148 : memref<10240x128xf32, #tpu.memory_space<vmem_shared>>) offsets(%dma_start3A_145 : memref<128xi32, #tpu.memory_space<vmem>>) semaphore(%run_scoped3A_142 : memref<!tpu.dma_semaphore, #tpu.memory_space<semaphore_mem>>) {add = true}
        %dma_wait3A_149 = arith.constant 0 : i32
        %dma_wait3A_150 = tpu.memref_slice %arg7[%mul3A_108, %dma_wait3A_149] : memref<40x128xi32, #tpu.memory_space<vmem>> -> memref<1x128xi32, #tpu.memory_space<vmem>>
        %dma_wait3A_151 = tpu.memref_squeeze %dma_wait3A_150 : memref<1x128xi32, #tpu.memory_space<vmem>> -> memref<128xi32, #tpu.memory_space<vmem>>
        %dma_wait3A_152 = arith.constant 0 : i32
        %dma_wait3A_153 = arith.constant 0 : i32
        %dma_wait3A_154 = tpu.memref_slice %arg10[%dma_wait3A_152, %dma_wait3A_153] : memref<10240x128xf32, #tpu.memory_space<vmem_shared>> -> memref<10240x128xf32, #tpu.memory_space<vmem_shared>>
        tpu.wait_indirect_dma semaphore(%run_scoped3A_142 : memref<!tpu.dma_semaphore, #tpu.memory_space<semaphore_mem>>) src(%arg8 : memref<128x128xf32, #tpu.memory_space<vmem>>) dst(%dma_wait3A_154 : memref<10240x128xf32, #tpu.memory_space<vmem_shared>>)
        tpu.yield
      }) : () -> ()
      %add3A_115 = arith.constant 2 : i32
      %add3A_116 = arith.addi %mul3A_108, %add3A_115 : i32
      %dma_start3A_117 = arith.constant 0 : i32
      %dma_start3A_118 = tpu.memref_slice %arg6[%add3A_116, %dma_start3A_117] : memref<40x128xi32, #tpu.memory_space<vmem>> -> memref<1x128xi32, #tpu.memory_space<vmem>>
      %dma_start3A_119 = tpu.memref_squeeze %dma_start3A_118 : memref<1x128xi32, #tpu.memory_space<vmem>> -> memref<128xi32, #tpu.memory_space<vmem>>
      %dma_start3A_120 = arith.constant 0 : i32
      %dma_start3A_121 = arith.constant 0 : i32
      %dma_start3A_122 = tpu.memref_slice %arg2[%dma_start3A_120, %dma_start3A_121] : memref<10240x128xf32, #tpu.memory_space<hbm>> -> memref<10240x128xf32, #tpu.memory_space<hbm>>
      tpu.enqueue_indirect_dma source(%dma_start3A_122 : memref<10240x128xf32, #tpu.memory_space<hbm>>) target(%arg8 : memref<128x128xf32, #tpu.memory_space<vmem>>) offsets(%dma_start3A_119 : memref<128xi32, #tpu.memory_space<vmem>>) semaphore(%arg11 : memref<!tpu.dma_semaphore, #tpu.memory_space<semaphore_mem>>)
      %add3A_123 = arith.constant 1 : i32
      %add3A_124 = arith.addi %mul3A_108, %add3A_123 : i32
      %dma_wait3A_125 = arith.constant 0 : i32
      %dma_wait3A_126 = tpu.memref_slice %arg6[%add3A_124, %dma_wait3A_125] : memref<40x128xi32, #tpu.memory_space<vmem>> -> memref<1x128xi32, #tpu.memory_space<vmem>>
      %dma_wait3A_127 = tpu.memref_squeeze %dma_wait3A_126 : memref<1x128xi32, #tpu.memory_space<vmem>> -> memref<128xi32, #tpu.memory_space<vmem>>
      %dma_wait3A_128 = arith.constant 0 : i32
      %dma_wait3A_129 = arith.constant 0 : i32
      %dma_wait3A_130 = tpu.memref_slice %arg2[%dma_wait3A_128, %dma_wait3A_129] : memref<10240x128xf32, #tpu.memory_space<hbm>> -> memref<10240x128xf32, #tpu.memory_space<hbm>>
      tpu.wait_indirect_dma semaphore(%arg12 : memref<!tpu.dma_semaphore, #tpu.memory_space<semaphore_mem>>) src(%dma_wait3A_130 : memref<10240x128xf32, #tpu.memory_space<hbm>>) dst(%arg9 : memref<128x128xf32, #tpu.memory_space<vmem>>)
      %add3A_131 = arith.constant 1 : i32
      %add3A_132 = arith.addi %mul3A_108, %add3A_131 : i32
      "tpu.region"() ({
        %run_scoped3A_142 = tpu.sem_alloc : memref<!tpu.dma_semaphore, #tpu.memory_space<semaphore_mem>>
        %dma_start3A_143 = arith.constant 0 : i32
        %dma_start3A_144 = tpu.memref_slice %arg7[%add3A_132, %dma_start3A_143] : memref<40x128xi32, #tpu.memory_space<vmem>> -> memref<1x128xi32, #tpu.memory_space<vmem>>
        %dma_start3A_145 = tpu.memref_squeeze %dma_start3A_144 : memref<1x128xi32, #tpu.memory_space<vmem>> -> memref<128xi32, #tpu.memory_space<vmem>>
        %dma_start3A_146 = arith.constant 0 : i32
        %dma_start3A_147 = arith.constant 0 : i32
        %dma_start3A_148 = tpu.memref_slice %arg10[%dma_start3A_146, %dma_start3A_147] : memref<10240x128xf32, #tpu.memory_space<vmem_shared>> -> memref<10240x128xf32, #tpu.memory_space<vmem_shared>>
        tpu.enqueue_indirect_dma source(%arg9 : memref<128x128xf32, #tpu.memory_space<vmem>>) target(%dma_start3A_148 : memref<10240x128xf32, #tpu.memory_space<vmem_shared>>) offsets(%dma_start3A_145 : memref<128xi32, #tpu.memory_space<vmem>>) semaphore(%run_scoped3A_142 : memref<!tpu.dma_semaphore, #tpu.memory_space<semaphore_mem>>) {add = true}
        %dma_wait3A_149 = arith.constant 0 : i32
        %dma_wait3A_150 = tpu.memref_slice %arg7[%add3A_132, %dma_wait3A_149] : memref<40x128xi32, #tpu.memory_space<vmem>> -> memref<1x128xi32, #tpu.memory_space<vmem>>
        %dma_wait3A_151 = tpu.memref_squeeze %dma_wait3A_150 : memref<1x128xi32, #tpu.memory_space<vmem>> -> memref<128xi32, #tpu.memory_space<vmem>>
        %dma_wait3A_152 = arith.constant 0 : i32
        %dma_wait3A_153 = arith.constant 0 : i32
        %dma_wait3A_154 = tpu.memref_slice %arg10[%dma_wait3A_152, %dma_wait3A_153] : memref<10240x128xf32, #tpu.memory_space<vmem_shared>> -> memref<10240x128xf32, #tpu.memory_space<vmem_shared>>
        tpu.wait_indirect_dma semaphore(%run_scoped3A_142 : memref<!tpu.dma_semaphore, #tpu.memory_space<semaphore_mem>>) src(%arg9 : memref<128x128xf32, #tpu.memory_space<vmem>>) dst(%dma_wait3A_154 : memref<10240x128xf32, #tpu.memory_space<vmem_shared>>)
        tpu.yield
      }) : () -> ()
      %add3A_133 = arith.constant 3 : i32
      %add3A_134 = arith.addi %mul3A_108, %add3A_133 : i32
      %dma_start3A_135 = arith.constant 0 : i32
      %dma_start3A_136 = tpu.memref_slice %arg6[%add3A_134, %dma_start3A_135] : memref<40x128xi32, #tpu.memory_space<vmem>> -> memref<1x128xi32, #tpu.memory_space<vmem>>
      %dma_start3A_137 = tpu.memref_squeeze %dma_start3A_136 : memref<1x128xi32, #tpu.memory_space<vmem>> -> memref<128xi32, #tpu.memory_space<vmem>>
      %dma_start3A_138 = arith.constant 0 : i32
      %dma_start3A_139 = arith.constant 0 : i32
      %dma_start3A_140 = tpu.memref_slice %arg2[%dma_start3A_138, %dma_start3A_139] : memref<10240x128xf32, #tpu.memory_space<hbm>> -> memref<10240x128xf32, #tpu.memory_space<hbm>>
      tpu.enqueue_indirect_dma source(%dma_start3A_140 : memref<10240x128xf32, #tpu.memory_space<hbm>>) target(%arg9 : memref<128x128xf32, #tpu.memory_space<vmem>>) offsets(%dma_start3A_137 : memref<128xi32, #tpu.memory_space<vmem>>) semaphore(%arg12 : memref<!tpu.dma_semaphore, #tpu.memory_space<semaphore_mem>>)
      %scan3A_141 = arith.constant 0 : i32
      scf.yield %scan3A_141 : i32
    }
    %scan3A_83 = arith.constant 19 : i32
    %dma_wait3A_84 = arith.constant 38 : i32
    %dma_wait3A_85 = arith.constant 0 : i32
    %dma_wait3A_86 = tpu.memref_slice %arg6[%dma_wait3A_84, %dma_wait3A_85] : memref<40x128xi32, #tpu.memory_space<vmem>> -> memref<1x128xi32, #tpu.memory_space<vmem>>
    %dma_wait3A_87 = tpu.memref_squeeze %dma_wait3A_86 : memref<1x128xi32, #tpu.memory_space<vmem>> -> memref<128xi32, #tpu.memory_space<vmem>>
    %dma_wait3A_88 = arith.constant 0 : i32
    %dma_wait3A_89 = arith.constant 0 : i32
    %dma_wait3A_90 = tpu.memref_slice %arg2[%dma_wait3A_88, %dma_wait3A_89] : memref<10240x128xf32, #tpu.memory_space<hbm>> -> memref<10240x128xf32, #tpu.memory_space<hbm>>
    tpu.wait_indirect_dma semaphore(%arg11 : memref<!tpu.dma_semaphore, #tpu.memory_space<semaphore_mem>>) src(%dma_wait3A_90 : memref<10240x128xf32, #tpu.memory_space<hbm>>) dst(%arg8 : memref<128x128xf32, #tpu.memory_space<vmem>>)
    %run_scoped3A_91 = arith.constant 38 : i32
    "tpu.region"() ({
      %run_scoped3A_105 = tpu.sem_alloc : memref<!tpu.dma_semaphore, #tpu.memory_space<semaphore_mem>>
      %dma_start3A_106 = arith.constant 0 : i32
      %dma_start3A_107 = tpu.memref_slice %arg7[%run_scoped3A_91, %dma_start3A_106] : memref<40x128xi32, #tpu.memory_space<vmem>> -> memref<1x128xi32, #tpu.memory_space<vmem>>
      %dma_start3A_108 = tpu.memref_squeeze %dma_start3A_107 : memref<1x128xi32, #tpu.memory_space<vmem>> -> memref<128xi32, #tpu.memory_space<vmem>>
      %dma_start3A_109 = arith.constant 0 : i32
      %dma_start3A_110 = arith.constant 0 : i32
      %dma_start3A_111 = tpu.memref_slice %arg10[%dma_start3A_109, %dma_start3A_110] : memref<10240x128xf32, #tpu.memory_space<vmem_shared>> -> memref<10240x128xf32, #tpu.memory_space<vmem_shared>>
      tpu.enqueue_indirect_dma source(%arg8 : memref<128x128xf32, #tpu.memory_space<vmem>>) target(%dma_start3A_111 : memref<10240x128xf32, #tpu.memory_space<vmem_shared>>) offsets(%dma_start3A_108 : memref<128xi32, #tpu.memory_space<vmem>>) semaphore(%run_scoped3A_105 : memref<!tpu.dma_semaphore, #tpu.memory_space<semaphore_mem>>) {add = true}
      %dma_wait3A_112 = arith.constant 0 : i32
      %dma_wait3A_113 = tpu.memref_slice %arg7[%run_scoped3A_91, %dma_wait3A_112] : memref<40x128xi32, #tpu.memory_space<vmem>> -> memref<1x128xi32, #tpu.memory_space<vmem>>
      %dma_wait3A_114 = tpu.memref_squeeze %dma_wait3A_113 : memref<1x128xi32, #tpu.memory_space<vmem>> -> memref<128xi32, #tpu.memory_space<vmem>>
      %dma_wait3A_115 = arith.constant 0 : i32
      %dma_wait3A_116 = arith.constant 0 : i32
      %dma_wait3A_117 = tpu.memref_slice %arg10[%dma_wait3A_115, %dma_wait3A_116] : memref<10240x128xf32, #tpu.memory_space<vmem_shared>> -> memref<10240x128xf32, #tpu.memory_space<vmem_shared>>
      tpu.wait_indirect_dma semaphore(%run_scoped3A_105 : memref<!tpu.dma_semaphore, #tpu.memory_space<semaphore_mem>>) src(%arg8 : memref<128x128xf32, #tpu.memory_space<vmem>>) dst(%dma_wait3A_117 : memref<10240x128xf32, #tpu.memory_space<vmem_shared>>)
      tpu.yield
    }) : () -> ()
    %dma_wait3A_92 = arith.constant 39 : i32
    %dma_wait3A_93 = arith.constant 0 : i32
    %dma_wait3A_94 = tpu.memref_slice %arg6[%dma_wait3A_92, %dma_wait3A_93] : memref<40x128xi32, #tpu.memory_space<vmem>> -> memref<1x128xi32, #tpu.memory_space<vmem>>
    %dma_wait3A_95 = tpu.memref_squeeze %dma_wait3A_94 : memref<1x128xi32, #tpu.memory_space<vmem>> -> memref<128xi32, #tpu.memory_space<vmem>>
    %dma_wait3A_96 = arith.constant 0 : i32
    %dma_wait3A_97 = arith.constant 0 : i32
    %dma_wait3A_98 = tpu.memref_slice %arg2[%dma_wait3A_96, %dma_wait3A_97] : memref<10240x128xf32, #tpu.memory_space<hbm>> -> memref<10240x128xf32, #tpu.memory_space<hbm>>
    tpu.wait_indirect_dma semaphore(%arg12 : memref<!tpu.dma_semaphore, #tpu.memory_space<semaphore_mem>>) src(%dma_wait3A_98 : memref<10240x128xf32, #tpu.memory_space<hbm>>) dst(%arg9 : memref<128x128xf32, #tpu.memory_space<vmem>>)
    %run_scoped3A_99 = arith.constant 39 : i32
    "tpu.region"() ({
      %run_scoped3A_105 = tpu.sem_alloc : memref<!tpu.dma_semaphore, #tpu.memory_space<semaphore_mem>>
      %dma_start3A_106 = arith.constant 0 : i32
      %dma_start3A_107 = tpu.memref_slice %arg7[%run_scoped3A_99, %dma_start3A_106] : memref<40x128xi32, #tpu.memory_space<vmem>> -> memref<1x128xi32, #tpu.memory_space<vmem>>
      %dma_start3A_108 = tpu.memref_squeeze %dma_start3A_107 : memref<1x128xi32, #tpu.memory_space<vmem>> -> memref<128xi32, #tpu.memory_space<vmem>>
      %dma_start3A_109 = arith.constant 0 : i32
      %dma_start3A_110 = arith.constant 0 : i32
      %dma_start3A_111 = tpu.memref_slice %arg10[%dma_start3A_109, %dma_start3A_110] : memref<10240x128xf32, #tpu.memory_space<vmem_shared>> -> memref<10240x128xf32, #tpu.memory_space<vmem_shared>>
      tpu.enqueue_indirect_dma source(%arg9 : memref<128x128xf32, #tpu.memory_space<vmem>>) target(%dma_start3A_111 : memref<10240x128xf32, #tpu.memory_space<vmem_shared>>) offsets(%dma_start3A_108 : memref<128xi32, #tpu.memory_space<vmem>>) semaphore(%run_scoped3A_105 : memref<!tpu.dma_semaphore, #tpu.memory_space<semaphore_mem>>) {add = true}
      %dma_wait3A_112 = arith.constant 0 : i32
      %dma_wait3A_113 = tpu.memref_slice %arg7[%run_scoped3A_99, %dma_wait3A_112] : memref<40x128xi32, #tpu.memory_space<vmem>> -> memref<1x128xi32, #tpu.memory_space<vmem>>
      %dma_wait3A_114 = tpu.memref_squeeze %dma_wait3A_113 : memref<1x128xi32, #tpu.memory_space<vmem>> -> memref<128xi32, #tpu.memory_space<vmem>>
      %dma_wait3A_115 = arith.constant 0 : i32
      %dma_wait3A_116 = arith.constant 0 : i32
      %dma_wait3A_117 = tpu.memref_slice %arg10[%dma_wait3A_115, %dma_wait3A_116] : memref<10240x128xf32, #tpu.memory_space<vmem_shared>> -> memref<10240x128xf32, #tpu.memory_space<vmem_shared>>
      tpu.wait_indirect_dma semaphore(%run_scoped3A_105 : memref<!tpu.dma_semaphore, #tpu.memory_space<semaphore_mem>>) src(%arg9 : memref<128x128xf32, #tpu.memory_space<vmem>>) dst(%dma_wait3A_117 : memref<10240x128xf32, #tpu.memory_space<vmem_shared>>)
      tpu.yield
    }) : () -> ()
    %barrier3A_100 = arith.constant 0 : index
    tpu.barrier barrier_id(%barrier3A_100)
    %mul3A_101 = arith.constant 640 : i32
    %mul3A_102 = arith.muli %arg1, %mul3A_101 : i32
    %mul3A_103 = arith.constant 640 : i32
    %mul3A_104 = arith.muli %arg1, %mul3A_103 : i32
    "tpu.region"() ({
      %run_scoped3A_105 = tpu.sem_alloc : memref<!tpu.dma_semaphore, #tpu.memory_space<semaphore_mem>>
      %dma_start3A_106 = arith.constant 0 : i32
      %dma_start3A_107 = tpu.memref_slice %arg5[%arg0, %mul3A_104, %dma_start3A_106] : memref<2x10240x128xf32, #tpu.memory_space<hbm>> -> memref<1x640x128xf32, #tpu.memory_space<hbm>>
      %dma_start3A_108 = tpu.memref_squeeze %dma_start3A_107 : memref<1x640x128xf32, #tpu.memory_space<hbm>> -> memref<640x128xf32, #tpu.memory_space<hbm>>
      %dma_start3A_109 = arith.constant 0 : i32
      %dma_start3A_110 = tpu.memref_slice %arg10[%mul3A_102, %dma_start3A_109] : memref<10240x128xf32, #tpu.memory_space<vmem_shared>> -> memref<640x128xf32, #tpu.memory_space<vmem_shared>>
      tpu.enqueue_dma source(%dma_start3A_110 : memref<640x128xf32, #tpu.memory_space<vmem_shared>>) target(%dma_start3A_108 : memref<640x128xf32, #tpu.memory_space<hbm>>) target_semaphore(%run_scoped3A_105 : memref<!tpu.dma_semaphore, #tpu.memory_space<semaphore_mem>>)
      %dma_wait3A_111 = arith.constant 0 : i32
      %dma_wait3A_112 = tpu.memref_slice %arg5[%arg0, %mul3A_104, %dma_wait3A_111] : memref<2x10240x128xf32, #tpu.memory_space<hbm>> -> memref<1x640x128xf32, #tpu.memory_space<hbm>>
      %dma_wait3A_113 = tpu.memref_squeeze %dma_wait3A_112 : memref<1x640x128xf32, #tpu.memory_space<hbm>> -> memref<640x128xf32, #tpu.memory_space<hbm>>
      %dma_wait3A_114 = arith.constant 0 : i32
      %dma_wait3A_115 = tpu.memref_slice %arg10[%mul3A_102, %dma_wait3A_114] : memref<10240x128xf32, #tpu.memory_space<vmem_shared>> -> memref<640x128xf32, #tpu.memory_space<vmem_shared>>
      tpu.wait_dma2 semaphore(%run_scoped3A_105 : memref<!tpu.dma_semaphore, #tpu.memory_space<semaphore_mem>>) src(%dma_wait3A_115 : memref<640x128xf32, #tpu.memory_space<vmem_shared>>) dst(%dma_wait3A_113 : memref<640x128xf32, #tpu.memory_space<hbm>>)
      tpu.yield
    }) : () -> ()
    return
  }
}

#map = affine_map<(d0, d1) -> (0, 0, 0, 0)>
#map1 = affine_map<(d0, d1) -> (0, 0, 0)>
module attributes {stable_mosaic.version = 14 : i64} {
  func.func @_sc_degree(%arg0: i32, %arg1: i32, %arg2: memref<2x16x80x128xi32, #tpu.memory_space<hbm>>, %arg3: memref<2x10240x128xf32, #tpu.memory_space<hbm>>, %arg4: memref<80x128xi32, #tpu.memory_space<vmem>>, %arg5: memref<128x128xf32, #tpu.memory_space<vmem>>, %arg6: memref<128x128xf32, #tpu.memory_space<vmem>>, %arg7: memref<10240x128xf32, #tpu.memory_space<vmem_shared>>, %arg8: memref<!tpu.dma_semaphore, #tpu.memory_space<semaphore_mem>>) attributes {dimension_semantics = [#tpu.dimension_semantics<core_parallel>, #tpu.dimension_semantics<subcore_parallel>], iteration_bounds = array<i64: 2, 16>, scalar_prefetch = 0 : i64, scratch_operands = 5 : i64, tpu.core_type = #tpu.core_type<sc_vector_subcore>, window_params = [{transform_indices = #map}, {transform_indices = #map1}]} {
    %broadcast_in_dim3A = arith.constant 1.000000e+00 : f32
    %broadcast_in_dim3A_0 = vector.broadcast %broadcast_in_dim3A : f32 to vector<16xf32>
    %broadcast_in_dim3A_1 = arith.constant 0.000000e+00 : f32
    %broadcast_in_dim3A_2 = vector.broadcast %broadcast_in_dim3A_1 : f32 to vector<16xf32>
    %scan3A = arith.constant 0 : i32
    %scan3A_3 = arith.constant 0 : i32
    %scan3A_4 = arith.constant 128 : i32
    %scan3A_5 = arith.addi %scan3A_3, %scan3A_4 : i32
    %scan3A_6 = arith.constant 1 : i32
    %scan3A_7 = scf.for %scan3A_46 = %scan3A_3 to %scan3A_5 step %scan3A_6 iter_args(%scan3A_47 = %scan3A) -> (i32)  : i32 {
      %swap3A = arith.index_cast %scan3A_46 : i32 to index
      %swap3A_48 = arith.constant 0 : index
      %swap3A_49 = tpu.vector_load %arg5[%swap3A, %swap3A_48] {strides = array<i32>} : memref<128x128xf32, #tpu.memory_space<vmem>>, vector<1x16xf32>,
      %swap3A_50 = vector.shape_cast %swap3A_49 : vector<1x16xf32> to vector<16xf32>
      %swap3A_51 = vector.shape_cast %broadcast_in_dim3A_0 : vector<16xf32> to vector<1x16xf32>
      tpu.vector_store %arg5[%swap3A, %swap3A_48], %swap3A_51 {strides = array<i32>} : memref<128x128xf32, #tpu.memory_space<vmem>>, vector<1x16xf32>,
      %swap3A_52 = arith.index_cast %scan3A_46 : i32 to index
      %swap3A_53 = arith.constant 0 : index
      %swap3A_54 = tpu.vector_load %arg6[%swap3A_52, %swap3A_53] {strides = array<i32>} : memref<128x128xf32, #tpu.memory_space<vmem>>, vector<1x16xf32>,
      %swap3A_55 = vector.shape_cast %swap3A_54 : vector<1x16xf32> to vector<16xf32>
      %swap3A_56 = vector.shape_cast %broadcast_in_dim3A_2 : vector<16xf32> to vector<1x16xf32>
      tpu.vector_store %arg6[%swap3A_52, %swap3A_53], %swap3A_56 {strides = array<i32>} : memref<128x128xf32, #tpu.memory_space<vmem>>, vector<1x16xf32>,
      %swap3A_57 = arith.index_cast %scan3A_46 : i32 to index
      %swap3A_58 = arith.constant 16 : index
      %swap3A_59 = tpu.vector_load %arg5[%swap3A_57, %swap3A_58] {strides = array<i32>} : memref<128x128xf32, #tpu.memory_space<vmem>>, vector<1x16xf32>,
      %swap3A_60 = vector.shape_cast %swap3A_59 : vector<1x16xf32> to vector<16xf32>
      %swap3A_61 = vector.shape_cast %broadcast_in_dim3A_0 : vector<16xf32> to vector<1x16xf32>
      tpu.vector_store %arg5[%swap3A_57, %swap3A_58], %swap3A_61 {strides = array<i32>} : memref<128x128xf32, #tpu.memory_space<vmem>>, vector<1x16xf32>,
      %swap3A_62 = arith.index_cast %scan3A_46 : i32 to index
      %swap3A_63 = arith.constant 16 : index
      %swap3A_64 = tpu.vector_load %arg6[%swap3A_62, %swap3A_63] {strides = array<i32>} : memref<128x128xf32, #tpu.memory_space<vmem>>, vector<1x16xf32>,
      %swap3A_65 = vector.shape_cast %swap3A_64 : vector<1x16xf32> to vector<16xf32>
      %swap3A_66 = vector.shape_cast %broadcast_in_dim3A_2 : vector<16xf32> to vector<1x16xf32>
      tpu.vector_store %arg6[%swap3A_62, %swap3A_63], %swap3A_66 {strides = array<i32>} : memref<128x128xf32, #tpu.memory_space<vmem>>, vector<1x16xf32>,
      %swap3A_67 = arith.index_cast %scan3A_46 : i32 to index
      %swap3A_68 = arith.constant 32 : index
      %swap3A_69 = tpu.vector_load %arg5[%swap3A_67, %swap3A_68] {strides = array<i32>} : memref<128x128xf32, #tpu.memory_space<vmem>>, vector<1x16xf32>,
      %swap3A_70 = vector.shape_cast %swap3A_69 : vector<1x16xf32> to vector<16xf32>
      %swap3A_71 = vector.shape_cast %broadcast_in_dim3A_0 : vector<16xf32> to vector<1x16xf32>
      tpu.vector_store %arg5[%swap3A_67, %swap3A_68], %swap3A_71 {strides = array<i32>} : memref<128x128xf32, #tpu.memory_space<vmem>>, vector<1x16xf32>,
      %swap3A_72 = arith.index_cast %scan3A_46 : i32 to index
      %swap3A_73 = arith.constant 32 : index
      %swap3A_74 = tpu.vector_load %arg6[%swap3A_72, %swap3A_73] {strides = array<i32>} : memref<128x128xf32, #tpu.memory_space<vmem>>, vector<1x16xf32>,
      %swap3A_75 = vector.shape_cast %swap3A_74 : vector<1x16xf32> to vector<16xf32>
      %swap3A_76 = vector.shape_cast %broadcast_in_dim3A_2 : vector<16xf32> to vector<1x16xf32>
      tpu.vector_store %arg6[%swap3A_72, %swap3A_73], %swap3A_76 {strides = array<i32>} : memref<128x128xf32, #tpu.memory_space<vmem>>, vector<1x16xf32>,
      %swap3A_77 = arith.index_cast %scan3A_46 : i32 to index
      %swap3A_78 = arith.constant 48 : index
      %swap3A_79 = tpu.vector_load %arg5[%swap3A_77, %swap3A_78] {strides = array<i32>} : memref<128x128xf32, #tpu.memory_space<vmem>>, vector<1x16xf32>,
      %swap3A_80 = vector.shape_cast %swap3A_79 : vector<1x16xf32> to vector<16xf32>
      %swap3A_81 = vector.shape_cast %broadcast_in_dim3A_0 : vector<16xf32> to vector<1x16xf32>
      tpu.vector_store %arg5[%swap3A_77, %swap3A_78], %swap3A_81 {strides = array<i32>} : memref<128x128xf32, #tpu.memory_space<vmem>>, vector<1x16xf32>,
      %swap3A_82 = arith.index_cast %scan3A_46 : i32 to index
      %swap3A_83 = arith.constant 48 : index
      %swap3A_84 = tpu.vector_load %arg6[%swap3A_82, %swap3A_83] {strides = array<i32>} : memref<128x128xf32, #tpu.memory_space<vmem>>, vector<1x16xf32>,
      %swap3A_85 = vector.shape_cast %swap3A_84 : vector<1x16xf32> to vector<16xf32>
      %swap3A_86 = vector.shape_cast %broadcast_in_dim3A_2 : vector<16xf32> to vector<1x16xf32>
      tpu.vector_store %arg6[%swap3A_82, %swap3A_83], %swap3A_86 {strides = array<i32>} : memref<128x128xf32, #tpu.memory_space<vmem>>, vector<1x16xf32>,
      %swap3A_87 = arith.index_cast %scan3A_46 : i32 to index
      %swap3A_88 = arith.constant 64 : index
      %swap3A_89 = tpu.vector_load %arg5[%swap3A_87, %swap3A_88] {strides = array<i32>} : memref<128x128xf32, #tpu.memory_space<vmem>>, vector<1x16xf32>,
      %swap3A_90 = vector.shape_cast %swap3A_89 : vector<1x16xf32> to vector<16xf32>
      %swap3A_91 = vector.shape_cast %broadcast_in_dim3A_0 : vector<16xf32> to vector<1x16xf32>
      tpu.vector_store %arg5[%swap3A_87, %swap3A_88], %swap3A_91 {strides = array<i32>} : memref<128x128xf32, #tpu.memory_space<vmem>>, vector<1x16xf32>,
      %swap3A_92 = arith.index_cast %scan3A_46 : i32 to index
      %swap3A_93 = arith.constant 64 : index
      %swap3A_94 = tpu.vector_load %arg6[%swap3A_92, %swap3A_93] {strides = array<i32>} : memref<128x128xf32, #tpu.memory_space<vmem>>, vector<1x16xf32>,
      %swap3A_95 = vector.shape_cast %swap3A_94 : vector<1x16xf32> to vector<16xf32>
      %swap3A_96 = vector.shape_cast %broadcast_in_dim3A_2 : vector<16xf32> to vector<1x16xf32>
      tpu.vector_store %arg6[%swap3A_92, %swap3A_93], %swap3A_96 {strides = array<i32>} : memref<128x128xf32, #tpu.memory_space<vmem>>, vector<1x16xf32>,
      %swap3A_97 = arith.index_cast %scan3A_46 : i32 to index
      %swap3A_98 = arith.constant 80 : index
      %swap3A_99 = tpu.vector_load %arg5[%swap3A_97, %swap3A_98] {strides = array<i32>} : memref<128x128xf32, #tpu.memory_space<vmem>>, vector<1x16xf32>,
      %swap3A_100 = vector.shape_cast %swap3A_99 : vector<1x16xf32> to vector<16xf32>
      %swap3A_101 = vector.shape_cast %broadcast_in_dim3A_0 : vector<16xf32> to vector<1x16xf32>
      tpu.vector_store %arg5[%swap3A_97, %swap3A_98], %swap3A_101 {strides = array<i32>} : memref<128x128xf32, #tpu.memory_space<vmem>>, vector<1x16xf32>,
      %swap3A_102 = arith.index_cast %scan3A_46 : i32 to index
      %swap3A_103 = arith.constant 80 : index
      %swap3A_104 = tpu.vector_load %arg6[%swap3A_102, %swap3A_103] {strides = array<i32>} : memref<128x128xf32, #tpu.memory_space<vmem>>, vector<1x16xf32>,
      %swap3A_105 = vector.shape_cast %swap3A_104 : vector<1x16xf32> to vector<16xf32>
      %swap3A_106 = vector.shape_cast %broadcast_in_dim3A_2 : vector<16xf32> to vector<1x16xf32>
      tpu.vector_store %arg6[%swap3A_102, %swap3A_103], %swap3A_106 {strides = array<i32>} : memref<128x128xf32, #tpu.memory_space<vmem>>, vector<1x16xf32>,
      %swap3A_107 = arith.index_cast %scan3A_46 : i32 to index
      %swap3A_108 = arith.constant 96 : index
      %swap3A_109 = tpu.vector_load %arg5[%swap3A_107, %swap3A_108] {strides = array<i32>} : memref<128x128xf32, #tpu.memory_space<vmem>>, vector<1x16xf32>,
      %swap3A_110 = vector.shape_cast %swap3A_109 : vector<1x16xf32> to vector<16xf32>
      %swap3A_111 = vector.shape_cast %broadcast_in_dim3A_0 : vector<16xf32> to vector<1x16xf32>
      tpu.vector_store %arg5[%swap3A_107, %swap3A_108], %swap3A_111 {strides = array<i32>} : memref<128x128xf32, #tpu.memory_space<vmem>>, vector<1x16xf32>,
      %swap3A_112 = arith.index_cast %scan3A_46 : i32 to index
      %swap3A_113 = arith.constant 96 : index
      %swap3A_114 = tpu.vector_load %arg6[%swap3A_112, %swap3A_113] {strides = array<i32>} : memref<128x128xf32, #tpu.memory_space<vmem>>, vector<1x16xf32>,
      %swap3A_115 = vector.shape_cast %swap3A_114 : vector<1x16xf32> to vector<16xf32>
      %swap3A_116 = vector.shape_cast %broadcast_in_dim3A_2 : vector<16xf32> to vector<1x16xf32>
      tpu.vector_store %arg6[%swap3A_112, %swap3A_113], %swap3A_116 {strides = array<i32>} : memref<128x128xf32, #tpu.memory_space<vmem>>, vector<1x16xf32>,
      %swap3A_117 = arith.index_cast %scan3A_46 : i32 to index
      %swap3A_118 = arith.constant 112 : index
      %swap3A_119 = tpu.vector_load %arg5[%swap3A_117, %swap3A_118] {strides = array<i32>} : memref<128x128xf32, #tpu.memory_space<vmem>>, vector<1x16xf32>,
      %swap3A_120 = vector.shape_cast %swap3A_119 : vector<1x16xf32> to vector<16xf32>
      %swap3A_121 = vector.shape_cast %broadcast_in_dim3A_0 : vector<16xf32> to vector<1x16xf32>
      tpu.vector_store %arg5[%swap3A_117, %swap3A_118], %swap3A_121 {strides = array<i32>} : memref<128x128xf32, #tpu.memory_space<vmem>>, vector<1x16xf32>,
      %swap3A_122 = arith.index_cast %scan3A_46 : i32 to index
      %swap3A_123 = arith.constant 112 : index
      %swap3A_124 = tpu.vector_load %arg6[%swap3A_122, %swap3A_123] {strides = array<i32>} : memref<128x128xf32, #tpu.memory_space<vmem>>, vector<1x16xf32>,
      %swap3A_125 = vector.shape_cast %swap3A_124 : vector<1x16xf32> to vector<16xf32>
      %swap3A_126 = vector.shape_cast %broadcast_in_dim3A_2 : vector<16xf32> to vector<1x16xf32>
      tpu.vector_store %arg6[%swap3A_122, %swap3A_123], %swap3A_126 {strides = array<i32>} : memref<128x128xf32, #tpu.memory_space<vmem>>, vector<1x16xf32>,
      %scan3A_127 = arith.constant 0 : i32
      scf.yield %scan3A_127 : i32
    }
    %scan3A_8 = arith.constant 128 : i32
    %mul3A = arith.constant 640 : i32
    %mul3A_9 = arith.muli %arg1, %mul3A : i32
    %add3A = arith.constant 0 : i32
    %add3A_10 = arith.addi %mul3A_9, %add3A : i32
    "tpu.region"() ({
      %run_scoped3A = tpu.sem_alloc : memref<!tpu.dma_semaphore, #tpu.memory_space<semaphore_mem>>
      %dma_start3A = arith.constant 0 : i32
      %dma_start3A_46 = tpu.memref_slice %arg7[%add3A_10, %dma_start3A] : memref<10240x128xf32, #tpu.memory_space<vmem_shared>> -> memref<128x128xf32, #tpu.memory_space<vmem_shared>>
      %dma_start3A_47 = arith.constant 0 : i32
      %dma_start3A_48 = tpu.memref_slice %arg7[%add3A_10, %dma_start3A_47] : memref<10240x128xf32, #tpu.memory_space<vmem_shared>> -> memref<128x128xf32, #tpu.memory_space<vmem_shared>>
      tpu.enqueue_dma source(%arg6 : memref<128x128xf32, #tpu.memory_space<vmem>>) target(%dma_start3A_48 : memref<128x128xf32, #tpu.memory_space<vmem_shared>>) target_semaphore(%run_scoped3A : memref<!tpu.dma_semaphore, #tpu.memory_space<semaphore_mem>>)
      %dma_wait3A = arith.constant 0 : i32
      %dma_wait3A_49 = tpu.memref_slice %arg7[%add3A_10, %dma_wait3A] : memref<10240x128xf32, #tpu.memory_space<vmem_shared>> -> memref<128x128xf32, #tpu.memory_space<vmem_shared>>
      %dma_wait3A_50 = arith.constant 0 : i32
      %dma_wait3A_51 = tpu.memref_slice %arg7[%add3A_10, %dma_wait3A_50] : memref<10240x128xf32, #tpu.memory_space<vmem_shared>> -> memref<128x128xf32, #tpu.memory_space<vmem_shared>>
      tpu.wait_dma2 semaphore(%run_scoped3A : memref<!tpu.dma_semaphore, #tpu.memory_space<semaphore_mem>>) src(%arg6 : memref<128x128xf32, #tpu.memory_space<vmem>>) dst(%dma_wait3A_51 : memref<128x128xf32, #tpu.memory_space<vmem_shared>>)
      tpu.yield
    }) : () -> ()
    %mul3A_11 = arith.constant 640 : i32
    %mul3A_12 = arith.muli %arg1, %mul3A_11 : i32
    %add3A_13 = arith.constant 128 : i32
    %add3A_14 = arith.addi %mul3A_12, %add3A_13 : i32
    "tpu.region"() ({
      %run_scoped3A = tpu.sem_alloc : memref<!tpu.dma_semaphore, #tpu.memory_space<semaphore_mem>>
      %dma_start3A = arith.constant 0 : i32
      %dma_start3A_46 = tpu.memref_slice %arg7[%add3A_14, %dma_start3A] : memref<10240x128xf32, #tpu.memory_space<vmem_shared>> -> memref<128x128xf32, #tpu.memory_space<vmem_shared>>
      %dma_start3A_47 = arith.constant 0 : i32
      %dma_start3A_48 = tpu.memref_slice %arg7[%add3A_14, %dma_start3A_47] : memref<10240x128xf32, #tpu.memory_space<vmem_shared>> -> memref<128x128xf32, #tpu.memory_space<vmem_shared>>
      tpu.enqueue_dma source(%arg6 : memref<128x128xf32, #tpu.memory_space<vmem>>) target(%dma_start3A_48 : memref<128x128xf32, #tpu.memory_space<vmem_shared>>) target_semaphore(%run_scoped3A : memref<!tpu.dma_semaphore, #tpu.memory_space<semaphore_mem>>)
      %dma_wait3A = arith.constant 0 : i32
      %dma_wait3A_49 = tpu.memref_slice %arg7[%add3A_14, %dma_wait3A] : memref<10240x128xf32, #tpu.memory_space<vmem_shared>> -> memref<128x128xf32, #tpu.memory_space<vmem_shared>>
      %dma_wait3A_50 = arith.constant 0 : i32
      %dma_wait3A_51 = tpu.memref_slice %arg7[%add3A_14, %dma_wait3A_50] : memref<10240x128xf32, #tpu.memory_space<vmem_shared>> -> memref<128x128xf32, #tpu.memory_space<vmem_shared>>
      tpu.wait_dma2 semaphore(%run_scoped3A : memref<!tpu.dma_semaphore, #tpu.memory_space<semaphore_mem>>) src(%arg6 : memref<128x128xf32, #tpu.memory_space<vmem>>) dst(%dma_wait3A_51 : memref<128x128xf32, #tpu.memory_space<vmem_shared>>)
      tpu.yield
    }) : () -> ()
    %mul3A_15 = arith.constant 640 : i32
    %mul3A_16 = arith.muli %arg1, %mul3A_15 : i32
    %add3A_17 = arith.constant 256 : i32
    %add3A_18 = arith.addi %mul3A_16, %add3A_17 : i32
    "tpu.region"() ({
      %run_scoped3A = tpu.sem_alloc : memref<!tpu.dma_semaphore, #tpu.memory_space<semaphore_mem>>
      %dma_start3A = arith.constant 0 : i32
      %dma_start3A_46 = tpu.memref_slice %arg7[%add3A_18, %dma_start3A] : memref<10240x128xf32, #tpu.memory_space<vmem_shared>> -> memref<128x128xf32, #tpu.memory_space<vmem_shared>>
      %dma_start3A_47 = arith.constant 0 : i32
      %dma_start3A_48 = tpu.memref_slice %arg7[%add3A_18, %dma_start3A_47] : memref<10240x128xf32, #tpu.memory_space<vmem_shared>> -> memref<128x128xf32, #tpu.memory_space<vmem_shared>>
      tpu.enqueue_dma source(%arg6 : memref<128x128xf32, #tpu.memory_space<vmem>>) target(%dma_start3A_48 : memref<128x128xf32, #tpu.memory_space<vmem_shared>>) target_semaphore(%run_scoped3A : memref<!tpu.dma_semaphore, #tpu.memory_space<semaphore_mem>>)
      %dma_wait3A = arith.constant 0 : i32
      %dma_wait3A_49 = tpu.memref_slice %arg7[%add3A_18, %dma_wait3A] : memref<10240x128xf32, #tpu.memory_space<vmem_shared>> -> memref<128x128xf32, #tpu.memory_space<vmem_shared>>
      %dma_wait3A_50 = arith.constant 0 : i32
      %dma_wait3A_51 = tpu.memref_slice %arg7[%add3A_18, %dma_wait3A_50] : memref<10240x128xf32, #tpu.memory_space<vmem_shared>> -> memref<128x128xf32, #tpu.memory_space<vmem_shared>>
      tpu.wait_dma2 semaphore(%run_scoped3A : memref<!tpu.dma_semaphore, #tpu.memory_space<semaphore_mem>>) src(%arg6 : memref<128x128xf32, #tpu.memory_space<vmem>>) dst(%dma_wait3A_51 : memref<128x128xf32, #tpu.memory_space<vmem_shared>>)
      tpu.yield
    }) : () -> ()
    %mul3A_19 = arith.constant 640 : i32
    %mul3A_20 = arith.muli %arg1, %mul3A_19 : i32
    %add3A_21 = arith.constant 384 : i32
    %add3A_22 = arith.addi %mul3A_20, %add3A_21 : i32
    "tpu.region"() ({
      %run_scoped3A = tpu.sem_alloc : memref<!tpu.dma_semaphore, #tpu.memory_space<semaphore_mem>>
      %dma_start3A = arith.constant 0 : i32
      %dma_start3A_46 = tpu.memref_slice %arg7[%add3A_22, %dma_start3A] : memref<10240x128xf32, #tpu.memory_space<vmem_shared>> -> memref<128x128xf32, #tpu.memory_space<vmem_shared>>
      %dma_start3A_47 = arith.constant 0 : i32
      %dma_start3A_48 = tpu.memref_slice %arg7[%add3A_22, %dma_start3A_47] : memref<10240x128xf32, #tpu.memory_space<vmem_shared>> -> memref<128x128xf32, #tpu.memory_space<vmem_shared>>
      tpu.enqueue_dma source(%arg6 : memref<128x128xf32, #tpu.memory_space<vmem>>) target(%dma_start3A_48 : memref<128x128xf32, #tpu.memory_space<vmem_shared>>) target_semaphore(%run_scoped3A : memref<!tpu.dma_semaphore, #tpu.memory_space<semaphore_mem>>)
      %dma_wait3A = arith.constant 0 : i32
      %dma_wait3A_49 = tpu.memref_slice %arg7[%add3A_22, %dma_wait3A] : memref<10240x128xf32, #tpu.memory_space<vmem_shared>> -> memref<128x128xf32, #tpu.memory_space<vmem_shared>>
      %dma_wait3A_50 = arith.constant 0 : i32
      %dma_wait3A_51 = tpu.memref_slice %arg7[%add3A_22, %dma_wait3A_50] : memref<10240x128xf32, #tpu.memory_space<vmem_shared>> -> memref<128x128xf32, #tpu.memory_space<vmem_shared>>
      tpu.wait_dma2 semaphore(%run_scoped3A : memref<!tpu.dma_semaphore, #tpu.memory_space<semaphore_mem>>) src(%arg6 : memref<128x128xf32, #tpu.memory_space<vmem>>) dst(%dma_wait3A_51 : memref<128x128xf32, #tpu.memory_space<vmem_shared>>)
      tpu.yield
    }) : () -> ()
    %mul3A_23 = arith.constant 640 : i32
    %mul3A_24 = arith.muli %arg1, %mul3A_23 : i32
    %add3A_25 = arith.constant 512 : i32
    %add3A_26 = arith.addi %mul3A_24, %add3A_25 : i32
    "tpu.region"() ({
      %run_scoped3A = tpu.sem_alloc : memref<!tpu.dma_semaphore, #tpu.memory_space<semaphore_mem>>
      %dma_start3A = arith.constant 0 : i32
      %dma_start3A_46 = tpu.memref_slice %arg7[%add3A_26, %dma_start3A] : memref<10240x128xf32, #tpu.memory_space<vmem_shared>> -> memref<128x128xf32, #tpu.memory_space<vmem_shared>>
      %dma_start3A_47 = arith.constant 0 : i32
      %dma_start3A_48 = tpu.memref_slice %arg7[%add3A_26, %dma_start3A_47] : memref<10240x128xf32, #tpu.memory_space<vmem_shared>> -> memref<128x128xf32, #tpu.memory_space<vmem_shared>>
      tpu.enqueue_dma source(%arg6 : memref<128x128xf32, #tpu.memory_space<vmem>>) target(%dma_start3A_48 : memref<128x128xf32, #tpu.memory_space<vmem_shared>>) target_semaphore(%run_scoped3A : memref<!tpu.dma_semaphore, #tpu.memory_space<semaphore_mem>>)
      %dma_wait3A = arith.constant 0 : i32
      %dma_wait3A_49 = tpu.memref_slice %arg7[%add3A_26, %dma_wait3A] : memref<10240x128xf32, #tpu.memory_space<vmem_shared>> -> memref<128x128xf32, #tpu.memory_space<vmem_shared>>
      %dma_wait3A_50 = arith.constant 0 : i32
      %dma_wait3A_51 = tpu.memref_slice %arg7[%add3A_26, %dma_wait3A_50] : memref<10240x128xf32, #tpu.memory_space<vmem_shared>> -> memref<128x128xf32, #tpu.memory_space<vmem_shared>>
      tpu.wait_dma2 semaphore(%run_scoped3A : memref<!tpu.dma_semaphore, #tpu.memory_space<semaphore_mem>>) src(%arg6 : memref<128x128xf32, #tpu.memory_space<vmem>>) dst(%dma_wait3A_51 : memref<128x128xf32, #tpu.memory_space<vmem_shared>>)
      tpu.yield
    }) : () -> ()
    "tpu.region"() ({
      %run_scoped3A = tpu.sem_alloc : memref<!tpu.dma_semaphore, #tpu.memory_space<semaphore_mem>>
      %dma_start3A = arith.constant 0 : i32
      %dma_start3A_46 = arith.constant 0 : i32
      %dma_start3A_47 = tpu.memref_slice %arg2[%arg0, %arg1, %dma_start3A, %dma_start3A_46] : memref<2x16x80x128xi32, #tpu.memory_space<hbm>> -> memref<1x1x80x128xi32, #tpu.memory_space<hbm>>
      %dma_start3A_48 = tpu.memref_squeeze %dma_start3A_47 : memref<1x1x80x128xi32, #tpu.memory_space<hbm>> -> memref<80x128xi32, #tpu.memory_space<hbm>>
      %dma_start3A_49 = arith.constant 0 : i32
      %dma_start3A_50 = arith.constant 0 : i32
      %dma_start3A_51 = tpu.memref_slice %arg2[%arg0, %arg1, %dma_start3A_49, %dma_start3A_50] : memref<2x16x80x128xi32, #tpu.memory_space<hbm>> -> memref<1x1x80x128xi32, #tpu.memory_space<hbm>>
      %dma_start3A_52 = tpu.memref_squeeze %dma_start3A_51 : memref<1x1x80x128xi32, #tpu.memory_space<hbm>> -> memref<80x128xi32, #tpu.memory_space<hbm>>
      tpu.enqueue_dma source(%dma_start3A_52 : memref<80x128xi32, #tpu.memory_space<hbm>>) target(%arg4 : memref<80x128xi32, #tpu.memory_space<vmem>>) target_semaphore(%run_scoped3A : memref<!tpu.dma_semaphore, #tpu.memory_space<semaphore_mem>>)
      %dma_wait3A = arith.constant 0 : i32
      %dma_wait3A_53 = arith.constant 0 : i32
      %dma_wait3A_54 = tpu.memref_slice %arg2[%arg0, %arg1, %dma_wait3A, %dma_wait3A_53] : memref<2x16x80x128xi32, #tpu.memory_space<hbm>> -> memref<1x1x80x128xi32, #tpu.memory_space<hbm>>
      %dma_wait3A_55 = tpu.memref_squeeze %dma_wait3A_54 : memref<1x1x80x128xi32, #tpu.memory_space<hbm>> -> memref<80x128xi32, #tpu.memory_space<hbm>>
      %dma_wait3A_56 = arith.constant 0 : i32
      %dma_wait3A_57 = arith.constant 0 : i32
      %dma_wait3A_58 = tpu.memref_slice %arg2[%arg0, %arg1, %dma_wait3A_56, %dma_wait3A_57] : memref<2x16x80x128xi32, #tpu.memory_space<hbm>> -> memref<1x1x80x128xi32, #tpu.memory_space<hbm>>
      %dma_wait3A_59 = tpu.memref_squeeze %dma_wait3A_58 : memref<1x1x80x128xi32, #tpu.memory_space<hbm>> -> memref<80x128xi32, #tpu.memory_space<hbm>>
      tpu.wait_dma2 semaphore(%run_scoped3A : memref<!tpu.dma_semaphore, #tpu.memory_space<semaphore_mem>>) src(%dma_wait3A_59 : memref<80x128xi32, #tpu.memory_space<hbm>>) dst(%arg4 : memref<80x128xi32, #tpu.memory_space<vmem>>)
      tpu.yield
    }) : () -> ()
    %barrier3A = arith.constant 0 : index
    tpu.barrier barrier_id(%barrier3A)
    %scan3A_27 = arith.constant 0 : i32
    %scan3A_28 = arith.constant 0 : i32
    %scan3A_29 = arith.constant 80 : i32
    %scan3A_30 = arith.addi %scan3A_28, %scan3A_29 : i32
    %scan3A_31 = arith.constant 1 : i32
    %scan3A_32 = scf.for %scan3A_46 = %scan3A_28 to %scan3A_30 step %scan3A_31 iter_args(%scan3A_47 = %scan3A_27) -> (i32)  : i32 {
      %dma_start3A = arith.constant 0 : i32
      %dma_start3A_48 = tpu.memref_slice %arg4[%scan3A_46, %dma_start3A] : memref<80x128xi32, #tpu.memory_space<vmem>> -> memref<1x128xi32, #tpu.memory_space<vmem>>
      %dma_start3A_49 = tpu.memref_squeeze %dma_start3A_48 : memref<1x128xi32, #tpu.memory_space<vmem>> -> memref<128xi32, #tpu.memory_space<vmem>>
      %dma_start3A_50 = arith.constant 0 : i32
      %dma_start3A_51 = arith.constant 0 : i32
      %dma_start3A_52 = tpu.memref_slice %arg7[%dma_start3A_50, %dma_start3A_51] : memref<10240x128xf32, #tpu.memory_space<vmem_shared>> -> memref<10240x128xf32, #tpu.memory_space<vmem_shared>>
      tpu.enqueue_indirect_dma source(%arg5 : memref<128x128xf32, #tpu.memory_space<vmem>>) target(%dma_start3A_52 : memref<10240x128xf32, #tpu.memory_space<vmem_shared>>) offsets(%dma_start3A_49 : memref<128xi32, #tpu.memory_space<vmem>>) semaphore(%arg8 : memref<!tpu.dma_semaphore, #tpu.memory_space<semaphore_mem>>) {add = true}
      %scan3A_53 = arith.constant 0 : i32
      scf.yield %scan3A_53 : i32
    }
    %scan3A_33 = arith.constant 80 : i32
    %scan3A_34 = arith.constant 0 : i32
    %scan3A_35 = arith.constant 0 : i32
    %scan3A_36 = arith.constant 80 : i32
    %scan3A_37 = arith.addi %scan3A_35, %scan3A_36 : i32
    %scan3A_38 = arith.constant 1 : i32
    %scan3A_39 = scf.for %scan3A_46 = %scan3A_35 to %scan3A_37 step %scan3A_38 iter_args(%scan3A_47 = %scan3A_34) -> (i32)  : i32 {
      %dma_wait3A = arith.constant 0 : i32
      %dma_wait3A_48 = tpu.memref_slice %arg4[%scan3A_46, %dma_wait3A] : memref<80x128xi32, #tpu.memory_space<vmem>> -> memref<1x128xi32, #tpu.memory_space<vmem>>
      %dma_wait3A_49 = tpu.memref_squeeze %dma_wait3A_48 : memref<1x128xi32, #tpu.memory_space<vmem>> -> memref<128xi32, #tpu.memory_space<vmem>>
      %dma_wait3A_50 = arith.constant 0 : i32
      %dma_wait3A_51 = arith.constant 0 : i32
      %dma_wait3A_52 = tpu.memref_slice %arg7[%dma_wait3A_50, %dma_wait3A_51] : memref<10240x128xf32, #tpu.memory_space<vmem_shared>> -> memref<10240x128xf32, #tpu.memory_space<vmem_shared>>
      tpu.wait_indirect_dma semaphore(%arg8 : memref<!tpu.dma_semaphore, #tpu.memory_space<semaphore_mem>>) src(%arg5 : memref<128x128xf32, #tpu.memory_space<vmem>>) dst(%dma_wait3A_52 : memref<10240x128xf32, #tpu.memory_space<vmem_shared>>)
      %scan3A_53 = arith.constant 0 : i32
      scf.yield %scan3A_53 : i32
    }
    %scan3A_40 = arith.constant 80 : i32
    %barrier3A_41 = arith.constant 0 : index
    tpu.barrier barrier_id(%barrier3A_41)
    %mul3A_42 = arith.constant 640 : i32
    %mul3A_43 = arith.muli %arg1, %mul3A_42 : i32
    %mul3A_44 = arith.constant 640 : i32
    %mul3A_45 = arith.muli %arg1, %mul3A_44 : i32
    "tpu.region"() ({
      %run_scoped3A = tpu.sem_alloc : memref<!tpu.dma_semaphore, #tpu.memory_space<semaphore_mem>>
      %dma_start3A = arith.constant 0 : i32
      %dma_start3A_46 = tpu.memref_slice %arg3[%arg0, %mul3A_45, %dma_start3A] : memref<2x10240x128xf32, #tpu.memory_space<hbm>> -> memref<1x640x128xf32, #tpu.memory_space<hbm>>
      %dma_start3A_47 = tpu.memref_squeeze %dma_start3A_46 : memref<1x640x128xf32, #tpu.memory_space<hbm>> -> memref<640x128xf32, #tpu.memory_space<hbm>>
      %dma_start3A_48 = arith.constant 0 : i32
      %dma_start3A_49 = tpu.memref_slice %arg7[%mul3A_43, %dma_start3A_48] : memref<10240x128xf32, #tpu.memory_space<vmem_shared>> -> memref<640x128xf32, #tpu.memory_space<vmem_shared>>
      tpu.enqueue_dma source(%dma_start3A_49 : memref<640x128xf32, #tpu.memory_space<vmem_shared>>) target(%dma_start3A_47 : memref<640x128xf32, #tpu.memory_space<hbm>>) target_semaphore(%run_scoped3A : memref<!tpu.dma_semaphore, #tpu.memory_space<semaphore_mem>>)
      %dma_wait3A = arith.constant 0 : i32
      %dma_wait3A_50 = tpu.memref_slice %arg3[%arg0, %mul3A_45, %dma_wait3A] : memref<2x10240x128xf32, #tpu.memory_space<hbm>> -> memref<1x640x128xf32, #tpu.memory_space<hbm>>
      %dma_wait3A_51 = tpu.memref_squeeze %dma_wait3A_50 : memref<1x640x128xf32, #tpu.memory_space<hbm>> -> memref<640x128xf32, #tpu.memory_space<hbm>>
      %dma_wait3A_52 = arith.constant 0 : i32
      %dma_wait3A_53 = tpu.memref_slice %arg7[%mul3A_43, %dma_wait3A_52] : memref<10240x128xf32, #tpu.memory_space<vmem_shared>> -> memref<640x128xf32, #tpu.memory_space<vmem_shared>>
      tpu.wait_dma2 semaphore(%run_scoped3A : memref<!tpu.dma_semaphore, #tpu.memory_space<semaphore_mem>>) src(%dma_wait3A_53 : memref<640x128xf32, #tpu.memory_space<vmem_shared>>) dst(%dma_wait3A_51 : memref<640x128xf32, #tpu.memory_space<hbm>>)
      tpu.yield
    }) : () -> ()
    return
  }
}

#map = affine_map<(d0, d1) -> (0, 0)>
#map1 = affine_map<(d0, d1) -> (0, 0, 0, 0, 0)>
#map2 = affine_map<(d0, d1) -> (0, 0, 0)>
module attributes {stable_mosaic.version = 14 : i64} {
  func.func @_sc_scatter(%arg0: i32, %arg1: i32, %arg2: memref<10240x128xf32, #tpu.memory_space<hbm>>, %arg3: memref<2x16x2x40x128xi32, #tpu.memory_space<hbm>>, %arg4: memref<2x16x2x40x128xi32, #tpu.memory_space<hbm>>, %arg5: memref<2x10240x128xf32, #tpu.memory_space<hbm>>, %arg6: memref<40x128xi32, #tpu.memory_space<vmem>>, %arg7: memref<40x128xi32, #tpu.memory_space<vmem>>, %arg8: memref<128x128xf32, #tpu.memory_space<vmem>>, %arg9: memref<128x128xf32, #tpu.memory_space<vmem>>, %arg10: memref<10240x128xf32, #tpu.memory_space<vmem_shared>>, %arg11: memref<!tpu.dma_semaphore, #tpu.memory_space<semaphore_mem>>, %arg12: memref<!tpu.dma_semaphore, #tpu.memory_space<semaphore_mem>>) attributes {dimension_semantics = [#tpu.dimension_semantics<core_parallel>, #tpu.dimension_semantics<subcore_parallel>], iteration_bounds = array<i64: 2, 16>, scalar_prefetch = 0 : i64, scratch_operands = 7 : i64, tpu.core_type = #tpu.core_type<sc_vector_subcore>, window_params = [{transform_indices = #map}, {transform_indices = #map1}, {transform_indices = #map1}, {transform_indices = #map2}]} {
    %broadcast_in_dim3A = arith.constant 0.000000e+00 : f32
    %broadcast_in_dim3A_0 = vector.broadcast %broadcast_in_dim3A : f32 to vector<16xf32>
    %scan3A = arith.constant 0 : i32
    %scan3A_1 = arith.constant 0 : i32
    %scan3A_2 = arith.constant 128 : i32
    %scan3A_3 = arith.addi %scan3A_1, %scan3A_2 : i32
    %scan3A_4 = arith.constant 1 : i32
    %scan3A_5 = scf.for %scan3A_105 = %scan3A_1 to %scan3A_3 step %scan3A_4 iter_args(%scan3A_106 = %scan3A) -> (i32)  : i32 {
      %swap3A = arith.index_cast %scan3A_105 : i32 to index
      %swap3A_107 = arith.constant 0 : index
      %swap3A_108 = tpu.vector_load %arg8[%swap3A, %swap3A_107] {strides = array<i32>} : memref<128x128xf32, #tpu.memory_space<vmem>>, vector<1x16xf32>,
      %swap3A_109 = vector.shape_cast %swap3A_108 : vector<1x16xf32> to vector<16xf32>
      %swap3A_110 = vector.shape_cast %broadcast_in_dim3A_0 : vector<16xf32> to vector<1x16xf32>
      tpu.vector_store %arg8[%swap3A, %swap3A_107], %swap3A_110 {strides = array<i32>} : memref<128x128xf32, #tpu.memory_space<vmem>>, vector<1x16xf32>,
      %swap3A_111 = arith.index_cast %scan3A_105 : i32 to index
      %swap3A_112 = arith.constant 16 : index
      %swap3A_113 = tpu.vector_load %arg8[%swap3A_111, %swap3A_112] {strides = array<i32>} : memref<128x128xf32, #tpu.memory_space<vmem>>, vector<1x16xf32>,
      %swap3A_114 = vector.shape_cast %swap3A_113 : vector<1x16xf32> to vector<16xf32>
      %swap3A_115 = vector.shape_cast %broadcast_in_dim3A_0 : vector<16xf32> to vector<1x16xf32>
      tpu.vector_store %arg8[%swap3A_111, %swap3A_112], %swap3A_115 {strides = array<i32>} : memref<128x128xf32, #tpu.memory_space<vmem>>, vector<1x16xf32>,
      %swap3A_116 = arith.index_cast %scan3A_105 : i32 to index
      %swap3A_117 = arith.constant 32 : index
      %swap3A_118 = tpu.vector_load %arg8[%swap3A_116, %swap3A_117] {strides = array<i32>} : memref<128x128xf32, #tpu.memory_space<vmem>>, vector<1x16xf32>,
      %swap3A_119 = vector.shape_cast %swap3A_118 : vector<1x16xf32> to vector<16xf32>
      %swap3A_120 = vector.shape_cast %broadcast_in_dim3A_0 : vector<16xf32> to vector<1x16xf32>
      tpu.vector_store %arg8[%swap3A_116, %swap3A_117], %swap3A_120 {strides = array<i32>} : memref<128x128xf32, #tpu.memory_space<vmem>>, vector<1x16xf32>,
      %swap3A_121 = arith.index_cast %scan3A_105 : i32 to index
      %swap3A_122 = arith.constant 48 : index
      %swap3A_123 = tpu.vector_load %arg8[%swap3A_121, %swap3A_122] {strides = array<i32>} : memref<128x128xf32, #tpu.memory_space<vmem>>, vector<1x16xf32>,
      %swap3A_124 = vector.shape_cast %swap3A_123 : vector<1x16xf32> to vector<16xf32>
      %swap3A_125 = vector.shape_cast %broadcast_in_dim3A_0 : vector<16xf32> to vector<1x16xf32>
      tpu.vector_store %arg8[%swap3A_121, %swap3A_122], %swap3A_125 {strides = array<i32>} : memref<128x128xf32, #tpu.memory_space<vmem>>, vector<1x16xf32>,
      %swap3A_126 = arith.index_cast %scan3A_105 : i32 to index
      %swap3A_127 = arith.constant 64 : index
      %swap3A_128 = tpu.vector_load %arg8[%swap3A_126, %swap3A_127] {strides = array<i32>} : memref<128x128xf32, #tpu.memory_space<vmem>>, vector<1x16xf32>,
      %swap3A_129 = vector.shape_cast %swap3A_128 : vector<1x16xf32> to vector<16xf32>
      %swap3A_130 = vector.shape_cast %broadcast_in_dim3A_0 : vector<16xf32> to vector<1x16xf32>
      tpu.vector_store %arg8[%swap3A_126, %swap3A_127], %swap3A_130 {strides = array<i32>} : memref<128x128xf32, #tpu.memory_space<vmem>>, vector<1x16xf32>,
      %swap3A_131 = arith.index_cast %scan3A_105 : i32 to index
      %swap3A_132 = arith.constant 80 : index
      %swap3A_133 = tpu.vector_load %arg8[%swap3A_131, %swap3A_132] {strides = array<i32>} : memref<128x128xf32, #tpu.memory_space<vmem>>, vector<1x16xf32>,
      %swap3A_134 = vector.shape_cast %swap3A_133 : vector<1x16xf32> to vector<16xf32>
      %swap3A_135 = vector.shape_cast %broadcast_in_dim3A_0 : vector<16xf32> to vector<1x16xf32>
      tpu.vector_store %arg8[%swap3A_131, %swap3A_132], %swap3A_135 {strides = array<i32>} : memref<128x128xf32, #tpu.memory_space<vmem>>, vector<1x16xf32>,
      %swap3A_136 = arith.index_cast %scan3A_105 : i32 to index
      %swap3A_137 = arith.constant 96 : index
      %swap3A_138 = tpu.vector_load %arg8[%swap3A_136, %swap3A_137] {strides = array<i32>} : memref<128x128xf32, #tpu.memory_space<vmem>>, vector<1x16xf32>,
      %swap3A_139 = vector.shape_cast %swap3A_138 : vector<1x16xf32> to vector<16xf32>
      %swap3A_140 = vector.shape_cast %broadcast_in_dim3A_0 : vector<16xf32> to vector<1x16xf32>
      tpu.vector_store %arg8[%swap3A_136, %swap3A_137], %swap3A_140 {strides = array<i32>} : memref<128x128xf32, #tpu.memory_space<vmem>>, vector<1x16xf32>,
      %swap3A_141 = arith.index_cast %scan3A_105 : i32 to index
      %swap3A_142 = arith.constant 112 : index
      %swap3A_143 = tpu.vector_load %arg8[%swap3A_141, %swap3A_142] {strides = array<i32>} : memref<128x128xf32, #tpu.memory_space<vmem>>, vector<1x16xf32>,
      %swap3A_144 = vector.shape_cast %swap3A_143 : vector<1x16xf32> to vector<16xf32>
      %swap3A_145 = vector.shape_cast %broadcast_in_dim3A_0 : vector<16xf32> to vector<1x16xf32>
      tpu.vector_store %arg8[%swap3A_141, %swap3A_142], %swap3A_145 {strides = array<i32>} : memref<128x128xf32, #tpu.memory_space<vmem>>, vector<1x16xf32>,
      %scan3A_146 = arith.constant 0 : i32
      scf.yield %scan3A_146 : i32
    }
    %scan3A_6 = arith.constant 128 : i32
    %mul3A = arith.constant 640 : i32
    %mul3A_7 = arith.muli %arg1, %mul3A : i32
    %add3A = arith.constant 0 : i32
    %add3A_8 = arith.addi %mul3A_7, %add3A : i32
    "tpu.region"() ({
      %run_scoped3A_105 = tpu.sem_alloc : memref<!tpu.dma_semaphore, #tpu.memory_space<semaphore_mem>>
      %dma_start3A_106 = arith.constant 0 : i32
      %dma_start3A_107 = tpu.memref_slice %arg10[%add3A_8, %dma_start3A_106] : memref<10240x128xf32, #tpu.memory_space<vmem_shared>> -> memref<128x128xf32, #tpu.memory_space<vmem_shared>>
      %dma_start3A_108 = arith.constant 0 : i32
      %dma_start3A_109 = tpu.memref_slice %arg10[%add3A_8, %dma_start3A_108] : memref<10240x128xf32, #tpu.memory_space<vmem_shared>> -> memref<128x128xf32, #tpu.memory_space<vmem_shared>>
      tpu.enqueue_dma source(%arg8 : memref<128x128xf32, #tpu.memory_space<vmem>>) target(%dma_start3A_109 : memref<128x128xf32, #tpu.memory_space<vmem_shared>>) target_semaphore(%run_scoped3A_105 : memref<!tpu.dma_semaphore, #tpu.memory_space<semaphore_mem>>)
      %dma_wait3A_110 = arith.constant 0 : i32
      %dma_wait3A_111 = tpu.memref_slice %arg10[%add3A_8, %dma_wait3A_110] : memref<10240x128xf32, #tpu.memory_space<vmem_shared>> -> memref<128x128xf32, #tpu.memory_space<vmem_shared>>
      %dma_wait3A_112 = arith.constant 0 : i32
      %dma_wait3A_113 = tpu.memref_slice %arg10[%add3A_8, %dma_wait3A_112] : memref<10240x128xf32, #tpu.memory_space<vmem_shared>> -> memref<128x128xf32, #tpu.memory_space<vmem_shared>>
      tpu.wait_dma2 semaphore(%run_scoped3A_105 : memref<!tpu.dma_semaphore, #tpu.memory_space<semaphore_mem>>) src(%arg8 : memref<128x128xf32, #tpu.memory_space<vmem>>) dst(%dma_wait3A_113 : memref<128x128xf32, #tpu.memory_space<vmem_shared>>)
      tpu.yield
    }) : () -> ()
    %mul3A_9 = arith.constant 640 : i32
    %mul3A_10 = arith.muli %arg1, %mul3A_9 : i32
    %add3A_11 = arith.constant 128 : i32
    %add3A_12 = arith.addi %mul3A_10, %add3A_11 : i32
    "tpu.region"() ({
      %run_scoped3A_105 = tpu.sem_alloc : memref<!tpu.dma_semaphore, #tpu.memory_space<semaphore_mem>>
      %dma_start3A_106 = arith.constant 0 : i32
      %dma_start3A_107 = tpu.memref_slice %arg10[%add3A_12, %dma_start3A_106] : memref<10240x128xf32, #tpu.memory_space<vmem_shared>> -> memref<128x128xf32, #tpu.memory_space<vmem_shared>>
      %dma_start3A_108 = arith.constant 0 : i32
      %dma_start3A_109 = tpu.memref_slice %arg10[%add3A_12, %dma_start3A_108] : memref<10240x128xf32, #tpu.memory_space<vmem_shared>> -> memref<128x128xf32, #tpu.memory_space<vmem_shared>>
      tpu.enqueue_dma source(%arg8 : memref<128x128xf32, #tpu.memory_space<vmem>>) target(%dma_start3A_109 : memref<128x128xf32, #tpu.memory_space<vmem_shared>>) target_semaphore(%run_scoped3A_105 : memref<!tpu.dma_semaphore, #tpu.memory_space<semaphore_mem>>)
      %dma_wait3A_110 = arith.constant 0 : i32
      %dma_wait3A_111 = tpu.memref_slice %arg10[%add3A_12, %dma_wait3A_110] : memref<10240x128xf32, #tpu.memory_space<vmem_shared>> -> memref<128x128xf32, #tpu.memory_space<vmem_shared>>
      %dma_wait3A_112 = arith.constant 0 : i32
      %dma_wait3A_113 = tpu.memref_slice %arg10[%add3A_12, %dma_wait3A_112] : memref<10240x128xf32, #tpu.memory_space<vmem_shared>> -> memref<128x128xf32, #tpu.memory_space<vmem_shared>>
      tpu.wait_dma2 semaphore(%run_scoped3A_105 : memref<!tpu.dma_semaphore, #tpu.memory_space<semaphore_mem>>) src(%arg8 : memref<128x128xf32, #tpu.memory_space<vmem>>) dst(%dma_wait3A_113 : memref<128x128xf32, #tpu.memory_space<vmem_shared>>)
      tpu.yield
    }) : () -> ()
    %mul3A_13 = arith.constant 640 : i32
    %mul3A_14 = arith.muli %arg1, %mul3A_13 : i32
    %add3A_15 = arith.constant 256 : i32
    %add3A_16 = arith.addi %mul3A_14, %add3A_15 : i32
    "tpu.region"() ({
      %run_scoped3A_105 = tpu.sem_alloc : memref<!tpu.dma_semaphore, #tpu.memory_space<semaphore_mem>>
      %dma_start3A_106 = arith.constant 0 : i32
      %dma_start3A_107 = tpu.memref_slice %arg10[%add3A_16, %dma_start3A_106] : memref<10240x128xf32, #tpu.memory_space<vmem_shared>> -> memref<128x128xf32, #tpu.memory_space<vmem_shared>>
      %dma_start3A_108 = arith.constant 0 : i32
      %dma_start3A_109 = tpu.memref_slice %arg10[%add3A_16, %dma_start3A_108] : memref<10240x128xf32, #tpu.memory_space<vmem_shared>> -> memref<128x128xf32, #tpu.memory_space<vmem_shared>>
      tpu.enqueue_dma source(%arg8 : memref<128x128xf32, #tpu.memory_space<vmem>>) target(%dma_start3A_109 : memref<128x128xf32, #tpu.memory_space<vmem_shared>>) target_semaphore(%run_scoped3A_105 : memref<!tpu.dma_semaphore, #tpu.memory_space<semaphore_mem>>)
      %dma_wait3A_110 = arith.constant 0 : i32
      %dma_wait3A_111 = tpu.memref_slice %arg10[%add3A_16, %dma_wait3A_110] : memref<10240x128xf32, #tpu.memory_space<vmem_shared>> -> memref<128x128xf32, #tpu.memory_space<vmem_shared>>
      %dma_wait3A_112 = arith.constant 0 : i32
      %dma_wait3A_113 = tpu.memref_slice %arg10[%add3A_16, %dma_wait3A_112] : memref<10240x128xf32, #tpu.memory_space<vmem_shared>> -> memref<128x128xf32, #tpu.memory_space<vmem_shared>>
      tpu.wait_dma2 semaphore(%run_scoped3A_105 : memref<!tpu.dma_semaphore, #tpu.memory_space<semaphore_mem>>) src(%arg8 : memref<128x128xf32, #tpu.memory_space<vmem>>) dst(%dma_wait3A_113 : memref<128x128xf32, #tpu.memory_space<vmem_shared>>)
      tpu.yield
    }) : () -> ()
    %mul3A_17 = arith.constant 640 : i32
    %mul3A_18 = arith.muli %arg1, %mul3A_17 : i32
    %add3A_19 = arith.constant 384 : i32
    %add3A_20 = arith.addi %mul3A_18, %add3A_19 : i32
    "tpu.region"() ({
      %run_scoped3A_105 = tpu.sem_alloc : memref<!tpu.dma_semaphore, #tpu.memory_space<semaphore_mem>>
      %dma_start3A_106 = arith.constant 0 : i32
      %dma_start3A_107 = tpu.memref_slice %arg10[%add3A_20, %dma_start3A_106] : memref<10240x128xf32, #tpu.memory_space<vmem_shared>> -> memref<128x128xf32, #tpu.memory_space<vmem_shared>>
      %dma_start3A_108 = arith.constant 0 : i32
      %dma_start3A_109 = tpu.memref_slice %arg10[%add3A_20, %dma_start3A_108] : memref<10240x128xf32, #tpu.memory_space<vmem_shared>> -> memref<128x128xf32, #tpu.memory_space<vmem_shared>>
      tpu.enqueue_dma source(%arg8 : memref<128x128xf32, #tpu.memory_space<vmem>>) target(%dma_start3A_109 : memref<128x128xf32, #tpu.memory_space<vmem_shared>>) target_semaphore(%run_scoped3A_105 : memref<!tpu.dma_semaphore, #tpu.memory_space<semaphore_mem>>)
      %dma_wait3A_110 = arith.constant 0 : i32
      %dma_wait3A_111 = tpu.memref_slice %arg10[%add3A_20, %dma_wait3A_110] : memref<10240x128xf32, #tpu.memory_space<vmem_shared>> -> memref<128x128xf32, #tpu.memory_space<vmem_shared>>
      %dma_wait3A_112 = arith.constant 0 : i32
      %dma_wait3A_113 = tpu.memref_slice %arg10[%add3A_20, %dma_wait3A_112] : memref<10240x128xf32, #tpu.memory_space<vmem_shared>> -> memref<128x128xf32, #tpu.memory_space<vmem_shared>>
      tpu.wait_dma2 semaphore(%run_scoped3A_105 : memref<!tpu.dma_semaphore, #tpu.memory_space<semaphore_mem>>) src(%arg8 : memref<128x128xf32, #tpu.memory_space<vmem>>) dst(%dma_wait3A_113 : memref<128x128xf32, #tpu.memory_space<vmem_shared>>)
      tpu.yield
    }) : () -> ()
    %mul3A_21 = arith.constant 640 : i32
    %mul3A_22 = arith.muli %arg1, %mul3A_21 : i32
    %add3A_23 = arith.constant 512 : i32
    %add3A_24 = arith.addi %mul3A_22, %add3A_23 : i32
    "tpu.region"() ({
      %run_scoped3A_105 = tpu.sem_alloc : memref<!tpu.dma_semaphore, #tpu.memory_space<semaphore_mem>>
      %dma_start3A_106 = arith.constant 0 : i32
      %dma_start3A_107 = tpu.memref_slice %arg10[%add3A_24, %dma_start3A_106] : memref<10240x128xf32, #tpu.memory_space<vmem_shared>> -> memref<128x128xf32, #tpu.memory_space<vmem_shared>>
      %dma_start3A_108 = arith.constant 0 : i32
      %dma_start3A_109 = tpu.memref_slice %arg10[%add3A_24, %dma_start3A_108] : memref<10240x128xf32, #tpu.memory_space<vmem_shared>> -> memref<128x128xf32, #tpu.memory_space<vmem_shared>>
      tpu.enqueue_dma source(%arg8 : memref<128x128xf32, #tpu.memory_space<vmem>>) target(%dma_start3A_109 : memref<128x128xf32, #tpu.memory_space<vmem_shared>>) target_semaphore(%run_scoped3A_105 : memref<!tpu.dma_semaphore, #tpu.memory_space<semaphore_mem>>)
      %dma_wait3A_110 = arith.constant 0 : i32
      %dma_wait3A_111 = tpu.memref_slice %arg10[%add3A_24, %dma_wait3A_110] : memref<10240x128xf32, #tpu.memory_space<vmem_shared>> -> memref<128x128xf32, #tpu.memory_space<vmem_shared>>
      %dma_wait3A_112 = arith.constant 0 : i32
      %dma_wait3A_113 = tpu.memref_slice %arg10[%add3A_24, %dma_wait3A_112] : memref<10240x128xf32, #tpu.memory_space<vmem_shared>> -> memref<128x128xf32, #tpu.memory_space<vmem_shared>>
      tpu.wait_dma2 semaphore(%run_scoped3A_105 : memref<!tpu.dma_semaphore, #tpu.memory_space<semaphore_mem>>) src(%arg8 : memref<128x128xf32, #tpu.memory_space<vmem>>) dst(%dma_wait3A_113 : memref<128x128xf32, #tpu.memory_space<vmem_shared>>)
      tpu.yield
    }) : () -> ()
    %barrier3A = arith.constant 0 : index
    tpu.barrier barrier_id(%barrier3A)
    %run_scoped3A = arith.constant 0 : i32
    "tpu.region"() ({
      %run_scoped3A_105 = tpu.sem_alloc : memref<!tpu.dma_semaphore, #tpu.memory_space<semaphore_mem>>
      %dma_start3A_106 = arith.constant 0 : i32
      %dma_start3A_107 = arith.constant 0 : i32
      %dma_start3A_108 = tpu.memref_slice %arg3[%arg0, %arg1, %run_scoped3A, %dma_start3A_106, %dma_start3A_107] : memref<2x16x2x40x128xi32, #tpu.memory_space<hbm>> -> memref<1x1x1x40x128xi32, #tpu.memory_space<hbm>>
      %dma_start3A_109 = tpu.memref_squeeze %dma_start3A_108 : memref<1x1x1x40x128xi32, #tpu.memory_space<hbm>> -> memref<40x128xi32, #tpu.memory_space<hbm>>
      %dma_start3A_110 = arith.constant 0 : i32
      %dma_start3A_111 = arith.constant 0 : i32
      %dma_start3A_112 = tpu.memref_slice %arg3[%arg0, %arg1, %run_scoped3A, %dma_start3A_110, %dma_start3A_111] : memref<2x16x2x40x128xi32, #tpu.memory_space<hbm>> -> memref<1x1x1x40x128xi32, #tpu.memory_space<hbm>>
      %dma_start3A_113 = tpu.memref_squeeze %dma_start3A_112 : memref<1x1x1x40x128xi32, #tpu.memory_space<hbm>> -> memref<40x128xi32, #tpu.memory_space<hbm>>
      tpu.enqueue_dma source(%dma_start3A_113 : memref<40x128xi32, #tpu.memory_space<hbm>>) target(%arg6 : memref<40x128xi32, #tpu.memory_space<vmem>>) target_semaphore(%run_scoped3A_105 : memref<!tpu.dma_semaphore, #tpu.memory_space<semaphore_mem>>)
      %dma_wait3A_114 = arith.constant 0 : i32
      %dma_wait3A_115 = arith.constant 0 : i32
      %dma_wait3A_116 = tpu.memref_slice %arg3[%arg0, %arg1, %run_scoped3A, %dma_wait3A_114, %dma_wait3A_115] : memref<2x16x2x40x128xi32, #tpu.memory_space<hbm>> -> memref<1x1x1x40x128xi32, #tpu.memory_space<hbm>>
      %dma_wait3A_117 = tpu.memref_squeeze %dma_wait3A_116 : memref<1x1x1x40x128xi32, #tpu.memory_space<hbm>> -> memref<40x128xi32, #tpu.memory_space<hbm>>
      %dma_wait3A_118 = arith.constant 0 : i32
      %dma_wait3A_119 = arith.constant 0 : i32
      %dma_wait3A_120 = tpu.memref_slice %arg3[%arg0, %arg1, %run_scoped3A, %dma_wait3A_118, %dma_wait3A_119] : memref<2x16x2x40x128xi32, #tpu.memory_space<hbm>> -> memref<1x1x1x40x128xi32, #tpu.memory_space<hbm>>
      %dma_wait3A_121 = tpu.memref_squeeze %dma_wait3A_120 : memref<1x1x1x40x128xi32, #tpu.memory_space<hbm>> -> memref<40x128xi32, #tpu.memory_space<hbm>>
      tpu.wait_dma2 semaphore(%run_scoped3A_105 : memref<!tpu.dma_semaphore, #tpu.memory_space<semaphore_mem>>) src(%dma_wait3A_121 : memref<40x128xi32, #tpu.memory_space<hbm>>) dst(%arg6 : memref<40x128xi32, #tpu.memory_space<vmem>>)
      tpu.yield
    }) : () -> ()
    %run_scoped3A_25 = arith.constant 0 : i32
    "tpu.region"() ({
      %run_scoped3A_105 = tpu.sem_alloc : memref<!tpu.dma_semaphore, #tpu.memory_space<semaphore_mem>>
      %dma_start3A_106 = arith.constant 0 : i32
      %dma_start3A_107 = arith.constant 0 : i32
      %dma_start3A_108 = tpu.memref_slice %arg4[%arg0, %arg1, %run_scoped3A_25, %dma_start3A_106, %dma_start3A_107] : memref<2x16x2x40x128xi32, #tpu.memory_space<hbm>> -> memref<1x1x1x40x128xi32, #tpu.memory_space<hbm>>
      %dma_start3A_109 = tpu.memref_squeeze %dma_start3A_108 : memref<1x1x1x40x128xi32, #tpu.memory_space<hbm>> -> memref<40x128xi32, #tpu.memory_space<hbm>>
      %dma_start3A_110 = arith.constant 0 : i32
      %dma_start3A_111 = arith.constant 0 : i32
      %dma_start3A_112 = tpu.memref_slice %arg4[%arg0, %arg1, %run_scoped3A_25, %dma_start3A_110, %dma_start3A_111] : memref<2x16x2x40x128xi32, #tpu.memory_space<hbm>> -> memref<1x1x1x40x128xi32, #tpu.memory_space<hbm>>
      %dma_start3A_113 = tpu.memref_squeeze %dma_start3A_112 : memref<1x1x1x40x128xi32, #tpu.memory_space<hbm>> -> memref<40x128xi32, #tpu.memory_space<hbm>>
      tpu.enqueue_dma source(%dma_start3A_113 : memref<40x128xi32, #tpu.memory_space<hbm>>) target(%arg7 : memref<40x128xi32, #tpu.memory_space<vmem>>) target_semaphore(%run_scoped3A_105 : memref<!tpu.dma_semaphore, #tpu.memory_space<semaphore_mem>>)
      %dma_wait3A_114 = arith.constant 0 : i32
      %dma_wait3A_115 = arith.constant 0 : i32
      %dma_wait3A_116 = tpu.memref_slice %arg4[%arg0, %arg1, %run_scoped3A_25, %dma_wait3A_114, %dma_wait3A_115] : memref<2x16x2x40x128xi32, #tpu.memory_space<hbm>> -> memref<1x1x1x40x128xi32, #tpu.memory_space<hbm>>
      %dma_wait3A_117 = tpu.memref_squeeze %dma_wait3A_116 : memref<1x1x1x40x128xi32, #tpu.memory_space<hbm>> -> memref<40x128xi32, #tpu.memory_space<hbm>>
      %dma_wait3A_118 = arith.constant 0 : i32
      %dma_wait3A_119 = arith.constant 0 : i32
      %dma_wait3A_120 = tpu.memref_slice %arg4[%arg0, %arg1, %run_scoped3A_25, %dma_wait3A_118, %dma_wait3A_119] : memref<2x16x2x40x128xi32, #tpu.memory_space<hbm>> -> memref<1x1x1x40x128xi32, #tpu.memory_space<hbm>>
      %dma_wait3A_121 = tpu.memref_squeeze %dma_wait3A_120 : memref<1x1x1x40x128xi32, #tpu.memory_space<hbm>> -> memref<40x128xi32, #tpu.memory_space<hbm>>
      tpu.wait_dma2 semaphore(%run_scoped3A_105 : memref<!tpu.dma_semaphore, #tpu.memory_space<semaphore_mem>>) src(%dma_wait3A_121 : memref<40x128xi32, #tpu.memory_space<hbm>>) dst(%arg7 : memref<40x128xi32, #tpu.memory_space<vmem>>)
      tpu.yield
    }) : () -> ()
    %dma_start3A = arith.constant 0 : i32
    %dma_start3A_26 = arith.constant 0 : i32
    %dma_start3A_27 = tpu.memref_slice %arg6[%dma_start3A, %dma_start3A_26] : memref<40x128xi32, #tpu.memory_space<vmem>> -> memref<1x128xi32, #tpu.memory_space<vmem>>
    %dma_start3A_28 = tpu.memref_squeeze %dma_start3A_27 : memref<1x128xi32, #tpu.memory_space<vmem>> -> memref<128xi32, #tpu.memory_space<vmem>>
    %dma_start3A_29 = arith.constant 0 : i32
    %dma_start3A_30 = arith.constant 0 : i32
    %dma_start3A_31 = tpu.memref_slice %arg2[%dma_start3A_29, %dma_start3A_30] : memref<10240x128xf32, #tpu.memory_space<hbm>> -> memref<10240x128xf32, #tpu.memory_space<hbm>>
    tpu.enqueue_indirect_dma source(%dma_start3A_31 : memref<10240x128xf32, #tpu.memory_space<hbm>>) target(%arg8 : memref<128x128xf32, #tpu.memory_space<vmem>>) offsets(%dma_start3A_28 : memref<128xi32, #tpu.memory_space<vmem>>) semaphore(%arg11 : memref<!tpu.dma_semaphore, #tpu.memory_space<semaphore_mem>>)
    %dma_start3A_32 = arith.constant 1 : i32
    %dma_start3A_33 = arith.constant 0 : i32
    %dma_start3A_34 = tpu.memref_slice %arg6[%dma_start3A_32, %dma_start3A_33] : memref<40x128xi32, #tpu.memory_space<vmem>> -> memref<1x128xi32, #tpu.memory_space<vmem>>
    %dma_start3A_35 = tpu.memref_squeeze %dma_start3A_34 : memref<1x128xi32, #tpu.memory_space<vmem>> -> memref<128xi32, #tpu.memory_space<vmem>>
    %dma_start3A_36 = arith.constant 0 : i32
    %dma_start3A_37 = arith.constant 0 : i32
    %dma_start3A_38 = tpu.memref_slice %arg2[%dma_start3A_36, %dma_start3A_37] : memref<10240x128xf32, #tpu.memory_space<hbm>> -> memref<10240x128xf32, #tpu.memory_space<hbm>>
    tpu.enqueue_indirect_dma source(%dma_start3A_38 : memref<10240x128xf32, #tpu.memory_space<hbm>>) target(%arg9 : memref<128x128xf32, #tpu.memory_space<vmem>>) offsets(%dma_start3A_35 : memref<128xi32, #tpu.memory_space<vmem>>) semaphore(%arg12 : memref<!tpu.dma_semaphore, #tpu.memory_space<semaphore_mem>>)
    %scan3A_39 = arith.constant 0 : i32
    %scan3A_40 = arith.constant 0 : i32
    %scan3A_41 = arith.constant 19 : i32
    %scan3A_42 = arith.addi %scan3A_40, %scan3A_41 : i32
    %scan3A_43 = arith.constant 1 : i32
    %scan3A_44 = scf.for %scan3A_105 = %scan3A_40 to %scan3A_42 step %scan3A_43 iter_args(%scan3A_106 = %scan3A_39) -> (i32)  : i32 {
      %mul3A_107 = arith.constant 2 : i32
      %mul3A_108 = arith.muli %mul3A_107, %scan3A_105 : i32
      %dma_wait3A_109 = arith.constant 0 : i32
      %dma_wait3A_110 = tpu.memref_slice %arg6[%mul3A_108, %dma_wait3A_109] : memref<40x128xi32, #tpu.memory_space<vmem>> -> memref<1x128xi32, #tpu.memory_space<vmem>>
      %dma_wait3A_111 = tpu.memref_squeeze %dma_wait3A_110 : memref<1x128xi32, #tpu.memory_space<vmem>> -> memref<128xi32, #tpu.memory_space<vmem>>
      %dma_wait3A_112 = arith.constant 0 : i32
      %dma_wait3A_113 = arith.constant 0 : i32
      %dma_wait3A_114 = tpu.memref_slice %arg2[%dma_wait3A_112, %dma_wait3A_113] : memref<10240x128xf32, #tpu.memory_space<hbm>> -> memref<10240x128xf32, #tpu.memory_space<hbm>>
      tpu.wait_indirect_dma semaphore(%arg11 : memref<!tpu.dma_semaphore, #tpu.memory_space<semaphore_mem>>) src(%dma_wait3A_114 : memref<10240x128xf32, #tpu.memory_space<hbm>>) dst(%arg8 : memref<128x128xf32, #tpu.memory_space<vmem>>)
      "tpu.region"() ({
        %run_scoped3A_142 = tpu.sem_alloc : memref<!tpu.dma_semaphore, #tpu.memory_space<semaphore_mem>>
        %dma_start3A_143 = arith.constant 0 : i32
        %dma_start3A_144 = tpu.memref_slice %arg7[%mul3A_108, %dma_start3A_143] : memref<40x128xi32, #tpu.memory_space<vmem>> -> memref<1x128xi32, #tpu.memory_space<vmem>>
        %dma_start3A_145 = tpu.memref_squeeze %dma_start3A_144 : memref<1x128xi32, #tpu.memory_space<vmem>> -> memref<128xi32, #tpu.memory_space<vmem>>
        %dma_start3A_146 = arith.constant 0 : i32
        %dma_start3A_147 = arith.constant 0 : i32
        %dma_start3A_148 = tpu.memref_slice %arg10[%dma_start3A_146, %dma_start3A_147] : memref<10240x128xf32, #tpu.memory_space<vmem_shared>> -> memref<10240x128xf32, #tpu.memory_space<vmem_shared>>
        tpu.enqueue_indirect_dma source(%arg8 : memref<128x128xf32, #tpu.memory_space<vmem>>) target(%dma_start3A_148 : memref<10240x128xf32, #tpu.memory_space<vmem_shared>>) offsets(%dma_start3A_145 : memref<128xi32, #tpu.memory_space<vmem>>) semaphore(%run_scoped3A_142 : memref<!tpu.dma_semaphore, #tpu.memory_space<semaphore_mem>>) {add = true}
        %dma_wait3A_149 = arith.constant 0 : i32
        %dma_wait3A_150 = tpu.memref_slice %arg7[%mul3A_108, %dma_wait3A_149] : memref<40x128xi32, #tpu.memory_space<vmem>> -> memref<1x128xi32, #tpu.memory_space<vmem>>
        %dma_wait3A_151 = tpu.memref_squeeze %dma_wait3A_150 : memref<1x128xi32, #tpu.memory_space<vmem>> -> memref<128xi32, #tpu.memory_space<vmem>>
        %dma_wait3A_152 = arith.constant 0 : i32
        %dma_wait3A_153 = arith.constant 0 : i32
        %dma_wait3A_154 = tpu.memref_slice %arg10[%dma_wait3A_152, %dma_wait3A_153] : memref<10240x128xf32, #tpu.memory_space<vmem_shared>> -> memref<10240x128xf32, #tpu.memory_space<vmem_shared>>
        tpu.wait_indirect_dma semaphore(%run_scoped3A_142 : memref<!tpu.dma_semaphore, #tpu.memory_space<semaphore_mem>>) src(%arg8 : memref<128x128xf32, #tpu.memory_space<vmem>>) dst(%dma_wait3A_154 : memref<10240x128xf32, #tpu.memory_space<vmem_shared>>)
        tpu.yield
      }) : () -> ()
      %add3A_115 = arith.constant 2 : i32
      %add3A_116 = arith.addi %mul3A_108, %add3A_115 : i32
      %dma_start3A_117 = arith.constant 0 : i32
      %dma_start3A_118 = tpu.memref_slice %arg6[%add3A_116, %dma_start3A_117] : memref<40x128xi32, #tpu.memory_space<vmem>> -> memref<1x128xi32, #tpu.memory_space<vmem>>
      %dma_start3A_119 = tpu.memref_squeeze %dma_start3A_118 : memref<1x128xi32, #tpu.memory_space<vmem>> -> memref<128xi32, #tpu.memory_space<vmem>>
      %dma_start3A_120 = arith.constant 0 : i32
      %dma_start3A_121 = arith.constant 0 : i32
      %dma_start3A_122 = tpu.memref_slice %arg2[%dma_start3A_120, %dma_start3A_121] : memref<10240x128xf32, #tpu.memory_space<hbm>> -> memref<10240x128xf32, #tpu.memory_space<hbm>>
      tpu.enqueue_indirect_dma source(%dma_start3A_122 : memref<10240x128xf32, #tpu.memory_space<hbm>>) target(%arg8 : memref<128x128xf32, #tpu.memory_space<vmem>>) offsets(%dma_start3A_119 : memref<128xi32, #tpu.memory_space<vmem>>) semaphore(%arg11 : memref<!tpu.dma_semaphore, #tpu.memory_space<semaphore_mem>>)
      %add3A_123 = arith.constant 1 : i32
      %add3A_124 = arith.addi %mul3A_108, %add3A_123 : i32
      %dma_wait3A_125 = arith.constant 0 : i32
      %dma_wait3A_126 = tpu.memref_slice %arg6[%add3A_124, %dma_wait3A_125] : memref<40x128xi32, #tpu.memory_space<vmem>> -> memref<1x128xi32, #tpu.memory_space<vmem>>
      %dma_wait3A_127 = tpu.memref_squeeze %dma_wait3A_126 : memref<1x128xi32, #tpu.memory_space<vmem>> -> memref<128xi32, #tpu.memory_space<vmem>>
      %dma_wait3A_128 = arith.constant 0 : i32
      %dma_wait3A_129 = arith.constant 0 : i32
      %dma_wait3A_130 = tpu.memref_slice %arg2[%dma_wait3A_128, %dma_wait3A_129] : memref<10240x128xf32, #tpu.memory_space<hbm>> -> memref<10240x128xf32, #tpu.memory_space<hbm>>
      tpu.wait_indirect_dma semaphore(%arg12 : memref<!tpu.dma_semaphore, #tpu.memory_space<semaphore_mem>>) src(%dma_wait3A_130 : memref<10240x128xf32, #tpu.memory_space<hbm>>) dst(%arg9 : memref<128x128xf32, #tpu.memory_space<vmem>>)
      %add3A_131 = arith.constant 1 : i32
      %add3A_132 = arith.addi %mul3A_108, %add3A_131 : i32
      "tpu.region"() ({
        %run_scoped3A_142 = tpu.sem_alloc : memref<!tpu.dma_semaphore, #tpu.memory_space<semaphore_mem>>
        %dma_start3A_143 = arith.constant 0 : i32
        %dma_start3A_144 = tpu.memref_slice %arg7[%add3A_132, %dma_start3A_143] : memref<40x128xi32, #tpu.memory_space<vmem>> -> memref<1x128xi32, #tpu.memory_space<vmem>>
        %dma_start3A_145 = tpu.memref_squeeze %dma_start3A_144 : memref<1x128xi32, #tpu.memory_space<vmem>> -> memref<128xi32, #tpu.memory_space<vmem>>
        %dma_start3A_146 = arith.constant 0 : i32
        %dma_start3A_147 = arith.constant 0 : i32
        %dma_start3A_148 = tpu.memref_slice %arg10[%dma_start3A_146, %dma_start3A_147] : memref<10240x128xf32, #tpu.memory_space<vmem_shared>> -> memref<10240x128xf32, #tpu.memory_space<vmem_shared>>
        tpu.enqueue_indirect_dma source(%arg9 : memref<128x128xf32, #tpu.memory_space<vmem>>) target(%dma_start3A_148 : memref<10240x128xf32, #tpu.memory_space<vmem_shared>>) offsets(%dma_start3A_145 : memref<128xi32, #tpu.memory_space<vmem>>) semaphore(%run_scoped3A_142 : memref<!tpu.dma_semaphore, #tpu.memory_space<semaphore_mem>>) {add = true}
        %dma_wait3A_149 = arith.constant 0 : i32
        %dma_wait3A_150 = tpu.memref_slice %arg7[%add3A_132, %dma_wait3A_149] : memref<40x128xi32, #tpu.memory_space<vmem>> -> memref<1x128xi32, #tpu.memory_space<vmem>>
        %dma_wait3A_151 = tpu.memref_squeeze %dma_wait3A_150 : memref<1x128xi32, #tpu.memory_space<vmem>> -> memref<128xi32, #tpu.memory_space<vmem>>
        %dma_wait3A_152 = arith.constant 0 : i32
        %dma_wait3A_153 = arith.constant 0 : i32
        %dma_wait3A_154 = tpu.memref_slice %arg10[%dma_wait3A_152, %dma_wait3A_153] : memref<10240x128xf32, #tpu.memory_space<vmem_shared>> -> memref<10240x128xf32, #tpu.memory_space<vmem_shared>>
        tpu.wait_indirect_dma semaphore(%run_scoped3A_142 : memref<!tpu.dma_semaphore, #tpu.memory_space<semaphore_mem>>) src(%arg9 : memref<128x128xf32, #tpu.memory_space<vmem>>) dst(%dma_wait3A_154 : memref<10240x128xf32, #tpu.memory_space<vmem_shared>>)
        tpu.yield
      }) : () -> ()
      %add3A_133 = arith.constant 3 : i32
      %add3A_134 = arith.addi %mul3A_108, %add3A_133 : i32
      %dma_start3A_135 = arith.constant 0 : i32
      %dma_start3A_136 = tpu.memref_slice %arg6[%add3A_134, %dma_start3A_135] : memref<40x128xi32, #tpu.memory_space<vmem>> -> memref<1x128xi32, #tpu.memory_space<vmem>>
      %dma_start3A_137 = tpu.memref_squeeze %dma_start3A_136 : memref<1x128xi32, #tpu.memory_space<vmem>> -> memref<128xi32, #tpu.memory_space<vmem>>
      %dma_start3A_138 = arith.constant 0 : i32
      %dma_start3A_139 = arith.constant 0 : i32
      %dma_start3A_140 = tpu.memref_slice %arg2[%dma_start3A_138, %dma_start3A_139] : memref<10240x128xf32, #tpu.memory_space<hbm>> -> memref<10240x128xf32, #tpu.memory_space<hbm>>
      tpu.enqueue_indirect_dma source(%dma_start3A_140 : memref<10240x128xf32, #tpu.memory_space<hbm>>) target(%arg9 : memref<128x128xf32, #tpu.memory_space<vmem>>) offsets(%dma_start3A_137 : memref<128xi32, #tpu.memory_space<vmem>>) semaphore(%arg12 : memref<!tpu.dma_semaphore, #tpu.memory_space<semaphore_mem>>)
      %scan3A_141 = arith.constant 0 : i32
      scf.yield %scan3A_141 : i32
    }
    %scan3A_45 = arith.constant 19 : i32
    %dma_wait3A = arith.constant 38 : i32
    %dma_wait3A_46 = arith.constant 0 : i32
    %dma_wait3A_47 = tpu.memref_slice %arg6[%dma_wait3A, %dma_wait3A_46] : memref<40x128xi32, #tpu.memory_space<vmem>> -> memref<1x128xi32, #tpu.memory_space<vmem>>
    %dma_wait3A_48 = tpu.memref_squeeze %dma_wait3A_47 : memref<1x128xi32, #tpu.memory_space<vmem>> -> memref<128xi32, #tpu.memory_space<vmem>>
    %dma_wait3A_49 = arith.constant 0 : i32
    %dma_wait3A_50 = arith.constant 0 : i32
    %dma_wait3A_51 = tpu.memref_slice %arg2[%dma_wait3A_49, %dma_wait3A_50] : memref<10240x128xf32, #tpu.memory_space<hbm>> -> memref<10240x128xf32, #tpu.memory_space<hbm>>
    tpu.wait_indirect_dma semaphore(%arg11 : memref<!tpu.dma_semaphore, #tpu.memory_space<semaphore_mem>>) src(%dma_wait3A_51 : memref<10240x128xf32, #tpu.memory_space<hbm>>) dst(%arg8 : memref<128x128xf32, #tpu.memory_space<vmem>>)
    %run_scoped3A_52 = arith.constant 38 : i32
    "tpu.region"() ({
      %run_scoped3A_105 = tpu.sem_alloc : memref<!tpu.dma_semaphore, #tpu.memory_space<semaphore_mem>>
      %dma_start3A_106 = arith.constant 0 : i32
      %dma_start3A_107 = tpu.memref_slice %arg7[%run_scoped3A_52, %dma_start3A_106] : memref<40x128xi32, #tpu.memory_space<vmem>> -> memref<1x128xi32, #tpu.memory_space<vmem>>
      %dma_start3A_108 = tpu.memref_squeeze %dma_start3A_107 : memref<1x128xi32, #tpu.memory_space<vmem>> -> memref<128xi32, #tpu.memory_space<vmem>>
      %dma_start3A_109 = arith.constant 0 : i32
      %dma_start3A_110 = arith.constant 0 : i32
      %dma_start3A_111 = tpu.memref_slice %arg10[%dma_start3A_109, %dma_start3A_110] : memref<10240x128xf32, #tpu.memory_space<vmem_shared>> -> memref<10240x128xf32, #tpu.memory_space<vmem_shared>>
      tpu.enqueue_indirect_dma source(%arg8 : memref<128x128xf32, #tpu.memory_space<vmem>>) target(%dma_start3A_111 : memref<10240x128xf32, #tpu.memory_space<vmem_shared>>) offsets(%dma_start3A_108 : memref<128xi32, #tpu.memory_space<vmem>>) semaphore(%run_scoped3A_105 : memref<!tpu.dma_semaphore, #tpu.memory_space<semaphore_mem>>) {add = true}
      %dma_wait3A_112 = arith.constant 0 : i32
      %dma_wait3A_113 = tpu.memref_slice %arg7[%run_scoped3A_52, %dma_wait3A_112] : memref<40x128xi32, #tpu.memory_space<vmem>> -> memref<1x128xi32, #tpu.memory_space<vmem>>
      %dma_wait3A_114 = tpu.memref_squeeze %dma_wait3A_113 : memref<1x128xi32, #tpu.memory_space<vmem>> -> memref<128xi32, #tpu.memory_space<vmem>>
      %dma_wait3A_115 = arith.constant 0 : i32
      %dma_wait3A_116 = arith.constant 0 : i32
      %dma_wait3A_117 = tpu.memref_slice %arg10[%dma_wait3A_115, %dma_wait3A_116] : memref<10240x128xf32, #tpu.memory_space<vmem_shared>> -> memref<10240x128xf32, #tpu.memory_space<vmem_shared>>
      tpu.wait_indirect_dma semaphore(%run_scoped3A_105 : memref<!tpu.dma_semaphore, #tpu.memory_space<semaphore_mem>>) src(%arg8 : memref<128x128xf32, #tpu.memory_space<vmem>>) dst(%dma_wait3A_117 : memref<10240x128xf32, #tpu.memory_space<vmem_shared>>)
      tpu.yield
    }) : () -> ()
    %dma_wait3A_53 = arith.constant 39 : i32
    %dma_wait3A_54 = arith.constant 0 : i32
    %dma_wait3A_55 = tpu.memref_slice %arg6[%dma_wait3A_53, %dma_wait3A_54] : memref<40x128xi32, #tpu.memory_space<vmem>> -> memref<1x128xi32, #tpu.memory_space<vmem>>
    %dma_wait3A_56 = tpu.memref_squeeze %dma_wait3A_55 : memref<1x128xi32, #tpu.memory_space<vmem>> -> memref<128xi32, #tpu.memory_space<vmem>>
    %dma_wait3A_57 = arith.constant 0 : i32
    %dma_wait3A_58 = arith.constant 0 : i32
    %dma_wait3A_59 = tpu.memref_slice %arg2[%dma_wait3A_57, %dma_wait3A_58] : memref<10240x128xf32, #tpu.memory_space<hbm>> -> memref<10240x128xf32, #tpu.memory_space<hbm>>
    tpu.wait_indirect_dma semaphore(%arg12 : memref<!tpu.dma_semaphore, #tpu.memory_space<semaphore_mem>>) src(%dma_wait3A_59 : memref<10240x128xf32, #tpu.memory_space<hbm>>) dst(%arg9 : memref<128x128xf32, #tpu.memory_space<vmem>>)
    %run_scoped3A_60 = arith.constant 39 : i32
    "tpu.region"() ({
      %run_scoped3A_105 = tpu.sem_alloc : memref<!tpu.dma_semaphore, #tpu.memory_space<semaphore_mem>>
      %dma_start3A_106 = arith.constant 0 : i32
      %dma_start3A_107 = tpu.memref_slice %arg7[%run_scoped3A_60, %dma_start3A_106] : memref<40x128xi32, #tpu.memory_space<vmem>> -> memref<1x128xi32, #tpu.memory_space<vmem>>
      %dma_start3A_108 = tpu.memref_squeeze %dma_start3A_107 : memref<1x128xi32, #tpu.memory_space<vmem>> -> memref<128xi32, #tpu.memory_space<vmem>>
      %dma_start3A_109 = arith.constant 0 : i32
      %dma_start3A_110 = arith.constant 0 : i32
      %dma_start3A_111 = tpu.memref_slice %arg10[%dma_start3A_109, %dma_start3A_110] : memref<10240x128xf32, #tpu.memory_space<vmem_shared>> -> memref<10240x128xf32, #tpu.memory_space<vmem_shared>>
      tpu.enqueue_indirect_dma source(%arg9 : memref<128x128xf32, #tpu.memory_space<vmem>>) target(%dma_start3A_111 : memref<10240x128xf32, #tpu.memory_space<vmem_shared>>) offsets(%dma_start3A_108 : memref<128xi32, #tpu.memory_space<vmem>>) semaphore(%run_scoped3A_105 : memref<!tpu.dma_semaphore, #tpu.memory_space<semaphore_mem>>) {add = true}
      %dma_wait3A_112 = arith.constant 0 : i32
      %dma_wait3A_113 = tpu.memref_slice %arg7[%run_scoped3A_60, %dma_wait3A_112] : memref<40x128xi32, #tpu.memory_space<vmem>> -> memref<1x128xi32, #tpu.memory_space<vmem>>
      %dma_wait3A_114 = tpu.memref_squeeze %dma_wait3A_113 : memref<1x128xi32, #tpu.memory_space<vmem>> -> memref<128xi32, #tpu.memory_space<vmem>>
      %dma_wait3A_115 = arith.constant 0 : i32
      %dma_wait3A_116 = arith.constant 0 : i32
      %dma_wait3A_117 = tpu.memref_slice %arg10[%dma_wait3A_115, %dma_wait3A_116] : memref<10240x128xf32, #tpu.memory_space<vmem_shared>> -> memref<10240x128xf32, #tpu.memory_space<vmem_shared>>
      tpu.wait_indirect_dma semaphore(%run_scoped3A_105 : memref<!tpu.dma_semaphore, #tpu.memory_space<semaphore_mem>>) src(%arg9 : memref<128x128xf32, #tpu.memory_space<vmem>>) dst(%dma_wait3A_117 : memref<10240x128xf32, #tpu.memory_space<vmem_shared>>)
      tpu.yield
    }) : () -> ()
    %run_scoped3A_61 = arith.constant 1 : i32
    "tpu.region"() ({
      %run_scoped3A_105 = tpu.sem_alloc : memref<!tpu.dma_semaphore, #tpu.memory_space<semaphore_mem>>
      %dma_start3A_106 = arith.constant 0 : i32
      %dma_start3A_107 = arith.constant 0 : i32
      %dma_start3A_108 = tpu.memref_slice %arg3[%arg0, %arg1, %run_scoped3A_61, %dma_start3A_106, %dma_start3A_107] : memref<2x16x2x40x128xi32, #tpu.memory_space<hbm>> -> memref<1x1x1x40x128xi32, #tpu.memory_space<hbm>>
      %dma_start3A_109 = tpu.memref_squeeze %dma_start3A_108 : memref<1x1x1x40x128xi32, #tpu.memory_space<hbm>> -> memref<40x128xi32, #tpu.memory_space<hbm>>
      %dma_start3A_110 = arith.constant 0 : i32
      %dma_start3A_111 = arith.constant 0 : i32
      %dma_start3A_112 = tpu.memref_slice %arg3[%arg0, %arg1, %run_scoped3A_61, %dma_start3A_110, %dma_start3A_111] : memref<2x16x2x40x128xi32, #tpu.memory_space<hbm>> -> memref<1x1x1x40x128xi32, #tpu.memory_space<hbm>>
      %dma_start3A_113 = tpu.memref_squeeze %dma_start3A_112 : memref<1x1x1x40x128xi32, #tpu.memory_space<hbm>> -> memref<40x128xi32, #tpu.memory_space<hbm>>
      tpu.enqueue_dma source(%dma_start3A_113 : memref<40x128xi32, #tpu.memory_space<hbm>>) target(%arg6 : memref<40x128xi32, #tpu.memory_space<vmem>>) target_semaphore(%run_scoped3A_105 : memref<!tpu.dma_semaphore, #tpu.memory_space<semaphore_mem>>)
      %dma_wait3A_114 = arith.constant 0 : i32
      %dma_wait3A_115 = arith.constant 0 : i32
      %dma_wait3A_116 = tpu.memref_slice %arg3[%arg0, %arg1, %run_scoped3A_61, %dma_wait3A_114, %dma_wait3A_115] : memref<2x16x2x40x128xi32, #tpu.memory_space<hbm>> -> memref<1x1x1x40x128xi32, #tpu.memory_space<hbm>>
      %dma_wait3A_117 = tpu.memref_squeeze %dma_wait3A_116 : memref<1x1x1x40x128xi32, #tpu.memory_space<hbm>> -> memref<40x128xi32, #tpu.memory_space<hbm>>
      %dma_wait3A_118 = arith.constant 0 : i32
      %dma_wait3A_119 = arith.constant 0 : i32
      %dma_wait3A_120 = tpu.memref_slice %arg3[%arg0, %arg1, %run_scoped3A_61, %dma_wait3A_118, %dma_wait3A_119] : memref<2x16x2x40x128xi32, #tpu.memory_space<hbm>> -> memref<1x1x1x40x128xi32, #tpu.memory_space<hbm>>
      %dma_wait3A_121 = tpu.memref_squeeze %dma_wait3A_120 : memref<1x1x1x40x128xi32, #tpu.memory_space<hbm>> -> memref<40x128xi32, #tpu.memory_space<hbm>>
      tpu.wait_dma2 semaphore(%run_scoped3A_105 : memref<!tpu.dma_semaphore, #tpu.memory_space<semaphore_mem>>) src(%dma_wait3A_121 : memref<40x128xi32, #tpu.memory_space<hbm>>) dst(%arg6 : memref<40x128xi32, #tpu.memory_space<vmem>>)
      tpu.yield
    }) : () -> ()
    %run_scoped3A_62 = arith.constant 1 : i32
    "tpu.region"() ({
      %run_scoped3A_105 = tpu.sem_alloc : memref<!tpu.dma_semaphore, #tpu.memory_space<semaphore_mem>>
      %dma_start3A_106 = arith.constant 0 : i32
      %dma_start3A_107 = arith.constant 0 : i32
      %dma_start3A_108 = tpu.memref_slice %arg4[%arg0, %arg1, %run_scoped3A_62, %dma_start3A_106, %dma_start3A_107] : memref<2x16x2x40x128xi32, #tpu.memory_space<hbm>> -> memref<1x1x1x40x128xi32, #tpu.memory_space<hbm>>
      %dma_start3A_109 = tpu.memref_squeeze %dma_start3A_108 : memref<1x1x1x40x128xi32, #tpu.memory_space<hbm>> -> memref<40x128xi32, #tpu.memory_space<hbm>>
      %dma_start3A_110 = arith.constant 0 : i32
      %dma_start3A_111 = arith.constant 0 : i32
      %dma_start3A_112 = tpu.memref_slice %arg4[%arg0, %arg1, %run_scoped3A_62, %dma_start3A_110, %dma_start3A_111] : memref<2x16x2x40x128xi32, #tpu.memory_space<hbm>> -> memref<1x1x1x40x128xi32, #tpu.memory_space<hbm>>
      %dma_start3A_113 = tpu.memref_squeeze %dma_start3A_112 : memref<1x1x1x40x128xi32, #tpu.memory_space<hbm>> -> memref<40x128xi32, #tpu.memory_space<hbm>>
      tpu.enqueue_dma source(%dma_start3A_113 : memref<40x128xi32, #tpu.memory_space<hbm>>) target(%arg7 : memref<40x128xi32, #tpu.memory_space<vmem>>) target_semaphore(%run_scoped3A_105 : memref<!tpu.dma_semaphore, #tpu.memory_space<semaphore_mem>>)
      %dma_wait3A_114 = arith.constant 0 : i32
      %dma_wait3A_115 = arith.constant 0 : i32
      %dma_wait3A_116 = tpu.memref_slice %arg4[%arg0, %arg1, %run_scoped3A_62, %dma_wait3A_114, %dma_wait3A_115] : memref<2x16x2x40x128xi32, #tpu.memory_space<hbm>> -> memref<1x1x1x40x128xi32, #tpu.memory_space<hbm>>
      %dma_wait3A_117 = tpu.memref_squeeze %dma_wait3A_116 : memref<1x1x1x40x128xi32, #tpu.memory_space<hbm>> -> memref<40x128xi32, #tpu.memory_space<hbm>>
      %dma_wait3A_118 = arith.constant 0 : i32
      %dma_wait3A_119 = arith.constant 0 : i32
      %dma_wait3A_120 = tpu.memref_slice %arg4[%arg0, %arg1, %run_scoped3A_62, %dma_wait3A_118, %dma_wait3A_119] : memref<2x16x2x40x128xi32, #tpu.memory_space<hbm>> -> memref<1x1x1x40x128xi32, #tpu.memory_space<hbm>>
      %dma_wait3A_121 = tpu.memref_squeeze %dma_wait3A_120 : memref<1x1x1x40x128xi32, #tpu.memory_space<hbm>> -> memref<40x128xi32, #tpu.memory_space<hbm>>
      tpu.wait_dma2 semaphore(%run_scoped3A_105 : memref<!tpu.dma_semaphore, #tpu.memory_space<semaphore_mem>>) src(%dma_wait3A_121 : memref<40x128xi32, #tpu.memory_space<hbm>>) dst(%arg7 : memref<40x128xi32, #tpu.memory_space<vmem>>)
      tpu.yield
    }) : () -> ()
    %dma_start3A_63 = arith.constant 0 : i32
    %dma_start3A_64 = arith.constant 0 : i32
    %dma_start3A_65 = tpu.memref_slice %arg6[%dma_start3A_63, %dma_start3A_64] : memref<40x128xi32, #tpu.memory_space<vmem>> -> memref<1x128xi32, #tpu.memory_space<vmem>>
    %dma_start3A_66 = tpu.memref_squeeze %dma_start3A_65 : memref<1x128xi32, #tpu.memory_space<vmem>> -> memref<128xi32, #tpu.memory_space<vmem>>
    %dma_start3A_67 = arith.constant 0 : i32
    %dma_start3A_68 = arith.constant 0 : i32
    %dma_start3A_69 = tpu.memref_slice %arg2[%dma_start3A_67, %dma_start3A_68] : memref<10240x128xf32, #tpu.memory_space<hbm>> -> memref<10240x128xf32, #tpu.memory_space<hbm>>
    tpu.enqueue_indirect_dma source(%dma_start3A_69 : memref<10240x128xf32, #tpu.memory_space<hbm>>) target(%arg8 : memref<128x128xf32, #tpu.memory_space<vmem>>) offsets(%dma_start3A_66 : memref<128xi32, #tpu.memory_space<vmem>>) semaphore(%arg11 : memref<!tpu.dma_semaphore, #tpu.memory_space<semaphore_mem>>)
    %dma_start3A_70 = arith.constant 1 : i32
    %dma_start3A_71 = arith.constant 0 : i32
    %dma_start3A_72 = tpu.memref_slice %arg6[%dma_start3A_70, %dma_start3A_71] : memref<40x128xi32, #tpu.memory_space<vmem>> -> memref<1x128xi32, #tpu.memory_space<vmem>>
    %dma_start3A_73 = tpu.memref_squeeze %dma_start3A_72 : memref<1x128xi32, #tpu.memory_space<vmem>> -> memref<128xi32, #tpu.memory_space<vmem>>
    %dma_start3A_74 = arith.constant 0 : i32
    %dma_start3A_75 = arith.constant 0 : i32
    %dma_start3A_76 = tpu.memref_slice %arg2[%dma_start3A_74, %dma_start3A_75] : memref<10240x128xf32, #tpu.memory_space<hbm>> -> memref<10240x128xf32, #tpu.memory_space<hbm>>
    tpu.enqueue_indirect_dma source(%dma_start3A_76 : memref<10240x128xf32, #tpu.memory_space<hbm>>) target(%arg9 : memref<128x128xf32, #tpu.memory_space<vmem>>) offsets(%dma_start3A_73 : memref<128xi32, #tpu.memory_space<vmem>>) semaphore(%arg12 : memref<!tpu.dma_semaphore, #tpu.memory_space<semaphore_mem>>)
    %scan3A_77 = arith.constant 0 : i32
    %scan3A_78 = arith.constant 0 : i32
    %scan3A_79 = arith.constant 19 : i32
    %scan3A_80 = arith.addi %scan3A_78, %scan3A_79 : i32
    %scan3A_81 = arith.constant 1 : i32
    %scan3A_82 = scf.for %scan3A_105 = %scan3A_78 to %scan3A_80 step %scan3A_81 iter_args(%scan3A_106 = %scan3A_77) -> (i32)  : i32 {
      %mul3A_107 = arith.constant 2 : i32
      %mul3A_108 = arith.muli %mul3A_107, %scan3A_105 : i32
      %dma_wait3A_109 = arith.constant 0 : i32
      %dma_wait3A_110 = tpu.memref_slice %arg6[%mul3A_108, %dma_wait3A_109] : memref<40x128xi32, #tpu.memory_space<vmem>> -> memref<1x128xi32, #tpu.memory_space<vmem>>
      %dma_wait3A_111 = tpu.memref_squeeze %dma_wait3A_110 : memref<1x128xi32, #tpu.memory_space<vmem>> -> memref<128xi32, #tpu.memory_space<vmem>>
      %dma_wait3A_112 = arith.constant 0 : i32
      %dma_wait3A_113 = arith.constant 0 : i32
      %dma_wait3A_114 = tpu.memref_slice %arg2[%dma_wait3A_112, %dma_wait3A_113] : memref<10240x128xf32, #tpu.memory_space<hbm>> -> memref<10240x128xf32, #tpu.memory_space<hbm>>
      tpu.wait_indirect_dma semaphore(%arg11 : memref<!tpu.dma_semaphore, #tpu.memory_space<semaphore_mem>>) src(%dma_wait3A_114 : memref<10240x128xf32, #tpu.memory_space<hbm>>) dst(%arg8 : memref<128x128xf32, #tpu.memory_space<vmem>>)
      "tpu.region"() ({
        %run_scoped3A_142 = tpu.sem_alloc : memref<!tpu.dma_semaphore, #tpu.memory_space<semaphore_mem>>
        %dma_start3A_143 = arith.constant 0 : i32
        %dma_start3A_144 = tpu.memref_slice %arg7[%mul3A_108, %dma_start3A_143] : memref<40x128xi32, #tpu.memory_space<vmem>> -> memref<1x128xi32, #tpu.memory_space<vmem>>
        %dma_start3A_145 = tpu.memref_squeeze %dma_start3A_144 : memref<1x128xi32, #tpu.memory_space<vmem>> -> memref<128xi32, #tpu.memory_space<vmem>>
        %dma_start3A_146 = arith.constant 0 : i32
        %dma_start3A_147 = arith.constant 0 : i32
        %dma_start3A_148 = tpu.memref_slice %arg10[%dma_start3A_146, %dma_start3A_147] : memref<10240x128xf32, #tpu.memory_space<vmem_shared>> -> memref<10240x128xf32, #tpu.memory_space<vmem_shared>>
        tpu.enqueue_indirect_dma source(%arg8 : memref<128x128xf32, #tpu.memory_space<vmem>>) target(%dma_start3A_148 : memref<10240x128xf32, #tpu.memory_space<vmem_shared>>) offsets(%dma_start3A_145 : memref<128xi32, #tpu.memory_space<vmem>>) semaphore(%run_scoped3A_142 : memref<!tpu.dma_semaphore, #tpu.memory_space<semaphore_mem>>) {add = true}
        %dma_wait3A_149 = arith.constant 0 : i32
        %dma_wait3A_150 = tpu.memref_slice %arg7[%mul3A_108, %dma_wait3A_149] : memref<40x128xi32, #tpu.memory_space<vmem>> -> memref<1x128xi32, #tpu.memory_space<vmem>>
        %dma_wait3A_151 = tpu.memref_squeeze %dma_wait3A_150 : memref<1x128xi32, #tpu.memory_space<vmem>> -> memref<128xi32, #tpu.memory_space<vmem>>
        %dma_wait3A_152 = arith.constant 0 : i32
        %dma_wait3A_153 = arith.constant 0 : i32
        %dma_wait3A_154 = tpu.memref_slice %arg10[%dma_wait3A_152, %dma_wait3A_153] : memref<10240x128xf32, #tpu.memory_space<vmem_shared>> -> memref<10240x128xf32, #tpu.memory_space<vmem_shared>>
        tpu.wait_indirect_dma semaphore(%run_scoped3A_142 : memref<!tpu.dma_semaphore, #tpu.memory_space<semaphore_mem>>) src(%arg8 : memref<128x128xf32, #tpu.memory_space<vmem>>) dst(%dma_wait3A_154 : memref<10240x128xf32, #tpu.memory_space<vmem_shared>>)
        tpu.yield
      }) : () -> ()
      %add3A_115 = arith.constant 2 : i32
      %add3A_116 = arith.addi %mul3A_108, %add3A_115 : i32
      %dma_start3A_117 = arith.constant 0 : i32
      %dma_start3A_118 = tpu.memref_slice %arg6[%add3A_116, %dma_start3A_117] : memref<40x128xi32, #tpu.memory_space<vmem>> -> memref<1x128xi32, #tpu.memory_space<vmem>>
      %dma_start3A_119 = tpu.memref_squeeze %dma_start3A_118 : memref<1x128xi32, #tpu.memory_space<vmem>> -> memref<128xi32, #tpu.memory_space<vmem>>
      %dma_start3A_120 = arith.constant 0 : i32
      %dma_start3A_121 = arith.constant 0 : i32
      %dma_start3A_122 = tpu.memref_slice %arg2[%dma_start3A_120, %dma_start3A_121] : memref<10240x128xf32, #tpu.memory_space<hbm>> -> memref<10240x128xf32, #tpu.memory_space<hbm>>
      tpu.enqueue_indirect_dma source(%dma_start3A_122 : memref<10240x128xf32, #tpu.memory_space<hbm>>) target(%arg8 : memref<128x128xf32, #tpu.memory_space<vmem>>) offsets(%dma_start3A_119 : memref<128xi32, #tpu.memory_space<vmem>>) semaphore(%arg11 : memref<!tpu.dma_semaphore, #tpu.memory_space<semaphore_mem>>)
      %add3A_123 = arith.constant 1 : i32
      %add3A_124 = arith.addi %mul3A_108, %add3A_123 : i32
      %dma_wait3A_125 = arith.constant 0 : i32
      %dma_wait3A_126 = tpu.memref_slice %arg6[%add3A_124, %dma_wait3A_125] : memref<40x128xi32, #tpu.memory_space<vmem>> -> memref<1x128xi32, #tpu.memory_space<vmem>>
      %dma_wait3A_127 = tpu.memref_squeeze %dma_wait3A_126 : memref<1x128xi32, #tpu.memory_space<vmem>> -> memref<128xi32, #tpu.memory_space<vmem>>
      %dma_wait3A_128 = arith.constant 0 : i32
      %dma_wait3A_129 = arith.constant 0 : i32
      %dma_wait3A_130 = tpu.memref_slice %arg2[%dma_wait3A_128, %dma_wait3A_129] : memref<10240x128xf32, #tpu.memory_space<hbm>> -> memref<10240x128xf32, #tpu.memory_space<hbm>>
      tpu.wait_indirect_dma semaphore(%arg12 : memref<!tpu.dma_semaphore, #tpu.memory_space<semaphore_mem>>) src(%dma_wait3A_130 : memref<10240x128xf32, #tpu.memory_space<hbm>>) dst(%arg9 : memref<128x128xf32, #tpu.memory_space<vmem>>)
      %add3A_131 = arith.constant 1 : i32
      %add3A_132 = arith.addi %mul3A_108, %add3A_131 : i32
      "tpu.region"() ({
        %run_scoped3A_142 = tpu.sem_alloc : memref<!tpu.dma_semaphore, #tpu.memory_space<semaphore_mem>>
        %dma_start3A_143 = arith.constant 0 : i32
        %dma_start3A_144 = tpu.memref_slice %arg7[%add3A_132, %dma_start3A_143] : memref<40x128xi32, #tpu.memory_space<vmem>> -> memref<1x128xi32, #tpu.memory_space<vmem>>
        %dma_start3A_145 = tpu.memref_squeeze %dma_start3A_144 : memref<1x128xi32, #tpu.memory_space<vmem>> -> memref<128xi32, #tpu.memory_space<vmem>>
        %dma_start3A_146 = arith.constant 0 : i32
        %dma_start3A_147 = arith.constant 0 : i32
        %dma_start3A_148 = tpu.memref_slice %arg10[%dma_start3A_146, %dma_start3A_147] : memref<10240x128xf32, #tpu.memory_space<vmem_shared>> -> memref<10240x128xf32, #tpu.memory_space<vmem_shared>>
        tpu.enqueue_indirect_dma source(%arg9 : memref<128x128xf32, #tpu.memory_space<vmem>>) target(%dma_start3A_148 : memref<10240x128xf32, #tpu.memory_space<vmem_shared>>) offsets(%dma_start3A_145 : memref<128xi32, #tpu.memory_space<vmem>>) semaphore(%run_scoped3A_142 : memref<!tpu.dma_semaphore, #tpu.memory_space<semaphore_mem>>) {add = true}
        %dma_wait3A_149 = arith.constant 0 : i32
        %dma_wait3A_150 = tpu.memref_slice %arg7[%add3A_132, %dma_wait3A_149] : memref<40x128xi32, #tpu.memory_space<vmem>> -> memref<1x128xi32, #tpu.memory_space<vmem>>
        %dma_wait3A_151 = tpu.memref_squeeze %dma_wait3A_150 : memref<1x128xi32, #tpu.memory_space<vmem>> -> memref<128xi32, #tpu.memory_space<vmem>>
        %dma_wait3A_152 = arith.constant 0 : i32
        %dma_wait3A_153 = arith.constant 0 : i32
        %dma_wait3A_154 = tpu.memref_slice %arg10[%dma_wait3A_152, %dma_wait3A_153] : memref<10240x128xf32, #tpu.memory_space<vmem_shared>> -> memref<10240x128xf32, #tpu.memory_space<vmem_shared>>
        tpu.wait_indirect_dma semaphore(%run_scoped3A_142 : memref<!tpu.dma_semaphore, #tpu.memory_space<semaphore_mem>>) src(%arg9 : memref<128x128xf32, #tpu.memory_space<vmem>>) dst(%dma_wait3A_154 : memref<10240x128xf32, #tpu.memory_space<vmem_shared>>)
        tpu.yield
      }) : () -> ()
      %add3A_133 = arith.constant 3 : i32
      %add3A_134 = arith.addi %mul3A_108, %add3A_133 : i32
      %dma_start3A_135 = arith.constant 0 : i32
      %dma_start3A_136 = tpu.memref_slice %arg6[%add3A_134, %dma_start3A_135] : memref<40x128xi32, #tpu.memory_space<vmem>> -> memref<1x128xi32, #tpu.memory_space<vmem>>
      %dma_start3A_137 = tpu.memref_squeeze %dma_start3A_136 : memref<1x128xi32, #tpu.memory_space<vmem>> -> memref<128xi32, #tpu.memory_space<vmem>>
      %dma_start3A_138 = arith.constant 0 : i32
      %dma_start3A_139 = arith.constant 0 : i32
      %dma_start3A_140 = tpu.memref_slice %arg2[%dma_start3A_138, %dma_start3A_139] : memref<10240x128xf32, #tpu.memory_space<hbm>> -> memref<10240x128xf32, #tpu.memory_space<hbm>>
      tpu.enqueue_indirect_dma source(%dma_start3A_140 : memref<10240x128xf32, #tpu.memory_space<hbm>>) target(%arg9 : memref<128x128xf32, #tpu.memory_space<vmem>>) offsets(%dma_start3A_137 : memref<128xi32, #tpu.memory_space<vmem>>) semaphore(%arg12 : memref<!tpu.dma_semaphore, #tpu.memory_space<semaphore_mem>>)
      %scan3A_141 = arith.constant 0 : i32
      scf.yield %scan3A_141 : i32
    }
    %scan3A_83 = arith.constant 19 : i32
    %dma_wait3A_84 = arith.constant 38 : i32
    %dma_wait3A_85 = arith.constant 0 : i32
    %dma_wait3A_86 = tpu.memref_slice %arg6[%dma_wait3A_84, %dma_wait3A_85] : memref<40x128xi32, #tpu.memory_space<vmem>> -> memref<1x128xi32, #tpu.memory_space<vmem>>
    %dma_wait3A_87 = tpu.memref_squeeze %dma_wait3A_86 : memref<1x128xi32, #tpu.memory_space<vmem>> -> memref<128xi32, #tpu.memory_space<vmem>>
    %dma_wait3A_88 = arith.constant 0 : i32
    %dma_wait3A_89 = arith.constant 0 : i32
    %dma_wait3A_90 = tpu.memref_slice %arg2[%dma_wait3A_88, %dma_wait3A_89] : memref<10240x128xf32, #tpu.memory_space<hbm>> -> memref<10240x128xf32, #tpu.memory_space<hbm>>
    tpu.wait_indirect_dma semaphore(%arg11 : memref<!tpu.dma_semaphore, #tpu.memory_space<semaphore_mem>>) src(%dma_wait3A_90 : memref<10240x128xf32, #tpu.memory_space<hbm>>) dst(%arg8 : memref<128x128xf32, #tpu.memory_space<vmem>>)
    %run_scoped3A_91 = arith.constant 38 : i32
    "tpu.region"() ({
      %run_scoped3A_105 = tpu.sem_alloc : memref<!tpu.dma_semaphore, #tpu.memory_space<semaphore_mem>>
      %dma_start3A_106 = arith.constant 0 : i32
      %dma_start3A_107 = tpu.memref_slice %arg7[%run_scoped3A_91, %dma_start3A_106] : memref<40x128xi32, #tpu.memory_space<vmem>> -> memref<1x128xi32, #tpu.memory_space<vmem>>
      %dma_start3A_108 = tpu.memref_squeeze %dma_start3A_107 : memref<1x128xi32, #tpu.memory_space<vmem>> -> memref<128xi32, #tpu.memory_space<vmem>>
      %dma_start3A_109 = arith.constant 0 : i32
      %dma_start3A_110 = arith.constant 0 : i32
      %dma_start3A_111 = tpu.memref_slice %arg10[%dma_start3A_109, %dma_start3A_110] : memref<10240x128xf32, #tpu.memory_space<vmem_shared>> -> memref<10240x128xf32, #tpu.memory_space<vmem_shared>>
      tpu.enqueue_indirect_dma source(%arg8 : memref<128x128xf32, #tpu.memory_space<vmem>>) target(%dma_start3A_111 : memref<10240x128xf32, #tpu.memory_space<vmem_shared>>) offsets(%dma_start3A_108 : memref<128xi32, #tpu.memory_space<vmem>>) semaphore(%run_scoped3A_105 : memref<!tpu.dma_semaphore, #tpu.memory_space<semaphore_mem>>) {add = true}
      %dma_wait3A_112 = arith.constant 0 : i32
      %dma_wait3A_113 = tpu.memref_slice %arg7[%run_scoped3A_91, %dma_wait3A_112] : memref<40x128xi32, #tpu.memory_space<vmem>> -> memref<1x128xi32, #tpu.memory_space<vmem>>
      %dma_wait3A_114 = tpu.memref_squeeze %dma_wait3A_113 : memref<1x128xi32, #tpu.memory_space<vmem>> -> memref<128xi32, #tpu.memory_space<vmem>>
      %dma_wait3A_115 = arith.constant 0 : i32
      %dma_wait3A_116 = arith.constant 0 : i32
      %dma_wait3A_117 = tpu.memref_slice %arg10[%dma_wait3A_115, %dma_wait3A_116] : memref<10240x128xf32, #tpu.memory_space<vmem_shared>> -> memref<10240x128xf32, #tpu.memory_space<vmem_shared>>
      tpu.wait_indirect_dma semaphore(%run_scoped3A_105 : memref<!tpu.dma_semaphore, #tpu.memory_space<semaphore_mem>>) src(%arg8 : memref<128x128xf32, #tpu.memory_space<vmem>>) dst(%dma_wait3A_117 : memref<10240x128xf32, #tpu.memory_space<vmem_shared>>)
      tpu.yield
    }) : () -> ()
    %dma_wait3A_92 = arith.constant 39 : i32
    %dma_wait3A_93 = arith.constant 0 : i32
    %dma_wait3A_94 = tpu.memref_slice %arg6[%dma_wait3A_92, %dma_wait3A_93] : memref<40x128xi32, #tpu.memory_space<vmem>> -> memref<1x128xi32, #tpu.memory_space<vmem>>
    %dma_wait3A_95 = tpu.memref_squeeze %dma_wait3A_94 : memref<1x128xi32, #tpu.memory_space<vmem>> -> memref<128xi32, #tpu.memory_space<vmem>>
    %dma_wait3A_96 = arith.constant 0 : i32
    %dma_wait3A_97 = arith.constant 0 : i32
    %dma_wait3A_98 = tpu.memref_slice %arg2[%dma_wait3A_96, %dma_wait3A_97] : memref<10240x128xf32, #tpu.memory_space<hbm>> -> memref<10240x128xf32, #tpu.memory_space<hbm>>
    tpu.wait_indirect_dma semaphore(%arg12 : memref<!tpu.dma_semaphore, #tpu.memory_space<semaphore_mem>>) src(%dma_wait3A_98 : memref<10240x128xf32, #tpu.memory_space<hbm>>) dst(%arg9 : memref<128x128xf32, #tpu.memory_space<vmem>>)
    %run_scoped3A_99 = arith.constant 39 : i32
    "tpu.region"() ({
      %run_scoped3A_105 = tpu.sem_alloc : memref<!tpu.dma_semaphore, #tpu.memory_space<semaphore_mem>>
      %dma_start3A_106 = arith.constant 0 : i32
      %dma_start3A_107 = tpu.memref_slice %arg7[%run_scoped3A_99, %dma_start3A_106] : memref<40x128xi32, #tpu.memory_space<vmem>> -> memref<1x128xi32, #tpu.memory_space<vmem>>
      %dma_start3A_108 = tpu.memref_squeeze %dma_start3A_107 : memref<1x128xi32, #tpu.memory_space<vmem>> -> memref<128xi32, #tpu.memory_space<vmem>>
      %dma_start3A_109 = arith.constant 0 : i32
      %dma_start3A_110 = arith.constant 0 : i32
      %dma_start3A_111 = tpu.memref_slice %arg10[%dma_start3A_109, %dma_start3A_110] : memref<10240x128xf32, #tpu.memory_space<vmem_shared>> -> memref<10240x128xf32, #tpu.memory_space<vmem_shared>>
      tpu.enqueue_indirect_dma source(%arg9 : memref<128x128xf32, #tpu.memory_space<vmem>>) target(%dma_start3A_111 : memref<10240x128xf32, #tpu.memory_space<vmem_shared>>) offsets(%dma_start3A_108 : memref<128xi32, #tpu.memory_space<vmem>>) semaphore(%run_scoped3A_105 : memref<!tpu.dma_semaphore, #tpu.memory_space<semaphore_mem>>) {add = true}
      %dma_wait3A_112 = arith.constant 0 : i32
      %dma_wait3A_113 = tpu.memref_slice %arg7[%run_scoped3A_99, %dma_wait3A_112] : memref<40x128xi32, #tpu.memory_space<vmem>> -> memref<1x128xi32, #tpu.memory_space<vmem>>
      %dma_wait3A_114 = tpu.memref_squeeze %dma_wait3A_113 : memref<1x128xi32, #tpu.memory_space<vmem>> -> memref<128xi32, #tpu.memory_space<vmem>>
      %dma_wait3A_115 = arith.constant 0 : i32
      %dma_wait3A_116 = arith.constant 0 : i32
      %dma_wait3A_117 = tpu.memref_slice %arg10[%dma_wait3A_115, %dma_wait3A_116] : memref<10240x128xf32, #tpu.memory_space<vmem_shared>> -> memref<10240x128xf32, #tpu.memory_space<vmem_shared>>
      tpu.wait_indirect_dma semaphore(%run_scoped3A_105 : memref<!tpu.dma_semaphore, #tpu.memory_space<semaphore_mem>>) src(%arg9 : memref<128x128xf32, #tpu.memory_space<vmem>>) dst(%dma_wait3A_117 : memref<10240x128xf32, #tpu.memory_space<vmem_shared>>)
      tpu.yield
    }) : () -> ()
    %barrier3A_100 = arith.constant 0 : index
    tpu.barrier barrier_id(%barrier3A_100)
    %mul3A_101 = arith.constant 640 : i32
    %mul3A_102 = arith.muli %arg1, %mul3A_101 : i32
    %mul3A_103 = arith.constant 640 : i32
    %mul3A_104 = arith.muli %arg1, %mul3A_103 : i32
    "tpu.region"() ({
      %run_scoped3A_105 = tpu.sem_alloc : memref<!tpu.dma_semaphore, #tpu.memory_space<semaphore_mem>>
      %dma_start3A_106 = arith.constant 0 : i32
      %dma_start3A_107 = tpu.memref_slice %arg5[%arg0, %mul3A_104, %dma_start3A_106] : memref<2x10240x128xf32, #tpu.memory_space<hbm>> -> memref<1x640x128xf32, #tpu.memory_space<hbm>>
      %dma_start3A_108 = tpu.memref_squeeze %dma_start3A_107 : memref<1x640x128xf32, #tpu.memory_space<hbm>> -> memref<640x128xf32, #tpu.memory_space<hbm>>
      %dma_start3A_109 = arith.constant 0 : i32
      %dma_start3A_110 = tpu.memref_slice %arg10[%mul3A_102, %dma_start3A_109] : memref<10240x128xf32, #tpu.memory_space<vmem_shared>> -> memref<640x128xf32, #tpu.memory_space<vmem_shared>>
      tpu.enqueue_dma source(%dma_start3A_110 : memref<640x128xf32, #tpu.memory_space<vmem_shared>>) target(%dma_start3A_108 : memref<640x128xf32, #tpu.memory_space<hbm>>) target_semaphore(%run_scoped3A_105 : memref<!tpu.dma_semaphore, #tpu.memory_space<semaphore_mem>>)
      %dma_wait3A_111 = arith.constant 0 : i32
      %dma_wait3A_112 = tpu.memref_slice %arg5[%arg0, %mul3A_104, %dma_wait3A_111] : memref<2x10240x128xf32, #tpu.memory_space<hbm>> -> memref<1x640x128xf32, #tpu.memory_space<hbm>>
      %dma_wait3A_113 = tpu.memref_squeeze %dma_wait3A_112 : memref<1x640x128xf32, #tpu.memory_space<hbm>> -> memref<640x128xf32, #tpu.memory_space<hbm>>
      %dma_wait3A_114 = arith.constant 0 : i32
      %dma_wait3A_115 = tpu.memref_slice %arg10[%mul3A_102, %dma_wait3A_114] : memref<10240x128xf32, #tpu.memory_space<vmem_shared>> -> memref<640x128xf32, #tpu.memory_space<vmem_shared>>
      tpu.wait_dma2 semaphore(%run_scoped3A_105 : memref<!tpu.dma_semaphore, #tpu.memory_space<semaphore_mem>>) src(%dma_wait3A_115 : memref<640x128xf32, #tpu.memory_space<vmem_shared>>) dst(%dma_wait3A_113 : memref<640x128xf32, #tpu.memory_space<hbm>>)
      tpu.yield
    }) : () -> ()
    return
  }
}

module attributes {stable_mosaic.version = 14 : i64} {
  func.func @_prescale_body(%arg0: i32, %arg1: memref<5120x128xf32, #tpu.memory_space<vmem>>, %arg2: memref<5120x128xf32, #tpu.memory_space<vmem>>, %arg3: memref<5120x128xf32, #tpu.memory_space<vmem>>, %arg4: memref<5120x128xf32, #tpu.memory_space<vmem>>, %arg5: memref<5120x128xf32, #tpu.memory_space<vmem>>) attributes {dimension_semantics = [#tpu.dimension_semantics<arbitrary>], iteration_bounds = array<i64: 2>, scalar_prefetch = 0 : i64, scratch_operands = 0 : i64, tpu.core_type = #tpu.core_type<tc>, window_params = [{transform_indices = @transform_0, window_bounds = array<i64: 5120, 128>}, {transform_indices = @transform_1, window_bounds = array<i64: 5120, 128>}, {transform_indices = @transform_2, window_bounds = array<i64: 5120, 128>}, {transform_indices = @transform_3, window_bounds = array<i64: 5120, 128>}, {transform_indices = @transform_4, window_bounds = array<i64: 5120, 128>}]} {
    %get3A = arith.constant 0 : index
    %get3A_0 = arith.constant 0 : index
    %get3A_1 = vector.load %arg1[%get3A, %get3A_0] : memref<5120x128xf32, #tpu.memory_space<vmem>>, vector<5120x1xf32>
    %get3A_2 = arith.constant 0 : index
    %get3A_3 = arith.constant 0 : index
    %get3A_4 = vector.load %arg2[%get3A_2, %get3A_3] : memref<5120x128xf32, #tpu.memory_space<vmem>>, vector<5120x1xf32>
    %add3A = arith.addf %get3A_1, %get3A_4 : vector<5120x1xf32>
    %add3A_5 = arith.constant 1.000000e+00 : f32
    %add3A_6 = vector.broadcast %add3A_5 : f32 to vector<5120x1xf32>
    %add3A_7 = arith.addf %add3A, %add3A_6 : vector<5120x1xf32>
    %rsqrt3A = math.rsqrt %add3A_7 : vector<5120x1xf32>
    %get3A_8 = arith.constant 0 : index
    %get3A_9 = arith.constant 0 : index
    %get3A_10 = vector.load %arg3[%get3A_8, %get3A_9] : memref<5120x128xf32, #tpu.memory_space<vmem>>, vector<5120x128xf32>
    %mul3A = vector.broadcast %rsqrt3A : vector<5120x1xf32> to vector<5120x128xf32>
    %mul3A_11 = arith.mulf %get3A_10, %mul3A : vector<5120x128xf32>
    %swap3A = arith.constant 0 : index
    %swap3A_12 = arith.constant 0 : index
    %swap3A_13 = vector.load %arg4[%swap3A, %swap3A_12] : memref<5120x128xf32, #tpu.memory_space<vmem>>, vector<5120x128xf32>
    tpu.vector_store %arg4[%swap3A, %swap3A_12], %mul3A_11 {strides = array<i32>} : memref<5120x128xf32, #tpu.memory_space<vmem>>, vector<5120x128xf32>,
    %broadcast_in_dim3A = vector.shape_cast %rsqrt3A : vector<5120x1xf32> to vector<5120x1xf32>
    %broadcast_in_dim3A_14 = vector.broadcast %broadcast_in_dim3A : vector<5120x1xf32> to vector<5120x128xf32>
    %swap3A_15 = arith.constant 0 : index
    %swap3A_16 = arith.constant 0 : index
    %swap3A_17 = vector.load %arg5[%swap3A_15, %swap3A_16] : memref<5120x128xf32, #tpu.memory_space<vmem>>, vector<5120x128xf32>
    tpu.vector_store %arg5[%swap3A_15, %swap3A_16], %broadcast_in_dim3A_14 {strides = array<i32>} : memref<5120x128xf32, #tpu.memory_space<vmem>>, vector<5120x128xf32>,
    return
  }
  func.func @transform_0(%arg0: i32) -> (i32, i32) {
    %c0_i32 = arith.constant 0 : i32
    %c0_i32_0 = arith.constant 0 : i32
    return %arg0, %c0_i32 : i32, i32
  }
  func.func @transform_1(%arg0: i32) -> (i32, i32) {
    %c0_i32 = arith.constant 0 : i32
    %c0_i32_0 = arith.constant 0 : i32
    return %arg0, %c0_i32 : i32, i32
  }
  func.func @transform_2(%arg0: i32) -> (i32, i32) {
    %c0_i32 = arith.constant 0 : i32
    %c0_i32_0 = arith.constant 0 : i32
    return %arg0, %c0_i32 : i32, i32
  }
  func.func @transform_3(%arg0: i32) -> (i32, i32) {
    %c0_i32 = arith.constant 0 : i32
    %c0_i32_0 = arith.constant 0 : i32
    return %arg0, %c0_i32 : i32, i32
  }
  func.func @transform_4(%arg0: i32) -> (i32, i32) {
    %c0_i32 = arith.constant 0 : i32
    %c0_i32_0 = arith.constant 0 : i32
    return %arg0, %c0_i32 : i32, i32
  }
}

module attributes {stable_mosaic.version = 14 : i64} {
  func.func @_mid_body(%arg0: i32, %arg1: memref<5120x128xf32, #tpu.memory_space<vmem>>, %arg2: memref<5120x128xf32, #tpu.memory_space<vmem>>, %arg3: memref<5120x128xf32, #tpu.memory_space<vmem>>, %arg4: memref<5120x128xf32, #tpu.memory_space<vmem>>, %arg5: memref<128x256xf32, #tpu.memory_space<vmem>>, %arg6: memref<1x256xf32, #tpu.memory_space<vmem>>, %arg7: memref<256x128xf32, #tpu.memory_space<vmem>>, %arg8: memref<5120x128xf32, #tpu.memory_space<vmem>>) attributes {dimension_semantics = [#tpu.dimension_semantics<arbitrary>], iteration_bounds = array<i64: 2>, scalar_prefetch = 0 : i64, scratch_operands = 0 : i64, tpu.core_type = #tpu.core_type<tc>, window_params = [{transform_indices = @transform_0, window_bounds = array<i64: 5120, 128>}, {transform_indices = @transform_1, window_bounds = array<i64: 5120, 128>}, {transform_indices = @transform_2, window_bounds = array<i64: 5120, 128>}, {transform_indices = @transform_3, window_bounds = array<i64: 5120, 128>}, {pipeline_mode = #tpu.pipeline_mode<synchronous>, transform_indices = @transform_4, window_bounds = array<i64: 128, 256>}, {pipeline_mode = #tpu.pipeline_mode<synchronous>, transform_indices = @transform_5, window_bounds = array<i64: 1, 256>}, {pipeline_mode = #tpu.pipeline_mode<synchronous>, transform_indices = @transform_6, window_bounds = array<i64: 256, 128>}, {transform_indices = @transform_7, window_bounds = array<i64: 5120, 128>}]} {
    %get3A = arith.constant 0 : index
    %get3A_0 = arith.constant 0 : index
    %get3A_1 = vector.load %arg1[%get3A, %get3A_0] : memref<5120x128xf32, #tpu.memory_space<vmem>>, vector<5120x1xf32>
    %get3A_2 = arith.constant 0 : index
    %get3A_3 = arith.constant 0 : index
    %get3A_4 = vector.load %arg2[%get3A_2, %get3A_3] : memref<5120x128xf32, #tpu.memory_space<vmem>>, vector<5120x128xf32>
    %get3A_5 = arith.constant 0 : index
    %get3A_6 = arith.constant 0 : index
    %get3A_7 = vector.load %arg3[%get3A_5, %get3A_6] : memref<5120x128xf32, #tpu.memory_space<vmem>>, vector<5120x128xf32>
    %add3A = arith.addf %get3A_4, %get3A_7 : vector<5120x128xf32>
    %get3A_8 = arith.constant 0 : index
    %get3A_9 = arith.constant 0 : index
    %get3A_10 = vector.load %arg4[%get3A_8, %get3A_9] : memref<5120x128xf32, #tpu.memory_space<vmem>>, vector<5120x128xf32>
    %add3A_11 = arith.addf %add3A, %get3A_10 : vector<5120x128xf32>
    %mul3A = vector.broadcast %get3A_1 : vector<5120x1xf32> to vector<5120x128xf32>
    %mul3A_12 = arith.mulf %add3A_11, %mul3A : vector<5120x128xf32>
    %get3A_13 = arith.constant 0 : index
    %get3A_14 = arith.constant 0 : index
    %get3A_15 = vector.load %arg5[%get3A_13, %get3A_14] : memref<128x256xf32, #tpu.memory_space<vmem>>, vector<128x256xf32>
    %dot_general3A = arith.constant dense<0.000000e+00> : vector<5120x256xf32>
    %dot_general3A_16 = tpu.matmul %mul3A_12, %get3A_15, %dot_general3A {dimension_numbers = #tpu.dot_dimension_numbers<[1], [0], [0], [1], [0, 0, 1, 1], [], []>, transpose_lhs_hint = false} : vector<5120x128xf32>, vector<128x256xf32>, vector<5120x256xf32> -> vector<5120x256xf32>
    %get3A_17 = arith.constant 0 : index
    %get3A_18 = arith.constant 0 : index
    %get3A_19 = vector.load %arg6[%get3A_17, %get3A_18] : memref<1x256xf32, #tpu.memory_space<vmem>>, vector<1x256xf32>
    %add3A_20 = vector.broadcast %get3A_19 : vector<1x256xf32> to vector<5120x256xf32>
    %add3A_21 = arith.addf %dot_general3A_16, %add3A_20 : vector<5120x256xf32>
    %max3A = arith.constant 0.000000e+00 : f32
    %max3A_22 = vector.broadcast %max3A : f32 to vector<5120x256xf32>
    %max3A_23 = arith.maximumf %add3A_21, %max3A_22 : vector<5120x256xf32>
    %get3A_24 = arith.constant 0 : index
    %get3A_25 = arith.constant 0 : index
    %get3A_26 = vector.load %arg7[%get3A_24, %get3A_25] : memref<256x128xf32, #tpu.memory_space<vmem>>, vector<256x128xf32>
    %dot_general3A_27 = arith.constant dense<0.000000e+00> : vector<5120x128xf32>
    %dot_general3A_28 = tpu.matmul %max3A_23, %get3A_26, %dot_general3A_27 {dimension_numbers = #tpu.dot_dimension_numbers<[1], [0], [0], [1], [0, 0, 1, 1], [], []>, transpose_lhs_hint = false} : vector<5120x256xf32>, vector<256x128xf32>, vector<5120x128xf32> -> vector<5120x128xf32>
    %mul3A_29 = vector.broadcast %get3A_1 : vector<5120x1xf32> to vector<5120x128xf32>
    %mul3A_30 = arith.mulf %dot_general3A_28, %mul3A_29 : vector<5120x128xf32>
    %swap3A = arith.constant 0 : index
    %swap3A_31 = arith.constant 0 : index
    %swap3A_32 = vector.load %arg8[%swap3A, %swap3A_31] : memref<5120x128xf32, #tpu.memory_space<vmem>>, vector<5120x128xf32>
    tpu.vector_store %arg8[%swap3A, %swap3A_31], %mul3A_30 {strides = array<i32>} : memref<5120x128xf32, #tpu.memory_space<vmem>>, vector<5120x128xf32>,
    return
  }
  func.func @transform_0(%arg0: i32) -> (i32, i32) {
    %c0_i32 = arith.constant 0 : i32
    %c0_i32_0 = arith.constant 0 : i32
    return %arg0, %c0_i32 : i32, i32
  }
  func.func @transform_1(%arg0: i32) -> (i32, i32) {
    %c0_i32 = arith.constant 0 : i32
    %c0_i32_0 = arith.constant 0 : i32
    return %arg0, %c0_i32 : i32, i32
  }
  func.func @transform_2(%arg0: i32) -> (i32, i32) {
    %c0_i32 = arith.constant 0 : i32
    %c0_i32_0 = arith.constant 0 : i32
    return %arg0, %c0_i32 : i32, i32
  }
  func.func @transform_3(%arg0: i32) -> (i32, i32) {
    %c0_i32 = arith.constant 0 : i32
    %c0_i32_0 = arith.constant 0 : i32
    return %arg0, %c0_i32 : i32, i32
  }
  func.func @transform_4(%arg0: i32) -> (i32, i32) {
    %c0_i32 = arith.constant 0 : i32
    %c0_i32_0 = arith.constant 0 : i32
    %c0_i32_1 = arith.constant 0 : i32
    return %c0_i32, %c0_i32_0 : i32, i32
  }
  func.func @transform_5(%arg0: i32) -> (i32, i32) {
    %c0_i32 = arith.constant 0 : i32
    %c0_i32_0 = arith.constant 0 : i32
    %c0_i32_1 = arith.constant 0 : i32
    return %c0_i32, %c0_i32_0 : i32, i32
  }
  func.func @transform_6(%arg0: i32) -> (i32, i32) {
    %c0_i32 = arith.constant 0 : i32
    %c0_i32_0 = arith.constant 0 : i32
    %c0_i32_1 = arith.constant 0 : i32
    return %c0_i32, %c0_i32_0 : i32, i32
  }
  func.func @transform_7(%arg0: i32) -> (i32, i32) {
    %c0_i32 = arith.constant 0 : i32
    %c0_i32_0 = arith.constant 0 : i32
    return %arg0, %c0_i32 : i32, i32
  }
}

module attributes {stable_mosaic.version = 14 : i64} {
  func.func @_final_body(%arg0: i32, %arg1: memref<5120x128xf32, #tpu.memory_space<vmem>>, %arg2: memref<5120x128xf32, #tpu.memory_space<vmem>>, %arg3: memref<5120x128xf32, #tpu.memory_space<vmem>>, %arg4: memref<5120x128xf32, #tpu.memory_space<vmem>>, %arg5: memref<1x128xf32, #tpu.memory_space<vmem>>, %arg6: memref<5120x128xf32, #tpu.memory_space<vmem>>) attributes {dimension_semantics = [#tpu.dimension_semantics<arbitrary>], iteration_bounds = array<i64: 2>, scalar_prefetch = 0 : i64, scratch_operands = 0 : i64, tpu.core_type = #tpu.core_type<tc>, window_params = [{transform_indices = @transform_0, window_bounds = array<i64: 5120, 128>}, {transform_indices = @transform_1, window_bounds = array<i64: 5120, 128>}, {transform_indices = @transform_2, window_bounds = array<i64: 5120, 128>}, {transform_indices = @transform_3, window_bounds = array<i64: 5120, 128>}, {pipeline_mode = #tpu.pipeline_mode<synchronous>, transform_indices = @transform_4, window_bounds = array<i64: 1, 128>}, {transform_indices = @transform_5, window_bounds = array<i64: 5120, 128>}]} {
    %get3A = arith.constant 0 : index
    %get3A_0 = arith.constant 0 : index
    %get3A_1 = vector.load %arg1[%get3A, %get3A_0] : memref<5120x128xf32, #tpu.memory_space<vmem>>, vector<5120x1xf32>
    %get3A_2 = arith.constant 0 : index
    %get3A_3 = arith.constant 0 : index
    %get3A_4 = vector.load %arg2[%get3A_2, %get3A_3] : memref<5120x128xf32, #tpu.memory_space<vmem>>, vector<5120x128xf32>
    %get3A_5 = arith.constant 0 : index
    %get3A_6 = arith.constant 0 : index
    %get3A_7 = vector.load %arg3[%get3A_5, %get3A_6] : memref<5120x128xf32, #tpu.memory_space<vmem>>, vector<5120x128xf32>
    %add3A = arith.addf %get3A_4, %get3A_7 : vector<5120x128xf32>
    %get3A_8 = arith.constant 0 : index
    %get3A_9 = arith.constant 0 : index
    %get3A_10 = vector.load %arg4[%get3A_8, %get3A_9] : memref<5120x128xf32, #tpu.memory_space<vmem>>, vector<5120x128xf32>
    %add3A_11 = arith.addf %add3A, %get3A_10 : vector<5120x128xf32>
    %mul3A = vector.broadcast %get3A_1 : vector<5120x1xf32> to vector<5120x128xf32>
    %mul3A_12 = arith.mulf %add3A_11, %mul3A : vector<5120x128xf32>
    %get3A_13 = arith.constant 0 : index
    %get3A_14 = arith.constant 0 : index
    %get3A_15 = vector.load %arg5[%get3A_13, %get3A_14] : memref<1x128xf32, #tpu.memory_space<vmem>>, vector<1x128xf32>
    %add3A_16 = vector.broadcast %get3A_15 : vector<1x128xf32> to vector<5120x128xf32>
    %add3A_17 = arith.addf %mul3A_12, %add3A_16 : vector<5120x128xf32>
    %swap3A = arith.constant 0 : index
    %swap3A_18 = arith.constant 0 : index
    %swap3A_19 = vector.load %arg6[%swap3A, %swap3A_18] : memref<5120x128xf32, #tpu.memory_space<vmem>>, vector<5120x128xf32>
    tpu.vector_store %arg6[%swap3A, %swap3A_18], %add3A_17 {strides = array<i32>} : memref<5120x128xf32, #tpu.memory_space<vmem>>, vector<5120x128xf32>,
    return
  }
  func.func @transform_0(%arg0: i32) -> (i32, i32) {
    %c0_i32 = arith.constant 0 : i32
    %c0_i32_0 = arith.constant 0 : i32
    return %arg0, %c0_i32 : i32, i32
  }
  func.func @transform_1(%arg0: i32) -> (i32, i32) {
    %c0_i32 = arith.constant 0 : i32
    %c0_i32_0 = arith.constant 0 : i32
    return %arg0, %c0_i32 : i32, i32
  }
  func.func @transform_2(%arg0: i32) -> (i32, i32) {
    %c0_i32 = arith.constant 0 : i32
    %c0_i32_0 = arith.constant 0 : i32
    return %arg0, %c0_i32 : i32, i32
  }
  func.func @transform_3(%arg0: i32) -> (i32, i32) {
    %c0_i32 = arith.constant 0 : i32
    %c0_i32_0 = arith.constant 0 : i32
    return %arg0, %c0_i32 : i32, i32
  }
  func.func @transform_4(%arg0: i32) -> (i32, i32) {
    %c0_i32 = arith.constant 0 : i32
    %c0_i32_0 = arith.constant 0 : i32
    %c0_i32_1 = arith.constant 0 : i32
    return %c0_i32, %c0_i32_0 : i32, i32
  }
  func.func @transform_5(%arg0: i32) -> (i32, i32) {
    %c0_i32 = arith.constant 0 : i32
    %c0_i32_0 = arith.constant 0 : i32
    return %arg0, %c0_i32 : i32, i32
  }
}

</mosaic_0001>

<sc_bundles>
// kernel: kernel.11.cloned.1.call-start
scs
__scs_entry_jumppad:
0x0: {  	(pc) =	sbr.rel $0x88, $3  }
0x1: {  	(tag) =	ssettag $0x0;
	lr =	simm.s32 $0x1  }
0x2: {  	[smem:$0x3F9B] =	sst lr;
	_ =	strace $0xD0000000  }
0x3: {  	_ = 	snop  }
0x4: {  	_ = 	snop  }
0x5: {  	_ = 	snop  }
0x6: {  	_ = 	snop  }
0x7: {  	_ = 	snop  }
__scs_overlays_trampoline_lowered:
0x8: {  	[smem:$0x3FAA] =	sst s0  }
0x9: {  	[smem:$0x3FAB] =	sst s1  }
0xa: {  	[smem:$0x3FAC] =	sst s2  }
0xb: {  	[smem:$0x3FAD] =	sst s3  }
0xc: {  	[smem:$0x3FAE] =	sst s4  }
0xd: {  	[smem:$0x3FAF] =	sst s5  }
0xe: {  	[smem:$0x3FB0] =	sst s6  }
0xf: {  	[smem:$0x3FB1] =	sst s7  }
0x10: {  	[smem:$0x3FB2] =	sst s8  }
0x11: {  	[smem:$0x3FB3] =	sst s9;
	s0 =	simm.s32 @!p0 $0x0  }
0x12: {  	s1 =	sld [smem:$0x3F99];
	s0 =	simm.s32 @p0 $0x1  }
0x13: {  	[smem:$0x3FB4] =	sst s0;
	s0 =	simm.s32 @!p1 $0x0  }
0x14: {  	s2 =	sld [smem:$0x3F98];
	s0 =	simm.s32 @p1 $0x1  }
0x15: {  	[smem:$0x3FB5] =	sst s0;
	s0 =	simm.s32 @!p2 $0x0  }
0x16: {  	s3 =	sld [smem:$0x3FDB];
	s0 =	simm.s32 @p2 $0x1  }
0x17: {  	s4 =	simm.s32 $0x1BF5;
	[smem:$0x3FB7] =	sst s0  }
0x18: {  	s0 =	sld [smem:$0x3F9A];
	_ =	swait.ge [sflag:s4], $0x0  }
0x19: {  	s7 =	sld [smem:$0x3F9B]  }
0x1a: {  	s8 =	sadd.s32 $0xFFFFE003, lr  }
0x1b: {  	s9 =	sadd.s32 $0xFFFFFEF7, lr;
	s5 =	simm.s32 $0xFFFFFFFF;
	p2 =	slt.u32 s8, $0xFFFFF086  }
0x1c: {  	p1 =	slt.u32 s9, $0xF7A;
	s5 =	simm.s32 @!p2 $0x0  }
0x1d: {  	s5 =	simm.s32 @p1 $0x1;
	p0 =	seq.s32 s7, s2  }
0x1e: {  	s7 =	smul.u32 @!p0 $0xF7A, s2;
	p2 =	seq.s32 @!p0 s5, $0x0  }
0x1f: {  	s9 =	smul.u32 $0xF7A, s1;
	s8 =	simm.s32 @!p0 $0x1BF5;
	p2 =	por !p2, p0  }
0x20: {  	[sflag:s8] =	ssyncset.s32 @!p0 $0xFFFFF086;
	s6 =	sadd.s32 @!p0 s3, s7;
	s7 =	simm.s32 @!p0 $0x108  }
0x21: {  	s3 =	sadd.s32 s3, s9;
	s6 =	sadd.s32 @!p0 $0x88, s6;
	s7 =	simm.s32 @p2 $0x1082  }
0x22: {  	[simem:s7], [sflag:s8] =	dma.local @!p0 [hbm:s6], $0xF7A  }
0x23: {  	s9 =	sor.u32 $0xD0000000, s2;
	s6 =	simm.s32 $0x108;
	_ =	swait.ge @!p0 [sflag:s8], $0x0  }
0x24: {  	s3 =	sadd.s32 $0x88, s3;
	s6 =	simm.s32 @!p1 $0x1082;
	[sflag:s4] =	ssyncset.s32 $0xFFFFF086  }
0x25: {  	[simem:s6], [sflag:s4] =	dma.local [hbm:s3], $0xF7A  }
0x26: {  	[smem:$0x3F9B] =	sst s1;
	(tag) =	ssettag s2;
	_ =	strace s9  }
0x27: {  	s1 =	sld [smem:$0x3FAB]  }
0x28: {  	s2 =	sld [smem:$0x3FAC]  }
0x29: {  	s4 =	sld [smem:$0x3FAE]  }
0x2a: {  	p0 =	seq.s32 s5, $0x0;
	s5 =	sld [smem:$0x3FAF]  }
0x2b: {  	s6 =	sld [smem:$0x3FB0]  }
0x2c: {  	s7 =	sld [smem:$0x3FB1]  }
0x2d: {  	s3 =	simm.s32 $0x108;
	s8 =	sld [smem:$0x3FB2]  }
0x2e: {  	s3 =	simm.s32 @!p0 $0x1082;
	s9 =	sld [smem:$0x3FB3]  }
0x2f: {  	lr =	sadd.s32 s0, s3;
	s0 =	sld [smem:$0x3FAA]  }
0x30: {  	s3 =	sld [smem:$0x3FAD]  }
0x31: {  	[smem:$0x3FB6] =	sst s10  }
0x32: {  	s10 =	sld [smem:$0x3FB4];
	_ =	sdelay $0x3  }
0x33: {  	p0 =	seq.s32 s10, $0x1;
	s10 =	sld [smem:$0x3FB6];
	_ =	sdelay $0x3  }
0x34: {  	[smem:$0x3FB6] =	sst s10  }
0x35: {  	s10 =	sld [smem:$0x3FB5];
	_ =	sdelay $0x3  }
0x36: {  	p1 =	seq.s32 s10, $0x1;
	s10 =	sld [smem:$0x3FB6];
	_ =	sdelay $0x3  }
0x37: {  	[smem:$0x3FB6] =	sst s10  }
0x38: {  	s10 =	sld [smem:$0x3FB7]  }
0x39: {  	_ = 	snop;
	(pc) =	sbr.ind lr, $3  }
0x3a: {  	_ = 	snop  }
0x3b: {  	_ = 	snop  }
0x3c: {  	p2 =	seq.s32 s10, $0x1;
	s10 =	sld [smem:$0x3FB6]  }
0x3d: {  	_ =	shalt  }
0x3e: {  	_ =	shalt  }
0x3f: {  	_ =	shalt  }
0x40: {  	_ =	shalt  }
0x41: {  	_ =	shalt  }
0x42: {  	_ =	shalt  }
0x43: {  	_ =	shalt  }
0x44: {  	_ =	shalt  }
0x45: {  	_ =	shalt  }
0x46: {  	_ =	shalt  }
0x47: {  	_ =	shalt  }
0x48: {  	_ =	shalt  }
0x49: {  	_ =	shalt  }
0x4a: {  	_ =	shalt  }
0x4b: {  	_ =	shalt  }
0x4c: {  	_ =	shalt  }
0x4d: {  	_ =	shalt  }
0x4e: {  	_ =	shalt  }
0x4f: {  	_ =	shalt  }
0x50: {  	_ =	shalt  }
0x51: {  	_ =	shalt  }
0x52: {  	_ =	shalt  }
0x53: {  	_ =	shalt  }
0x54: {  	_ =	shalt  }
0x55: {  	_ =	shalt  }
0x56: {  	_ =	shalt  }
0x57: {  	_ =	shalt  }
0x58: {  	_ =	shalt  }
0x59: {  	_ =	shalt  }
0x5a: {  	_ =	shalt  }
0x5b: {  	_ =	shalt  }
0x5c: {  	_ =	shalt  }
0x5d: {  	_ =	shalt  }
0x5e: {  	_ =	shalt  }
0x5f: {  	_ =	shalt  }
0x60: {  	_ =	shalt  }
0x61: {  	_ =	shalt  }
0x62: {  	_ =	shalt  }
0x63: {  	_ =	shalt  }
0x64: {  	_ =	shalt  }
0x65: {  	_ =	shalt  }
0x66: {  	_ =	shalt  }
0x67: {  	_ =	shalt  }
0x68: {  	_ =	shalt  }
0x69: {  	_ =	shalt  }
0x6a: {  	_ =	shalt  }
0x6b: {  	_ =	shalt  }
0x6c: {  	_ =	shalt  }
0x6d: {  	_ =	shalt  }
0x6e: {  	_ =	shalt  }
0x6f: {  	_ =	shalt  }
0x70: {  	_ =	shalt  }
0x71: {  	_ =	shalt  }
0x72: {  	_ =	shalt  }
0x73: {  	_ =	shalt  }
0x74: {  	_ =	shalt  }
0x75: {  	_ =	shalt  }
0x76: {  	_ =	shalt  }
0x77: {  	_ =	shalt  }
0x78: {  	_ =	shalt  }
0x79: {  	_ =	shalt  }
0x7a: {  	_ =	shalt  }
0x7b: {  	_ =	shalt  }
0x7c: {  	_ =	shalt  }
0x7d: {  	_ =	shalt  }
0x7e: {  	_ =	shalt  }
0x7f: {  	_ =	shalt  }
0x80: {  	_ =	shalt  }
0x81: {  	_ =	shalt  }
0x82: {  	_ =	shalt  }
0x83: {  	_ =	shalt  }
0x84: {  	_ =	shalt  }
0x85: {  	_ =	shalt  }
0x86: {  	_ =	shalt  }
0x87: {  	_ =	shalt  }
.Lfunc_end0:
.L_simem_size_0:
called_computation.1_lowered:
.L_overlay_start_0:
0x88: {  	s2 =	sld [smem:$0x3FD9]  }
0x89: {  	s3 =	sld [smem:$0x3FFE];
	_ =	sdelay $0x1  }
0x8a: {  	s1 =	srdreg.scid  }
0x8b: {  	s0 =	sand.u32 $0x1, s1  }
0x8c: {  	s17 =	sshll.u32 s0, $0xA;
	s2 =	sadd.s32 s3, s2  }
0x8d: {  	s2 =	sadd.s32 s2, s17  }
0x8e: {  	[smem:$0x3FC2] =	sst s2  }
0x8f: {  	_ = 	snop  }
0x90: {  	s2 =	sld [smem:$0x3FD0];
	(tm) =	ssettm $0x1  }
0x91: {  	s18 =	sld [smem:$0x3FFB];
	_ =	sdelay $0x3  }
0x92: {  	_ =	strace s18  }
0x93: {  	s3 =	sld [smem:$0x3FFC];
	_ =	sdelay $0x3  }
0x94: {  	_ =	strace s3  }
0x95: {  	s3 =	sld [smem:$0x3FFD];
	_ =	sdelay $0x3  }
0x96: {  	_ =	strace s3  }
0x97: {  	_ =	strace $0x8FFFFFFF  }
0x98: {  	s19 =	sld [smem:$0x3FDB];
	_ =	sdelay $0x1  }
0x99: {  	s4 =	simm.s32 $_scs_section_size  }
0x9a: {  	s5 =	simm.s32 $_size__tile_overlayer_lowered;
	s6 =	simm.s32 $_tile_overlayer_lowered  }
0x9b: {  	s22 =	simm.s32 $0x1BFF;
	s21 =	sshll.u32 s6, $0x1;
	s3 =	sadd.s32 s4, s19  }
0x9c: {  	s7 =	simm.s32 $0x0;
	s20 =	sshll.u32 s5, $0x1;
	s5 =	sadd.s32 s21, s3  }
0x9d: {  	[timem:s7], [sflag:s22] =	dma.local [hbm:s5], s20  }
0x9e: {  	_ =	swait.ge [sflag:s22], s20  }
0x9f: {  	s4 =	ssub.s32 $0x0, s20;
	[sflag:s22] =	ssyncset.done $0x0  }
0xa0: {  	[sflag:s22] =	ssyncadd.s32 s4;
	_ =	sdelay $0x1  }
0xa1: {  	s23 =	simm.s32 $0x1B8B  }
0xa2: {  	_ =	swait.ge [sflag:s23], $0x1  }
0xa3: {  	[sflag:s23] =	ssyncset.done $0x0  }
0xa4: {  	s25 =	simm.s32 $0x1B8E;
	s24 =	sld [smem:$0x3FFE];
	[sflag:s23] =	ssyncadd.s32 $0xFFFFFFFF  }
0xa5: {  	s26 =	simm.s32 $execute0_lowered;
	[smem:$0x3FD2] =	sst s25  }
0xa6: {  	s5 =	sshll.u32 s26, $0x1;
	_ =	strace $0x80000049;
	[dreg:$0x1] =	wrdreg $0xFFFFFFFF  }
0xa7: {  	s28 =	simm.s32 $_size_execute0_lowered;
	s3 =	sadd.s32 s3, s5;
	[dreg:$0x0] =	wrdreg $0x0  }
0xa8: {  	s5 =	sshll.u32 s28, $0x1;
	[dreg:$0x2] =	wrdreg s3  }
0xa9: {  	[dreg:$0x3] =	wrdreg s5  }
0xaa: {  	[dreg:$0x4] =	wrdreg $0xC0  }
0xab: {  	_ =	task [dreg:s7], $0x5FFFF  }
0xac: {  	[dreg:$0x1] =	wrdreg $0xFFFFFFFF  }
0xad: {  	[dreg:$0x0] =	wrdreg $0x60  }
0xae: {  	[dreg:$0x2] =	wrdreg s24  }
0xaf: {  	[dreg:$0x3] =	wrdreg s2  }
0xb0: {  	[dreg:$0x4] =	wrdreg $0xA8000  }
0xb1: {  	[dreg:$0x5] =	wrdreg $0x9  }
0xb2: {  	_ =	task.clear_ibuf [dreg:s7], $0x6FFFF;
	_ =	strace $0x90000049  }
0xb3: {  	s29 =	simm.s32 $0x9;
	_ =	strace $0x8000004B  }
0xb4: {  	_ =	swait.ge [sflag:s29], $0x1  }
0xb5: {  	[sflag:s29] =	ssyncadd.s32 $0xFFFFFFFF  }
0xb6: {  	_ =	strace $0x9000004B  }
0xb7: {  	_ =	sfence  }
0xb8: {  	s30 =	sld [smem:$0x0];
	_ =	sdelay $0x2  }
0xb9: {  	s31 =	sshll.u32 s1, $0xD;
	s1 =	sshrl.u32 s1, $0x2  }
0xba: {  	s3 =	sand.u32 $0x4000, s31;
	s1 =	sadd.s32 s1, s30  }
0xbb: {  	s0 =	sor.u32 s3, s0;
	s1 =	sshll.u32 s1, $0x11  }
0xbc: {  	s0 =	sor.u32 s1, s0  }
0xbd: {  	s0 =	sadd.s32 $0x8F2B, s0  }
0xbe: {  	[sflag:s0] =	ssyncadd.remote.s32 $0x1  }
0xbf: {  	_ =	sfence.sel $0xFFFF  }
0xc0: {  	[dreg:$0x0] =	wrdreg $0xFFFFFFFF;
	(pc) =	sbr.abs _section_cstart, $3  }
0xc1: {  	[dreg:$0x1] =	wrdreg $0xFFFFFFFF  }
0xc2: {  	_ =	task.clear_ibuf [dreg:s7], $0x2FFFF;
	_ =	strace $0x9FFFFFFF  }
0xc3: {  	(tm) =	ssettm $0x7FFFFFFF  }
tec
execute0_lowered:
.L_overlay_start_1:
0x0: {  	(tag) =	ssettag $0x1  }
0x1: {  	s5 =	rddreg [dreg:$0x0]  }
0x2: {  	s13 =	rddreg [dreg:$0x1]  }
0x3: {  	s1 =	rddreg [dreg:$0x2]  }
0x4: {  	s2 =	srdreg.scid;
	s0 =	rddreg [dreg:$0x3]  }
0x5: {  	s3 =	simm.s32 $0x0;
	s17 =	simm.s32 $0x3;
	s18 =	simm.s32 $0x1400  }
0x6: {  	s19 =	simm.s32 $0x80;
	s20 =	simm.s32 $0x6800;
	s6 =	sand.u32 $0x1, s2  }
0x7: {  	s21 =	simm.s32 $0x1;
	s2 =	stileid.u32;
	s7 =	smul.u32 $0x140000, s6  }
0x8: {  	s22 =	simm.s32 $0x2;
	s23 =	simm.s32 $0x2700;
	s8 =	smul.u32 $0x14000, s2  }
0x9: {  	s24 =	simm.s32 $0x2780;
	[smem:$0x7FF] =	sst s3;
	s9 =	smul.u32 $0x50000, s2  }
0xa: {  	s4 =	sadd.s32 $0xC200, s5;
	s12 =	sadd.s32 $0x2200, s5;
	s29 =	smul.u32 $0x28000, s6  }
0xb: {  	_ =	strace $0x8000004A;
	s6 =	ssub.s32 $0x2, s6;
	s10 =	smul.u32 $0x2800, s2  }
0xc: {  	s30 =	sshrl.u32 s6, $0x1;
	s7 =	sadd.s32 s8, s7;
	s31 =	sshrl.u32 s9, $0x2  }
0xd: {  	s15 =	ssub.s32 s6, s30;
	s8 =	sadd.s32 s10, s29;
	s7 =	sshrl.u32 s7, $0x3  }
0xe: {  	s11 =	sshrl.u32 s8, $0x3;
	s15 =	smax.u32 s15, $0x1;
	s14 =	sadd.s32 s7, s5  }
0xf: {  	s5 =	sadd.s32 s31, s1;
	s16 =	sadd.s32 $0x280, s11;
	s10 =	sadd.s32 s12, s11  }
0x10: {  	s11 =	sadd.s32 s13, s11;
	s6 =	sadd.s32 $0x4000, s5;
	s7 =	sadd.s32 $0x8000, s5  }
0x11: {  	s8 =	sadd.s32 $0xC000, s5;
	s9 =	sadd.s32 $0x10000, s5;
	s12 =	sadd.s32 s12, s16  }
0x12: {  	v0 =	vimm.f32 $0.0e+00;
	s13 =	sadd.s32 s13, s16;
	s14 =	sadd.s32 $0x34200, s14;
	s16 =	simm.s32 $0x2800  }
.LBB2_1:
0x13: {  	s25 =	simm.s32 $0x0;
	s26 =	simm.s32 $0x200  }
.LBB2_2:
0x14: {  	p0 =	sne.s32 s26, $0xFE00;
	[tilespmem:s25+$0x2870] =	vst v0  }
0x15: {  	[tilespmem:s25+$0x2800] =	vst v0  }
0x16: {  	[tilespmem:s25+$0x2810] =	vst v0  }
.Ltmp0:
0x17: {  	[tilespmem:s25+$0x2820] =	vst v0;
	(pc) =	sbr.rel @p0 .LBB2_2-.Ltmp0, $4  }
0x18: {  	[tilespmem:s25+$0x2830] =	vst v0  }
0x19: {  	[tilespmem:s25+$0x2840] =	vst v0  }
0x1a: {  	[tilespmem:s25+$0x2850] =	vst v0  }
0x1b: {  	[tilespmem:s25+$0x2860] =	vst v0;
	s25 =	sshra.s32 s26, $0x2;
	s26 =	sadd.s32 $0x200, s26  }
0x1c: {  	[tilespmem:s25+$0x2870] =	vst v0  }
0x1d: {  	[tilespmem:s25+$0x2800] =	vst v0  }
0x1e: {  	[tilespmem:s25+$0x2810] =	vst v0  }
0x1f: {  	[tilespmem:s25+$0x2820] =	vst v0  }
0x20: {  	[tilespmem:s25+$0x2830] =	vst v0  }
0x21: {  	[tilespmem:s25+$0x2840] =	vst v0  }
0x22: {  	[tilespmem:s25+$0x2850] =	vst v0  }
0x23: {  	[tilespmem:s25+$0x2860] =	vst v0  }
0x24: {  	[spmem:s5] =	stream.linear.scatter [tilespmem:s16], [sflag:$0x3], $0x4000, $0x38;
	[tilespmem:$0x1E800] =	vst v63  }
0x25: {  	_ =	swait.ge [sflag:s17], $0x4000  }
0x26: {  	[sflag:s17] =	ssyncset.done $0x0  }
0x27: {  	[sflag:s17] =	ssyncadd.s32 $0xFFFFC000  }
0x28: {  	[spmem:s6] =	stream.linear.scatter [tilespmem:s16], [sflag:$0x3], $0x4000, $0x38;
	[tilespmem:$0x1E800] =	vst v63  }
0x29: {  	_ =	swait.ge [sflag:s17], $0x4000  }
0x2a: {  	[sflag:s17] =	ssyncset.done $0x0  }
0x2b: {  	[sflag:s17] =	ssyncadd.s32 $0xFFFFC000  }
0x2c: {  	[spmem:s7] =	stream.linear.scatter [tilespmem:s16], [sflag:$0x3], $0x4000, $0x38;
	[tilespmem:$0x1E800] =	vst v63  }
0x2d: {  	_ =	swait.ge [sflag:s17], $0x4000  }
0x2e: {  	[sflag:s17] =	ssyncset.done $0x0  }
0x2f: {  	[sflag:s17] =	ssyncadd.s32 $0xFFFFC000  }
0x30: {  	[spmem:s8] =	stream.linear.scatter [tilespmem:s16], [sflag:$0x3], $0x4000, $0x38;
	[tilespmem:$0x1E800] =	vst v63  }
0x31: {  	_ =	swait.ge [sflag:s17], $0x4000  }
0x32: {  	[sflag:s17] =	ssyncset.done $0x0  }
0x33: {  	[sflag:s17] =	ssyncadd.s32 $0xFFFFC000  }
0x34: {  	[spmem:s9] =	stream.linear.scatter [tilespmem:s16], [sflag:$0x3], $0x4000, $0x38;
	[tilespmem:$0x1E800] =	vst v63  }
0x35: {  	_ =	swait.ge [sflag:s17], $0x4000  }
0x36: {  	[sflag:s17] =	ssyncset.done $0x0  }
0x37: {  	[sflag:s17] =	ssyncadd.s32 $0xFFFFC000  }
0x38: {  	s28 =	simm.s32 $0x0;
	[bflag:$0x0] =	sbarrier.arrive $0xFFFF  }
0x39: {  	[tilespmem:s28], [sflag:$0x3] =	stream.linear.gather [hbm4b:s10+s28], $0x1400, $0x38;
	[tilespmem:$0x1E800] =	vst v63  }
0x3a: {  	_ =	swait.ge [sflag:s17], $0x1400  }
0x3b: {  	[sflag:s17] =	ssyncset.done $0x0  }
0x3c: {  	[sflag:s17] =	ssyncadd.s32 $0xFFFFEC00  }
0x3d: {  	[tilespmem:s18], [sflag:$0x3] =	stream.linear.gather [hbm4b:s11+s28], $0x1400, $0x38;
	[tilespmem:$0x1E800] =	vst v63  }
0x3e: {  	_ =	swait.ge [sflag:s17], $0x1400  }
0x3f: {  	[sflag:s17] =	ssyncset.done $0x0  }
0x40: {  	[sflag:s17] =	ssyncadd.s32 $0xFFFFEC00  }
0x41: {  	[tilespmem:s16], [sflag:$0x1] =	stream.indirect.gather [hbm4b:s4+s19], $0x80, s28, s19, $0xb8;
	[tilespmem:$0x1E800] =	vst v63  }
0x42: {  	_ = 	snop  }
0x43: {  	[tilespmem:s20], [sflag:$0x2] =	stream.indirect.gather [hbm4b:s4+s19], $0x80, s19, s19, $0xb8;
	[tilespmem:$0x1E800] =	vst v63  }
0x44: {  	_ =	swait.ge [sflag:s21], $0x4000  }
0x45: {  	[sflag:s21] =	ssyncset.done $0x0  }
0x46: {  	s29 =	simm.s32 $0x1400;
	[sflag:s21] =	ssyncadd.s32 $0xFFFFC000  }
0x47: {  	[spmem:s1] =	stream.indirect.scatter.add.f32 [tilespmem:s16], [sflag:$0x3], $0x80, s29, s19, $0xb8;
	[tilespmem:$0x1E800] =	vst v63  }
0x48: {  	_ =	swait.ge [sflag:s17], $0x4000  }
0x49: {  	[sflag:s17] =	ssyncset.done $0x0  }
0x4a: {  	s30 =	simm.s32 $0x100;
	[sflag:s17] =	ssyncadd.s32 $0xFFFFC000  }
0x4b: {  	[tilespmem:s16], [sflag:$0x1] =	stream.indirect.gather [hbm4b:s4+s19], $0x80, s30, s19, $0xb8;
	[tilespmem:$0x1E800] =	vst v63  }
0x4c: {  	_ =	swait.ge [sflag:s22], $0x4000  }
0x4d: {  	[sflag:s22] =	ssyncset.done $0x0  }
0x4e: {  	s31 =	simm.s32 $0x1480;
	[sflag:s22] =	ssyncadd.s32 $0xFFFFC000  }
0x4f: {  	[spmem:s1] =	stream.indirect.scatter.add.f32 [tilespmem:s20], [sflag:$0x3], $0x80, s31, s19, $0xb8;
	[tilespmem:$0x1E800] =	vst v63  }
0x50: {  	_ =	swait.ge [sflag:s17], $0x4000  }
0x51: {  	[sflag:s17] =	ssyncset.done $0x0  }
0x52: {  	s25 =	simm.s32 $0x400;
	s26 =	simm.s32 $0x180;
	[sflag:s17] =	ssyncadd.s32 $0xFFFFC000  }
.LBB2_4:
0x53: {  	[tilespmem:s20], [sflag:$0x2] =	stream.indirect.gather [hbm4b:s4+s19], $0x80, s26, s19, $0xb8;
	[tilespmem:$0x1E800] =	vst v63  }
0x54: {  	s26 =	smov.u32 s25  }
0x55: {  	p0 =	sne.s32 s25, $0x4800;
	s25 =	sadd.s32 $0x400, s25;
	_ =	swait.ge [sflag:s21], $0x4000  }
0x56: {  	s26 =	sshra.s32 s26, $0x2;
	[sflag:s21] =	ssyncset.done $0x0  }
0x57: {  	s28 =	sadd.s32 $0x1400, s26;
	[sflag:s21] =	ssyncadd.s32 $0xFFFFC000  }
0x58: {  	[spmem:s1] =	stream.indirect.scatter.add.f32 [tilespmem:s16], [sflag:$0x3], $0x80, s28, s19, $0xb8;
	[tilespmem:$0x1E800] =	vst v63  }
0x59: {  	_ =	swait.ge [sflag:s17], $0x4000  }
0x5a: {  	[sflag:s17] =	ssyncset.done $0x0  }
0x5b: {  	s28 =	sadd.s32 $0x100, s26;
	[sflag:s17] =	ssyncadd.s32 $0xFFFFC000  }
0x5c: {  	[tilespmem:s16], [sflag:$0x1] =	stream.indirect.gather [hbm4b:s4+s19], $0x80, s28, s19, $0xb8;
	[tilespmem:$0x1E800] =	vst v63  }
0x5d: {  	_ =	swait.ge [sflag:s22], $0x4000  }
0x5e: {  	[sflag:s22] =	ssyncset.done $0x0  }
.Ltmp1:
0x5f: {  	s28 =	sadd.s32 $0x1480, s26;
	[sflag:s22] =	ssyncadd.s32 $0xFFFFC000;
	(pc) =	sbr.rel @p0 .LBB2_4-.Ltmp1, $4  }
0x60: {  	[spmem:s1] =	stream.indirect.scatter.add.f32 [tilespmem:s20], [sflag:$0x3], $0x80, s28, s19, $0xb8;
	[tilespmem:$0x1E800] =	vst v63  }
0x61: {  	_ =	swait.ge [sflag:s17], $0x4000  }
0x62: {  	[sflag:s17] =	ssyncset.done $0x0  }
0x63: {  	s26 =	sadd.s32 $0x180, s26;
	[sflag:s17] =	ssyncadd.s32 $0xFFFFC000  }
0x64: {  	[tilespmem:s20], [sflag:$0x2] =	stream.indirect.gather [hbm4b:s4+s19], $0x80, s26, s19, $0xb8;
	[tilespmem:$0x1E800] =	vst v63  }
0x65: {  	_ =	swait.ge [sflag:s21], $0x4000  }
0x66: {  	[sflag:s21] =	ssyncset.done $0x0  }
0x67: {  	[sflag:s21] =	ssyncadd.s32 $0xFFFFC000  }
0x68: {  	[spmem:s1] =	stream.indirect.scatter.add.f32 [tilespmem:s16], [sflag:$0x3], $0x80, s23, s19, $0xb8;
	[tilespmem:$0x1E800] =	vst v63  }
0x69: {  	_ =	swait.ge [sflag:s17], $0x4000  }
0x6a: {  	[sflag:s17] =	ssyncset.done $0x0  }
0x6b: {  	[sflag:s17] =	ssyncadd.s32 $0xFFFFC000  }
0x6c: {  	_ =	swait.ge [sflag:s22], $0x4000  }
0x6d: {  	[sflag:s22] =	ssyncset.done $0x0  }
0x6e: {  	[sflag:s22] =	ssyncadd.s32 $0xFFFFC000  }
0x6f: {  	[spmem:s1] =	stream.indirect.scatter.add.f32 [tilespmem:s20], [sflag:$0x3], $0x80, s24, s19, $0xb8;
	[tilespmem:$0x1E800] =	vst v63  }
0x70: {  	_ =	swait.ge [sflag:s17], $0x4000  }
0x71: {  	[sflag:s17] =	ssyncset.done $0x0  }
0x72: {  	s25 =	simm.s32 $0x0;
	[sflag:s17] =	ssyncadd.s32 $0xFFFFC000  }
0x73: {  	[tilespmem:s25], [sflag:$0x3] =	stream.linear.gather [hbm4b:s12+s25], $0x1400, $0x38;
	[tilespmem:$0x1E800] =	vst v63  }
0x74: {  	_ =	swait.ge [sflag:s17], $0x1400  }
0x75: {  	[sflag:s17] =	ssyncset.done $0x0  }
0x76: {  	[sflag:s17] =	ssyncadd.s32 $0xFFFFEC00  }
0x77: {  	[tilespmem:s18], [sflag:$0x3] =	stream.linear.gather [hbm4b:s13+s25], $0x1400, $0x38;
	[tilespmem:$0x1E800] =	vst v63  }
0x78: {  	_ =	swait.ge [sflag:s17], $0x1400  }
0x79: {  	[sflag:s17] =	ssyncset.done $0x0  }
0x7a: {  	[sflag:s17] =	ssyncadd.s32 $0xFFFFEC00  }
0x7b: {  	[tilespmem:s16], [sflag:$0x1] =	stream.indirect.gather [hbm4b:s4+s19], $0x80, s25, s19, $0xb8;
	[tilespmem:$0x1E800] =	vst v63  }
0x7c: {  	_ = 	snop  }
0x7d: {  	[tilespmem:s20], [sflag:$0x2] =	stream.indirect.gather [hbm4b:s4+s19], $0x80, s19, s19, $0xb8;
	[tilespmem:$0x1E800] =	vst v63  }
0x7e: {  	_ =	swait.ge [sflag:s21], $0x4000  }
0x7f: {  	[sflag:s21] =	ssyncset.done $0x0  }
0x80: {  	s29 =	simm.s32 $0x1400;
	[sflag:s21] =	ssyncadd.s32 $0xFFFFC000  }
0x81: {  	[spmem:s1] =	stream.indirect.scatter.add.f32 [tilespmem:s16], [sflag:$0x3], $0x80, s29, s19, $0xb8;
	[tilespmem:$0x1E800] =	vst v63  }
0x82: {  	_ =	swait.ge [sflag:s17], $0x4000  }
0x83: {  	[sflag:s17] =	ssyncset.done $0x0  }
0x84: {  	s30 =	simm.s32 $0x100;
	[sflag:s17] =	ssyncadd.s32 $0xFFFFC000  }
0x85: {  	[tilespmem:s16], [sflag:$0x1] =	stream.indirect.gather [hbm4b:s4+s19], $0x80, s30, s19, $0xb8;
	[tilespmem:$0x1E800] =	vst v63  }
0x86: {  	_ =	swait.ge [sflag:s22], $0x4000  }
0x87: {  	[sflag:s22] =	ssyncset.done $0x0  }
0x88: {  	s31 =	simm.s32 $0x1480;
	[sflag:s22] =	ssyncadd.s32 $0xFFFFC000  }
0x89: {  	[spmem:s1] =	stream.indirect.scatter.add.f32 [tilespmem:s20], [sflag:$0x3], $0x80, s31, s19, $0xb8;
	[tilespmem:$0x1E800] =	vst v63  }
0x8a: {  	_ =	swait.ge [sflag:s17], $0x4000  }
0x8b: {  	[sflag:s17] =	ssyncset.done $0x0  }
0x8c: {  	s26 =	simm.s32 $0x180;
	s25 =	simm.s32 $0x400;
	[sflag:s17] =	ssyncadd.s32 $0xFFFFC000  }
.LBB2_6:
0x8d: {  	[tilespmem:s20], [sflag:$0x2] =	stream.indirect.gather [hbm4b:s4+s19], $0x80, s26, s19, $0xb8;
	[tilespmem:$0x1E800] =	vst v63  }
0x8e: {  	s26 =	smov.u32 s25  }
0x8f: {  	p0 =	sne.s32 s25, $0x4800;
	s25 =	sadd.s32 $0x400, s25;
	_ =	swait.ge [sflag:s21], $0x4000  }
0x90: {  	s26 =	sshra.s32 s26, $0x2;
	[sflag:s21] =	ssyncset.done $0x0  }
0x91: {  	s28 =	sadd.s32 $0x1400, s26;
	[sflag:s21] =	ssyncadd.s32 $0xFFFFC000  }
0x92: {  	[spmem:s1] =	stream.indirect.scatter.add.f32 [tilespmem:s16], [sflag:$0x3], $0x80, s28, s19, $0xb8;
	[tilespmem:$0x1E800] =	vst v63  }
0x93: {  	_ =	swait.ge [sflag:s17], $0x4000  }
0x94: {  	[sflag:s17] =	ssyncset.done $0x0  }
0x95: {  	s28 =	sadd.s32 $0x100, s26;
	[sflag:s17] =	ssyncadd.s32 $0xFFFFC000  }
0x96: {  	[tilespmem:s16], [sflag:$0x1] =	stream.indirect.gather [hbm4b:s4+s19], $0x80, s28, s19, $0xb8;
	[tilespmem:$0x1E800] =	vst v63  }
0x97: {  	_ =	swait.ge [sflag:s22], $0x4000  }
0x98: {  	[sflag:s22] =	ssyncset.done $0x0  }
.Ltmp2:
0x99: {  	s28 =	sadd.s32 $0x1480, s26;
	[sflag:s22] =	ssyncadd.s32 $0xFFFFC000;
	(pc) =	sbr.rel @p0 .LBB2_6-.Ltmp2, $4  }
0x9a: {  	[spmem:s1] =	stream.indirect.scatter.add.f32 [tilespmem:s20], [sflag:$0x3], $0x80, s28, s19, $0xb8;
	[tilespmem:$0x1E800] =	vst v63  }
0x9b: {  	_ =	swait.ge [sflag:s17], $0x4000  }
0x9c: {  	[sflag:s17] =	ssyncset.done $0x0  }
0x9d: {  	s26 =	sadd.s32 $0x180, s26;
	[sflag:s17] =	ssyncadd.s32 $0xFFFFC000  }
0x9e: {  	[tilespmem:s20], [sflag:$0x2] =	stream.indirect.gather [hbm4b:s4+s19], $0x80, s26, s19, $0xb8;
	[tilespmem:$0x1E800] =	vst v63  }
0x9f: {  	_ =	swait.ge [sflag:s21], $0x4000  }
0xa0: {  	[sflag:s21] =	ssyncset.done $0x0  }
0xa1: {  	[sflag:s21] =	ssyncadd.s32 $0xFFFFC000  }
0xa2: {  	[spmem:s1] =	stream.indirect.scatter.add.f32 [tilespmem:s16], [sflag:$0x3], $0x80, s23, s19, $0xb8;
	[tilespmem:$0x1E800] =	vst v63  }
0xa3: {  	_ =	swait.ge [sflag:s17], $0x4000  }
0xa4: {  	[sflag:s17] =	ssyncset.done $0x0  }
0xa5: {  	[sflag:s17] =	ssyncadd.s32 $0xFFFFC000  }
0xa6: {  	_ =	swait.ge [sflag:s22], $0x4000  }
0xa7: {  	[sflag:s22] =	ssyncset.done $0x0  }
0xa8: {  	[sflag:s22] =	ssyncadd.s32 $0xFFFFC000  }
0xa9: {  	[spmem:s1] =	stream.indirect.scatter.add.f32 [tilespmem:s20], [sflag:$0x3], $0x80, s24, s19, $0xb8;
	[tilespmem:$0x1E800] =	vst v63  }
0xaa: {  	_ =	swait.ge [sflag:s17], $0x4000  }
0xab: {  	s25 =	sshll.u32 s2, $0x6;
	s3 =	sadd.s32 $0x1, s3;
	[sflag:s17] =	ssyncset.done $0x0  }
0xac: {  	s31 =	sshrl.u32 s5, $0x3;
	p0 =	sne.s32 s3, s15;
	[sflag:s17] =	ssyncadd.s32 $0xFFFFC000  }
.Ltmp3:
0xad: {  	s25 =	sor.u32 $0x1C03, s25;
	[bflag:$0x0] =	sbarrier.arrive $0xFFFF;
	(pc) =	sbr.rel @p0 .LBB2_1-.Ltmp3, $4  }
0xae: {  	[hbm:s14], [sflag:s25] =	dma.local [spmem:s31], $0x2800  }
0xaf: {  	_ =	swait.ge [sflag:s17], $0x2800  }
0xb0: {  	[sflag:s17] =	ssyncset.done $0x0  }
0xb1: {  	[sflag:s17] =	ssyncadd.s32 $0xFFFFD800  }
0xb2: {  	_ =	sfence.sel $0x180000  }
0xb3: {  	[bflag:$0x0] =	sbarrier.arrive $0xFFFF  }
0xb4: {  	p0 =	sne.s32 s2, $0x0;
	_ =	strace $0x9000004A  }
0xb5: {  	s0 =	sadd.s32 @!p0 $0x100000, s0;
	[bflag:$0x2] =	sbarrier.arrive $0xFFFF  }
0xb6: {  	[sflag:s0] =	ssyncadd.tile.s32 @!p0 $0x1;
	_ =	shalt  }
.Lfunc_end2:
_tile_overlayer_lowered:
.L_overlay_start_2:
0xb7: {  	(tag) =	ssettag $0x2  }
0xb8: {  	s0 =	rddreg [dreg:$0x0];
	s2 =	stileid.u32  }
0xb9: {  	s1 =	rddreg [dreg:$0x1];
	p0 =	sne.s32 s2, $0x0  }
0xba: {  	s3 =	rddreg [dreg:$0x2];
	[bflag:$0x3] =	sbarrier.arrive $0xFFFF;
	s2 =	simm.s32 @!p0 $0x1C03  }
0xbb: {  	[timem:s3], [sflag:s2] =	dma.local @!p0 [hbm:s0], s1  }
0xbc: {  	s0 =	simm.s32 @!p0 $0x3  }
0xbd: {  	_ =	swait.ge @!p0 [sflag:s0], s1  }
0xbe: {  	s1 =	ssub.s32 @!p0 $0x0, s1;
	[sflag:s0] =	ssyncset.done @!p0 $0x0  }
0xbf: {  	[sflag:s0] =	ssyncadd.s32 @!p0 s1  }
0xc0: {  	[bflag:$0x3] =	sbarrier.arrive $0xFFFF  }
0xc1: {  	_ =	shalt  }

// kernel: kernel.14.cloned.1.call-start
scs
__scs_entry_jumppad:
0x0: {  	(pc) =	sbr.rel $0x88, $3  }
0x1: {  	(tag) =	ssettag $0x0;
	lr =	simm.s32 $0x1  }
0x2: {  	[smem:$0x3F9B] =	sst lr;
	_ =	strace $0xD0000000  }
0x3: {  	_ = 	snop  }
0x4: {  	_ = 	snop  }
0x5: {  	_ = 	snop  }
0x6: {  	_ = 	snop  }
0x7: {  	_ = 	snop  }
__scs_overlays_trampoline_lowered:
0x8: {  	[smem:$0x3FAA] =	sst s0  }
0x9: {  	[smem:$0x3FAB] =	sst s1  }
0xa: {  	[smem:$0x3FAC] =	sst s2  }
0xb: {  	[smem:$0x3FAD] =	sst s3  }
0xc: {  	[smem:$0x3FAE] =	sst s4  }
0xd: {  	[smem:$0x3FAF] =	sst s5  }
0xe: {  	[smem:$0x3FB0] =	sst s6  }
0xf: {  	[smem:$0x3FB1] =	sst s7  }
0x10: {  	[smem:$0x3FB2] =	sst s8  }
0x11: {  	[smem:$0x3FB3] =	sst s9;
	s0 =	simm.s32 @!p0 $0x0  }
0x12: {  	s1 =	sld [smem:$0x3F99];
	s0 =	simm.s32 @p0 $0x1  }
0x13: {  	[smem:$0x3FB4] =	sst s0;
	s0 =	simm.s32 @!p1 $0x0  }
0x14: {  	s2 =	sld [smem:$0x3F98];
	s0 =	simm.s32 @p1 $0x1  }
0x15: {  	[smem:$0x3FB5] =	sst s0;
	s0 =	simm.s32 @!p2 $0x0  }
0x16: {  	s3 =	sld [smem:$0x3FDB];
	s0 =	simm.s32 @p2 $0x1  }
0x17: {  	s4 =	simm.s32 $0x1BF5;
	[smem:$0x3FB7] =	sst s0  }
0x18: {  	s0 =	sld [smem:$0x3F9A];
	_ =	swait.ge [sflag:s4], $0x0  }
0x19: {  	s7 =	sld [smem:$0x3F9B]  }
0x1a: {  	s8 =	sadd.s32 $0xFFFFE003, lr  }
0x1b: {  	s9 =	sadd.s32 $0xFFFFFEF7, lr;
	s5 =	simm.s32 $0xFFFFFFFF;
	p2 =	slt.u32 s8, $0xFFFFF086  }
0x1c: {  	p1 =	slt.u32 s9, $0xF7A;
	s5 =	simm.s32 @!p2 $0x0  }
0x1d: {  	s5 =	simm.s32 @p1 $0x1;
	p0 =	seq.s32 s7, s2  }
0x1e: {  	s7 =	smul.u32 @!p0 $0xF7A, s2;
	p2 =	seq.s32 @!p0 s5, $0x0  }
0x1f: {  	s9 =	smul.u32 $0xF7A, s1;
	s8 =	simm.s32 @!p0 $0x1BF5;
	p2 =	por !p2, p0  }
0x20: {  	[sflag:s8] =	ssyncset.s32 @!p0 $0xFFFFF086;
	s6 =	sadd.s32 @!p0 s3, s7;
	s7 =	simm.s32 @!p0 $0x108  }
0x21: {  	s3 =	sadd.s32 s3, s9;
	s6 =	sadd.s32 @!p0 $0x88, s6;
	s7 =	simm.s32 @p2 $0x1082  }
0x22: {  	[simem:s7], [sflag:s8] =	dma.local @!p0 [hbm:s6], $0xF7A  }
0x23: {  	s9 =	sor.u32 $0xD0000000, s2;
	s6 =	simm.s32 $0x108;
	_ =	swait.ge @!p0 [sflag:s8], $0x0  }
0x24: {  	s3 =	sadd.s32 $0x88, s3;
	s6 =	simm.s32 @!p1 $0x1082;
	[sflag:s4] =	ssyncset.s32 $0xFFFFF086  }
0x25: {  	[simem:s6], [sflag:s4] =	dma.local [hbm:s3], $0xF7A  }
0x26: {  	[smem:$0x3F9B] =	sst s1;
	(tag) =	ssettag s2;
	_ =	strace s9  }
0x27: {  	s1 =	sld [smem:$0x3FAB]  }
0x28: {  	s2 =	sld [smem:$0x3FAC]  }
0x29: {  	s4 =	sld [smem:$0x3FAE]  }
0x2a: {  	p0 =	seq.s32 s5, $0x0;
	s5 =	sld [smem:$0x3FAF]  }
0x2b: {  	s6 =	sld [smem:$0x3FB0]  }
0x2c: {  	s7 =	sld [smem:$0x3FB1]  }
0x2d: {  	s3 =	simm.s32 $0x108;
	s8 =	sld [smem:$0x3FB2]  }
0x2e: {  	s3 =	simm.s32 @!p0 $0x1082;
	s9 =	sld [smem:$0x3FB3]  }
0x2f: {  	lr =	sadd.s32 s0, s3;
	s0 =	sld [smem:$0x3FAA]  }
0x30: {  	s3 =	sld [smem:$0x3FAD]  }
0x31: {  	[smem:$0x3FB6] =	sst s10  }
0x32: {  	s10 =	sld [smem:$0x3FB4];
	_ =	sdelay $0x3  }
0x33: {  	p0 =	seq.s32 s10, $0x1;
	s10 =	sld [smem:$0x3FB6];
	_ =	sdelay $0x3  }
0x34: {  	[smem:$0x3FB6] =	sst s10  }
0x35: {  	s10 =	sld [smem:$0x3FB5];
	_ =	sdelay $0x3  }
0x36: {  	p1 =	seq.s32 s10, $0x1;
	s10 =	sld [smem:$0x3FB6];
	_ =	sdelay $0x3  }
0x37: {  	[smem:$0x3FB6] =	sst s10  }
0x38: {  	s10 =	sld [smem:$0x3FB7]  }
0x39: {  	_ = 	snop;
	(pc) =	sbr.ind lr, $3  }
0x3a: {  	_ = 	snop  }
0x3b: {  	_ = 	snop  }
0x3c: {  	p2 =	seq.s32 s10, $0x1;
	s10 =	sld [smem:$0x3FB6]  }
0x3d: {  	_ =	shalt  }
0x3e: {  	_ =	shalt  }
0x3f: {  	_ =	shalt  }
0x40: {  	_ =	shalt  }
0x41: {  	_ =	shalt  }
0x42: {  	_ =	shalt  }
0x43: {  	_ =	shalt  }
0x44: {  	_ =	shalt  }
0x45: {  	_ =	shalt  }
0x46: {  	_ =	shalt  }
0x47: {  	_ =	shalt  }
0x48: {  	_ =	shalt  }
0x49: {  	_ =	shalt  }
0x4a: {  	_ =	shalt  }
0x4b: {  	_ =	shalt  }
0x4c: {  	_ =	shalt  }
0x4d: {  	_ =	shalt  }
0x4e: {  	_ =	shalt  }
0x4f: {  	_ =	shalt  }
0x50: {  	_ =	shalt  }
0x51: {  	_ =	shalt  }
0x52: {  	_ =	shalt  }
0x53: {  	_ =	shalt  }
0x54: {  	_ =	shalt  }
0x55: {  	_ =	shalt  }
0x56: {  	_ =	shalt  }
0x57: {  	_ =	shalt  }
0x58: {  	_ =	shalt  }
0x59: {  	_ =	shalt  }
0x5a: {  	_ =	shalt  }
0x5b: {  	_ =	shalt  }
0x5c: {  	_ =	shalt  }
0x5d: {  	_ =	shalt  }
0x5e: {  	_ =	shalt  }
0x5f: {  	_ =	shalt  }
0x60: {  	_ =	shalt  }
0x61: {  	_ =	shalt  }
0x62: {  	_ =	shalt  }
0x63: {  	_ =	shalt  }
0x64: {  	_ =	shalt  }
0x65: {  	_ =	shalt  }
0x66: {  	_ =	shalt  }
0x67: {  	_ =	shalt  }
0x68: {  	_ =	shalt  }
0x69: {  	_ =	shalt  }
0x6a: {  	_ =	shalt  }
0x6b: {  	_ =	shalt  }
0x6c: {  	_ =	shalt  }
0x6d: {  	_ =	shalt  }
0x6e: {  	_ =	shalt  }
0x6f: {  	_ =	shalt  }
0x70: {  	_ =	shalt  }
0x71: {  	_ =	shalt  }
0x72: {  	_ =	shalt  }
0x73: {  	_ =	shalt  }
0x74: {  	_ =	shalt  }
0x75: {  	_ =	shalt  }
0x76: {  	_ =	shalt  }
0x77: {  	_ =	shalt  }
0x78: {  	_ =	shalt  }
0x79: {  	_ =	shalt  }
0x7a: {  	_ =	shalt  }
0x7b: {  	_ =	shalt  }
0x7c: {  	_ =	shalt  }
0x7d: {  	_ =	shalt  }
0x7e: {  	_ =	shalt  }
0x7f: {  	_ =	shalt  }
0x80: {  	_ =	shalt  }
0x81: {  	_ =	shalt  }
0x82: {  	_ =	shalt  }
0x83: {  	_ =	shalt  }
0x84: {  	_ =	shalt  }
0x85: {  	_ =	shalt  }
0x86: {  	_ =	shalt  }
0x87: {  	_ =	shalt  }
.Lfunc_end0:
.L_simem_size_0:
called_computation.2_lowered:
.L_overlay_start_0:
0x88: {  	s2 =	sld [smem:$0x3FD9]  }
0x89: {  	s3 =	sld [smem:$0x3FFE];
	_ =	sdelay $0x1  }
0x8a: {  	s1 =	srdreg.scid  }
0x8b: {  	s0 =	sand.u32 $0x1, s1  }
0x8c: {  	s17 =	sshll.u32 s0, $0xA;
	s2 =	sadd.s32 s3, s2  }
0x8d: {  	s2 =	sadd.s32 s2, s17  }
0x8e: {  	[smem:$0x3FC2] =	sst s2  }
0x8f: {  	_ = 	snop  }
0x90: {  	s2 =	sld [smem:$0x3FD0];
	(tm) =	ssettm $0x1  }
0x91: {  	s18 =	sld [smem:$0x3FFB];
	_ =	sdelay $0x3  }
0x92: {  	_ =	strace s18  }
0x93: {  	s3 =	sld [smem:$0x3FFC];
	_ =	sdelay $0x3  }
0x94: {  	_ =	strace s3  }
0x95: {  	s3 =	sld [smem:$0x3FFD];
	_ =	sdelay $0x3  }
0x96: {  	_ =	strace s3  }
0x97: {  	_ =	strace $0x8FFFFFFF  }
0x98: {  	s19 =	sld [smem:$0x3FDB];
	_ =	sdelay $0x1  }
0x99: {  	s4 =	simm.s32 $_scs_section_size  }
0x9a: {  	s5 =	simm.s32 $_size__tile_overlayer_lowered;
	s6 =	simm.s32 $_tile_overlayer_lowered  }
0x9b: {  	s22 =	simm.s32 $0x1BFF;
	s21 =	sshll.u32 s6, $0x1;
	s3 =	sadd.s32 s4, s19  }
0x9c: {  	s7 =	simm.s32 $0x0;
	s20 =	sshll.u32 s5, $0x1;
	s5 =	sadd.s32 s21, s3  }
0x9d: {  	[timem:s7], [sflag:s22] =	dma.local [hbm:s5], s20  }
0x9e: {  	_ =	swait.ge [sflag:s22], s20  }
0x9f: {  	s4 =	ssub.s32 $0x0, s20;
	[sflag:s22] =	ssyncset.done $0x0  }
0xa0: {  	[sflag:s22] =	ssyncadd.s32 s4;
	_ =	sdelay $0x1  }
0xa1: {  	s23 =	simm.s32 $0x1B8B  }
0xa2: {  	_ =	swait.ge [sflag:s23], $0x1  }
0xa3: {  	[sflag:s23] =	ssyncset.done $0x0  }
0xa4: {  	s25 =	simm.s32 $0x1B8E;
	s24 =	sld [smem:$0x3FFE];
	[sflag:s23] =	ssyncadd.s32 $0xFFFFFFFF  }
0xa5: {  	s26 =	simm.s32 $execute0_lowered;
	[smem:$0x3FD2] =	sst s25  }
0xa6: {  	s5 =	sshll.u32 s26, $0x1;
	_ =	strace $0x8000004C;
	[dreg:$0x1] =	wrdreg $0xFFFFFFFF  }
0xa7: {  	s28 =	simm.s32 $_size_execute0_lowered;
	s3 =	sadd.s32 s3, s5;
	[dreg:$0x0] =	wrdreg $0x0  }
0xa8: {  	s5 =	sshll.u32 s28, $0x1;
	[dreg:$0x2] =	wrdreg s3  }
0xa9: {  	[dreg:$0x3] =	wrdreg s5  }
0xaa: {  	[dreg:$0x4] =	wrdreg $0xC0  }
0xab: {  	_ =	task [dreg:s7], $0x5FFFF  }
0xac: {  	[dreg:$0x1] =	wrdreg $0xFFFFFFFF  }
0xad: {  	[dreg:$0x0] =	wrdreg $0x60  }
0xae: {  	[dreg:$0x2] =	wrdreg s24  }
0xaf: {  	[dreg:$0x3] =	wrdreg s2  }
0xb0: {  	[dreg:$0x4] =	wrdreg $0xA8000  }
0xb1: {  	[dreg:$0x5] =	wrdreg $0x9  }
0xb2: {  	_ =	task.clear_ibuf [dreg:s7], $0x6FFFF;
	_ =	strace $0x9000004C  }
0xb3: {  	s29 =	simm.s32 $0x9;
	_ =	strace $0x8000004E  }
0xb4: {  	_ =	swait.ge [sflag:s29], $0x1  }
0xb5: {  	[sflag:s29] =	ssyncadd.s32 $0xFFFFFFFF  }
0xb6: {  	_ =	strace $0x9000004E  }
0xb7: {  	_ =	sfence  }
0xb8: {  	s30 =	sld [smem:$0x0];
	_ =	sdelay $0x2  }
0xb9: {  	s31 =	sshll.u32 s1, $0xD;
	s1 =	sshrl.u32 s1, $0x2  }
0xba: {  	s3 =	sand.u32 $0x4000, s31;
	s1 =	sadd.s32 s1, s30  }
0xbb: {  	s0 =	sor.u32 s3, s0;
	s1 =	sshll.u32 s1, $0x11  }
0xbc: {  	s0 =	sor.u32 s1, s0  }
0xbd: {  	s0 =	sadd.s32 $0x8F2B, s0  }
0xbe: {  	[sflag:s0] =	ssyncadd.remote.s32 $0x1  }
0xbf: {  	_ =	sfence.sel $0xFFFF  }
0xc0: {  	[dreg:$0x0] =	wrdreg $0xFFFFFFFF;
	(pc) =	sbr.abs _section_cstart, $3  }
0xc1: {  	[dreg:$0x1] =	wrdreg $0xFFFFFFFF  }
0xc2: {  	_ =	task.clear_ibuf [dreg:s7], $0x2FFFF;
	_ =	strace $0x9FFFFFFF  }
0xc3: {  	(tm) =	ssettm $0x7FFFFFFF  }
tec
execute0_lowered:
.L_overlay_start_1:
0x0: {  	(tag) =	ssettag $0x1  }
0x1: {  	s5 =	rddreg [dreg:$0x0]  }
0x2: {  	s13 =	rddreg [dreg:$0x1]  }
0x3: {  	s1 =	rddreg [dreg:$0x2]  }
0x4: {  	s2 =	srdreg.scid;
	s0 =	rddreg [dreg:$0x3]  }
0x5: {  	s3 =	simm.s32 $0x0;
	s17 =	simm.s32 $0x3;
	s18 =	simm.s32 $0x1400  }
0x6: {  	s19 =	simm.s32 $0x80;
	s20 =	simm.s32 $0x6800;
	s6 =	sand.u32 $0x1, s2  }
0x7: {  	s21 =	simm.s32 $0x1;
	s2 =	stileid.u32;
	s7 =	smul.u32 $0x140000, s6  }
0x8: {  	s22 =	simm.s32 $0x2;
	s23 =	simm.s32 $0x2700;
	s8 =	smul.u32 $0x14000, s2  }
0x9: {  	s24 =	simm.s32 $0x2780;
	[smem:$0x7FF] =	sst s3;
	s9 =	smul.u32 $0x50000, s2  }
0xa: {  	s4 =	sadd.s32 $0xC200, s5;
	s12 =	sadd.s32 $0x2200, s5;
	s29 =	smul.u32 $0x28000, s6  }
0xb: {  	_ =	strace $0x8000004D;
	s6 =	ssub.s32 $0x2, s6;
	s10 =	smul.u32 $0x2800, s2  }
0xc: {  	s30 =	sshrl.u32 s6, $0x1;
	s7 =	sadd.s32 s8, s7;
	s31 =	sshrl.u32 s9, $0x2  }
0xd: {  	s15 =	ssub.s32 s6, s30;
	s8 =	sadd.s32 s10, s29;
	s7 =	sshrl.u32 s7, $0x3  }
0xe: {  	s11 =	sshrl.u32 s8, $0x3;
	s15 =	smax.u32 s15, $0x1;
	s14 =	sadd.s32 s7, s5  }
0xf: {  	s5 =	sadd.s32 s31, s1;
	s16 =	sadd.s32 $0x280, s11;
	s10 =	sadd.s32 s12, s11  }
0x10: {  	s11 =	sadd.s32 s13, s11;
	s6 =	sadd.s32 $0x4000, s5;
	s7 =	sadd.s32 $0x8000, s5  }
0x11: {  	s8 =	sadd.s32 $0xC000, s5;
	s9 =	sadd.s32 $0x10000, s5;
	s12 =	sadd.s32 s12, s16  }
0x12: {  	v0 =	vimm.f32 $0.0e+00;
	s13 =	sadd.s32 s13, s16;
	s14 =	sadd.s32 $0x34200, s14;
	s16 =	simm.s32 $0x2800  }
.LBB2_1:
0x13: {  	s25 =	simm.s32 $0x0;
	s26 =	simm.s32 $0x200  }
.LBB2_2:
0x14: {  	p0 =	sne.s32 s26, $0xFE00;
	[tilespmem:s25+$0x2870] =	vst v0  }
0x15: {  	[tilespmem:s25+$0x2800] =	vst v0  }
0x16: {  	[tilespmem:s25+$0x2810] =	vst v0  }
.Ltmp0:
0x17: {  	[tilespmem:s25+$0x2820] =	vst v0;
	(pc) =	sbr.rel @p0 .LBB2_2-.Ltmp0, $4  }
0x18: {  	[tilespmem:s25+$0x2830] =	vst v0  }
0x19: {  	[tilespmem:s25+$0x2840] =	vst v0  }
0x1a: {  	[tilespmem:s25+$0x2850] =	vst v0  }
0x1b: {  	[tilespmem:s25+$0x2860] =	vst v0;
	s25 =	sshra.s32 s26, $0x2;
	s26 =	sadd.s32 $0x200, s26  }
0x1c: {  	[tilespmem:s25+$0x2870] =	vst v0  }
0x1d: {  	[tilespmem:s25+$0x2800] =	vst v0  }
0x1e: {  	[tilespmem:s25+$0x2810] =	vst v0  }
0x1f: {  	[tilespmem:s25+$0x2820] =	vst v0  }
0x20: {  	[tilespmem:s25+$0x2830] =	vst v0  }
0x21: {  	[tilespmem:s25+$0x2840] =	vst v0  }
0x22: {  	[tilespmem:s25+$0x2850] =	vst v0  }
0x23: {  	[tilespmem:s25+$0x2860] =	vst v0  }
0x24: {  	[spmem:s5] =	stream.linear.scatter [tilespmem:s16], [sflag:$0x3], $0x4000, $0x38;
	[tilespmem:$0x1E800] =	vst v63  }
0x25: {  	_ =	swait.ge [sflag:s17], $0x4000  }
0x26: {  	[sflag:s17] =	ssyncset.done $0x0  }
0x27: {  	[sflag:s17] =	ssyncadd.s32 $0xFFFFC000  }
0x28: {  	[spmem:s6] =	stream.linear.scatter [tilespmem:s16], [sflag:$0x3], $0x4000, $0x38;
	[tilespmem:$0x1E800] =	vst v63  }
0x29: {  	_ =	swait.ge [sflag:s17], $0x4000  }
0x2a: {  	[sflag:s17] =	ssyncset.done $0x0  }
0x2b: {  	[sflag:s17] =	ssyncadd.s32 $0xFFFFC000  }
0x2c: {  	[spmem:s7] =	stream.linear.scatter [tilespmem:s16], [sflag:$0x3], $0x4000, $0x38;
	[tilespmem:$0x1E800] =	vst v63  }
0x2d: {  	_ =	swait.ge [sflag:s17], $0x4000  }
0x2e: {  	[sflag:s17] =	ssyncset.done $0x0  }
0x2f: {  	[sflag:s17] =	ssyncadd.s32 $0xFFFFC000  }
0x30: {  	[spmem:s8] =	stream.linear.scatter [tilespmem:s16], [sflag:$0x3], $0x4000, $0x38;
	[tilespmem:$0x1E800] =	vst v63  }
0x31: {  	_ =	swait.ge [sflag:s17], $0x4000  }
0x32: {  	[sflag:s17] =	ssyncset.done $0x0  }
0x33: {  	[sflag:s17] =	ssyncadd.s32 $0xFFFFC000  }
0x34: {  	[spmem:s9] =	stream.linear.scatter [tilespmem:s16], [sflag:$0x3], $0x4000, $0x38;
	[tilespmem:$0x1E800] =	vst v63  }
0x35: {  	_ =	swait.ge [sflag:s17], $0x4000  }
0x36: {  	[sflag:s17] =	ssyncset.done $0x0  }
0x37: {  	[sflag:s17] =	ssyncadd.s32 $0xFFFFC000  }
0x38: {  	s28 =	simm.s32 $0x0;
	[bflag:$0x0] =	sbarrier.arrive $0xFFFF  }
0x39: {  	[tilespmem:s28], [sflag:$0x3] =	stream.linear.gather [hbm4b:s10+s28], $0x1400, $0x38;
	[tilespmem:$0x1E800] =	vst v63  }
0x3a: {  	_ =	swait.ge [sflag:s17], $0x1400  }
0x3b: {  	[sflag:s17] =	ssyncset.done $0x0  }
0x3c: {  	[sflag:s17] =	ssyncadd.s32 $0xFFFFEC00  }
0x3d: {  	[tilespmem:s18], [sflag:$0x3] =	stream.linear.gather [hbm4b:s11+s28], $0x1400, $0x38;
	[tilespmem:$0x1E800] =	vst v63  }
0x3e: {  	_ =	swait.ge [sflag:s17], $0x1400  }
0x3f: {  	[sflag:s17] =	ssyncset.done $0x0  }
0x40: {  	[sflag:s17] =	ssyncadd.s32 $0xFFFFEC00  }
0x41: {  	[tilespmem:s16], [sflag:$0x1] =	stream.indirect.gather [hbm4b:s4+s19], $0x80, s28, s19, $0xb8;
	[tilespmem:$0x1E800] =	vst v63  }
0x42: {  	_ = 	snop  }
0x43: {  	[tilespmem:s20], [sflag:$0x2] =	stream.indirect.gather [hbm4b:s4+s19], $0x80, s19, s19, $0xb8;
	[tilespmem:$0x1E800] =	vst v63  }
0x44: {  	_ =	swait.ge [sflag:s21], $0x4000  }
0x45: {  	[sflag:s21] =	ssyncset.done $0x0  }
0x46: {  	s29 =	simm.s32 $0x1400;
	[sflag:s21] =	ssyncadd.s32 $0xFFFFC000  }
0x47: {  	[spmem:s1] =	stream.indirect.scatter.add.f32 [tilespmem:s16], [sflag:$0x3], $0x80, s29, s19, $0xb8;
	[tilespmem:$0x1E800] =	vst v63  }
0x48: {  	_ =	swait.ge [sflag:s17], $0x4000  }
0x49: {  	[sflag:s17] =	ssyncset.done $0x0  }
0x4a: {  	s30 =	simm.s32 $0x100;
	[sflag:s17] =	ssyncadd.s32 $0xFFFFC000  }
0x4b: {  	[tilespmem:s16], [sflag:$0x1] =	stream.indirect.gather [hbm4b:s4+s19], $0x80, s30, s19, $0xb8;
	[tilespmem:$0x1E800] =	vst v63  }
0x4c: {  	_ =	swait.ge [sflag:s22], $0x4000  }
0x4d: {  	[sflag:s22] =	ssyncset.done $0x0  }
0x4e: {  	s31 =	simm.s32 $0x1480;
	[sflag:s22] =	ssyncadd.s32 $0xFFFFC000  }
0x4f: {  	[spmem:s1] =	stream.indirect.scatter.add.f32 [tilespmem:s20], [sflag:$0x3], $0x80, s31, s19, $0xb8;
	[tilespmem:$0x1E800] =	vst v63  }
0x50: {  	_ =	swait.ge [sflag:s17], $0x4000  }
0x51: {  	[sflag:s17] =	ssyncset.done $0x0  }
0x52: {  	s25 =	simm.s32 $0x400;
	s26 =	simm.s32 $0x180;
	[sflag:s17] =	ssyncadd.s32 $0xFFFFC000  }
.LBB2_4:
0x53: {  	[tilespmem:s20], [sflag:$0x2] =	stream.indirect.gather [hbm4b:s4+s19], $0x80, s26, s19, $0xb8;
	[tilespmem:$0x1E800] =	vst v63  }
0x54: {  	s26 =	smov.u32 s25  }
0x55: {  	p0 =	sne.s32 s25, $0x4800;
	s25 =	sadd.s32 $0x400, s25;
	_ =	swait.ge [sflag:s21], $0x4000  }
0x56: {  	s26 =	sshra.s32 s26, $0x2;
	[sflag:s21] =	ssyncset.done $0x0  }
0x57: {  	s28 =	sadd.s32 $0x1400, s26;
	[sflag:s21] =	ssyncadd.s32 $0xFFFFC000  }
0x58: {  	[spmem:s1] =	stream.indirect.scatter.add.f32 [tilespmem:s16], [sflag:$0x3], $0x80, s28, s19, $0xb8;
	[tilespmem:$0x1E800] =	vst v63  }
0x59: {  	_ =	swait.ge [sflag:s17], $0x4000  }
0x5a: {  	[sflag:s17] =	ssyncset.done $0x0  }
0x5b: {  	s28 =	sadd.s32 $0x100, s26;
	[sflag:s17] =	ssyncadd.s32 $0xFFFFC000  }
0x5c: {  	[tilespmem:s16], [sflag:$0x1] =	stream.indirect.gather [hbm4b:s4+s19], $0x80, s28, s19, $0xb8;
	[tilespmem:$0x1E800] =	vst v63  }
0x5d: {  	_ =	swait.ge [sflag:s22], $0x4000  }
0x5e: {  	[sflag:s22] =	ssyncset.done $0x0  }
.Ltmp1:
0x5f: {  	s28 =	sadd.s32 $0x1480, s26;
	[sflag:s22] =	ssyncadd.s32 $0xFFFFC000;
	(pc) =	sbr.rel @p0 .LBB2_4-.Ltmp1, $4  }
0x60: {  	[spmem:s1] =	stream.indirect.scatter.add.f32 [tilespmem:s20], [sflag:$0x3], $0x80, s28, s19, $0xb8;
	[tilespmem:$0x1E800] =	vst v63  }
0x61: {  	_ =	swait.ge [sflag:s17], $0x4000  }
0x62: {  	[sflag:s17] =	ssyncset.done $0x0  }
0x63: {  	s26 =	sadd.s32 $0x180, s26;
	[sflag:s17] =	ssyncadd.s32 $0xFFFFC000  }
0x64: {  	[tilespmem:s20], [sflag:$0x2] =	stream.indirect.gather [hbm4b:s4+s19], $0x80, s26, s19, $0xb8;
	[tilespmem:$0x1E800] =	vst v63  }
0x65: {  	_ =	swait.ge [sflag:s21], $0x4000  }
0x66: {  	[sflag:s21] =	ssyncset.done $0x0  }
0x67: {  	[sflag:s21] =	ssyncadd.s32 $0xFFFFC000  }
0x68: {  	[spmem:s1] =	stream.indirect.scatter.add.f32 [tilespmem:s16], [sflag:$0x3], $0x80, s23, s19, $0xb8;
	[tilespmem:$0x1E800] =	vst v63  }
0x69: {  	_ =	swait.ge [sflag:s17], $0x4000  }
0x6a: {  	[sflag:s17] =	ssyncset.done $0x0  }
0x6b: {  	[sflag:s17] =	ssyncadd.s32 $0xFFFFC000  }
0x6c: {  	_ =	swait.ge [sflag:s22], $0x4000  }
0x6d: {  	[sflag:s22] =	ssyncset.done $0x0  }
0x6e: {  	[sflag:s22] =	ssyncadd.s32 $0xFFFFC000  }
0x6f: {  	[spmem:s1] =	stream.indirect.scatter.add.f32 [tilespmem:s20], [sflag:$0x3], $0x80, s24, s19, $0xb8;
	[tilespmem:$0x1E800] =	vst v63  }
0x70: {  	_ =	swait.ge [sflag:s17], $0x4000  }
0x71: {  	[sflag:s17] =	ssyncset.done $0x0  }
0x72: {  	s25 =	simm.s32 $0x0;
	[sflag:s17] =	ssyncadd.s32 $0xFFFFC000  }
0x73: {  	[tilespmem:s25], [sflag:$0x3] =	stream.linear.gather [hbm4b:s12+s25], $0x1400, $0x38;
	[tilespmem:$0x1E800] =	vst v63  }
0x74: {  	_ =	swait.ge [sflag:s17], $0x1400  }
0x75: {  	[sflag:s17] =	ssyncset.done $0x0  }
0x76: {  	[sflag:s17] =	ssyncadd.s32 $0xFFFFEC00  }
0x77: {  	[tilespmem:s18], [sflag:$0x3] =	stream.linear.gather [hbm4b:s13+s25], $0x1400, $0x38;
	[tilespmem:$0x1E800] =	vst v63  }
0x78: {  	_ =	swait.ge [sflag:s17], $0x1400  }
0x79: {  	[sflag:s17] =	ssyncset.done $0x0  }
0x7a: {  	[sflag:s17] =	ssyncadd.s32 $0xFFFFEC00  }
0x7b: {  	[tilespmem:s16], [sflag:$0x1] =	stream.indirect.gather [hbm4b:s4+s19], $0x80, s25, s19, $0xb8;
	[tilespmem:$0x1E800] =	vst v63  }
0x7c: {  	_ = 	snop  }
0x7d: {  	[tilespmem:s20], [sflag:$0x2] =	stream.indirect.gather [hbm4b:s4+s19], $0x80, s19, s19, $0xb8;
	[tilespmem:$0x1E800] =	vst v63  }
0x7e: {  	_ =	swait.ge [sflag:s21], $0x4000  }
0x7f: {  	[sflag:s21] =	ssyncset.done $0x0  }
0x80: {  	s29 =	simm.s32 $0x1400;
	[sflag:s21] =	ssyncadd.s32 $0xFFFFC000  }
0x81: {  	[spmem:s1] =	stream.indirect.scatter.add.f32 [tilespmem:s16], [sflag:$0x3], $0x80, s29, s19, $0xb8;
	[tilespmem:$0x1E800] =	vst v63  }
0x82: {  	_ =	swait.ge [sflag:s17], $0x4000  }
0x83: {  	[sflag:s17] =	ssyncset.done $0x0  }
0x84: {  	s30 =	simm.s32 $0x100;
	[sflag:s17] =	ssyncadd.s32 $0xFFFFC000  }
0x85: {  	[tilespmem:s16], [sflag:$0x1] =	stream.indirect.gather [hbm4b:s4+s19], $0x80, s30, s19, $0xb8;
	[tilespmem:$0x1E800] =	vst v63  }
0x86: {  	_ =	swait.ge [sflag:s22], $0x4000  }
0x87: {  	[sflag:s22] =	ssyncset.done $0x0  }
0x88: {  	s31 =	simm.s32 $0x1480;
	[sflag:s22] =	ssyncadd.s32 $0xFFFFC000  }
0x89: {  	[spmem:s1] =	stream.indirect.scatter.add.f32 [tilespmem:s20], [sflag:$0x3], $0x80, s31, s19, $0xb8;
	[tilespmem:$0x1E800] =	vst v63  }
0x8a: {  	_ =	swait.ge [sflag:s17], $0x4000  }
0x8b: {  	[sflag:s17] =	ssyncset.done $0x0  }
0x8c: {  	s26 =	simm.s32 $0x180;
	s25 =	simm.s32 $0x400;
	[sflag:s17] =	ssyncadd.s32 $0xFFFFC000  }
.LBB2_6:
0x8d: {  	[tilespmem:s20], [sflag:$0x2] =	stream.indirect.gather [hbm4b:s4+s19], $0x80, s26, s19, $0xb8;
	[tilespmem:$0x1E800] =	vst v63  }
0x8e: {  	s26 =	smov.u32 s25  }
0x8f: {  	p0 =	sne.s32 s25, $0x4800;
	s25 =	sadd.s32 $0x400, s25;
	_ =	swait.ge [sflag:s21], $0x4000  }
0x90: {  	s26 =	sshra.s32 s26, $0x2;
	[sflag:s21] =	ssyncset.done $0x0  }
0x91: {  	s28 =	sadd.s32 $0x1400, s26;
	[sflag:s21] =	ssyncadd.s32 $0xFFFFC000  }
0x92: {  	[spmem:s1] =	stream.indirect.scatter.add.f32 [tilespmem:s16], [sflag:$0x3], $0x80, s28, s19, $0xb8;
	[tilespmem:$0x1E800] =	vst v63  }
0x93: {  	_ =	swait.ge [sflag:s17], $0x4000  }
0x94: {  	[sflag:s17] =	ssyncset.done $0x0  }
0x95: {  	s28 =	sadd.s32 $0x100, s26;
	[sflag:s17] =	ssyncadd.s32 $0xFFFFC000  }
0x96: {  	[tilespmem:s16], [sflag:$0x1] =	stream.indirect.gather [hbm4b:s4+s19], $0x80, s28, s19, $0xb8;
	[tilespmem:$0x1E800] =	vst v63  }
0x97: {  	_ =	swait.ge [sflag:s22], $0x4000  }
0x98: {  	[sflag:s22] =	ssyncset.done $0x0  }
.Ltmp2:
0x99: {  	s28 =	sadd.s32 $0x1480, s26;
	[sflag:s22] =	ssyncadd.s32 $0xFFFFC000;
	(pc) =	sbr.rel @p0 .LBB2_6-.Ltmp2, $4  }
0x9a: {  	[spmem:s1] =	stream.indirect.scatter.add.f32 [tilespmem:s20], [sflag:$0x3], $0x80, s28, s19, $0xb8;
	[tilespmem:$0x1E800] =	vst v63  }
0x9b: {  	_ =	swait.ge [sflag:s17], $0x4000  }
0x9c: {  	[sflag:s17] =	ssyncset.done $0x0  }
0x9d: {  	s26 =	sadd.s32 $0x180, s26;
	[sflag:s17] =	ssyncadd.s32 $0xFFFFC000  }
0x9e: {  	[tilespmem:s20], [sflag:$0x2] =	stream.indirect.gather [hbm4b:s4+s19], $0x80, s26, s19, $0xb8;
	[tilespmem:$0x1E800] =	vst v63  }
0x9f: {  	_ =	swait.ge [sflag:s21], $0x4000  }
0xa0: {  	[sflag:s21] =	ssyncset.done $0x0  }
0xa1: {  	[sflag:s21] =	ssyncadd.s32 $0xFFFFC000  }
0xa2: {  	[spmem:s1] =	stream.indirect.scatter.add.f32 [tilespmem:s16], [sflag:$0x3], $0x80, s23, s19, $0xb8;
	[tilespmem:$0x1E800] =	vst v63  }
0xa3: {  	_ =	swait.ge [sflag:s17], $0x4000  }
0xa4: {  	[sflag:s17] =	ssyncset.done $0x0  }
0xa5: {  	[sflag:s17] =	ssyncadd.s32 $0xFFFFC000  }
0xa6: {  	_ =	swait.ge [sflag:s22], $0x4000  }
0xa7: {  	[sflag:s22] =	ssyncset.done $0x0  }
0xa8: {  	[sflag:s22] =	ssyncadd.s32 $0xFFFFC000  }
0xa9: {  	[spmem:s1] =	stream.indirect.scatter.add.f32 [tilespmem:s20], [sflag:$0x3], $0x80, s24, s19, $0xb8;
	[tilespmem:$0x1E800] =	vst v63  }
0xaa: {  	_ =	swait.ge [sflag:s17], $0x4000  }
0xab: {  	s25 =	sshll.u32 s2, $0x6;
	s3 =	sadd.s32 $0x1, s3;
	[sflag:s17] =	ssyncset.done $0x0  }
0xac: {  	s31 =	sshrl.u32 s5, $0x3;
	p0 =	sne.s32 s3, s15;
	[sflag:s17] =	ssyncadd.s32 $0xFFFFC000  }
.Ltmp3:
0xad: {  	s25 =	sor.u32 $0x1C03, s25;
	[bflag:$0x0] =	sbarrier.arrive $0xFFFF;
	(pc) =	sbr.rel @p0 .LBB2_1-.Ltmp3, $4  }
0xae: {  	[hbm:s14], [sflag:s25] =	dma.local [spmem:s31], $0x2800  }
0xaf: {  	_ =	swait.ge [sflag:s17], $0x2800  }
0xb0: {  	[sflag:s17] =	ssyncset.done $0x0  }
0xb1: {  	[sflag:s17] =	ssyncadd.s32 $0xFFFFD800  }
0xb2: {  	_ =	sfence.sel $0x180000  }
0xb3: {  	[bflag:$0x0] =	sbarrier.arrive $0xFFFF  }
0xb4: {  	p0 =	sne.s32 s2, $0x0;
	_ =	strace $0x9000004D  }
0xb5: {  	s0 =	sadd.s32 @!p0 $0x100000, s0;
	[bflag:$0x2] =	sbarrier.arrive $0xFFFF  }
0xb6: {  	[sflag:s0] =	ssyncadd.tile.s32 @!p0 $0x1;
	_ =	shalt  }
.Lfunc_end2:
_tile_overlayer_lowered:
.L_overlay_start_2:
0xb7: {  	(tag) =	ssettag $0x2  }
0xb8: {  	s0 =	rddreg [dreg:$0x0];
	s2 =	stileid.u32  }
0xb9: {  	s1 =	rddreg [dreg:$0x1];
	p0 =	sne.s32 s2, $0x0  }
0xba: {  	s3 =	rddreg [dreg:$0x2];
	[bflag:$0x3] =	sbarrier.arrive $0xFFFF;
	s2 =	simm.s32 @!p0 $0x1C03  }
0xbb: {  	[timem:s3], [sflag:s2] =	dma.local @!p0 [hbm:s0], s1  }
0xbc: {  	s0 =	simm.s32 @!p0 $0x3  }
0xbd: {  	_ =	swait.ge @!p0 [sflag:s0], s1  }
0xbe: {  	s1 =	ssub.s32 @!p0 $0x0, s1;
	[sflag:s0] =	ssyncset.done @!p0 $0x0  }
0xbf: {  	[sflag:s0] =	ssyncadd.s32 @!p0 s1  }
0xc0: {  	[bflag:$0x3] =	sbarrier.arrive $0xFFFF  }
0xc1: {  	_ =	shalt  }

// kernel: kernel.8.cloned.1.call-start
scs
__scs_entry_jumppad:
0x0: {  	(pc) =	sbr.rel $0x88, $3  }
0x1: {  	(tag) =	ssettag $0x0;
	lr =	simm.s32 $0x1  }
0x2: {  	[smem:$0x3F9B] =	sst lr;
	_ =	strace $0xD0000000  }
0x3: {  	_ = 	snop  }
0x4: {  	_ = 	snop  }
0x5: {  	_ = 	snop  }
0x6: {  	_ = 	snop  }
0x7: {  	_ = 	snop  }
__scs_overlays_trampoline_lowered:
0x8: {  	[smem:$0x3FAA] =	sst s0  }
0x9: {  	[smem:$0x3FAB] =	sst s1  }
0xa: {  	[smem:$0x3FAC] =	sst s2  }
0xb: {  	[smem:$0x3FAD] =	sst s3  }
0xc: {  	[smem:$0x3FAE] =	sst s4  }
0xd: {  	[smem:$0x3FAF] =	sst s5  }
0xe: {  	[smem:$0x3FB0] =	sst s6  }
0xf: {  	[smem:$0x3FB1] =	sst s7  }
0x10: {  	[smem:$0x3FB2] =	sst s8  }
0x11: {  	[smem:$0x3FB3] =	sst s9;
	s0 =	simm.s32 @!p0 $0x0  }
0x12: {  	s1 =	sld [smem:$0x3F99];
	s0 =	simm.s32 @p0 $0x1  }
0x13: {  	[smem:$0x3FB4] =	sst s0;
	s0 =	simm.s32 @!p1 $0x0  }
0x14: {  	s2 =	sld [smem:$0x3F98];
	s0 =	simm.s32 @p1 $0x1  }
0x15: {  	[smem:$0x3FB5] =	sst s0;
	s0 =	simm.s32 @!p2 $0x0  }
0x16: {  	s3 =	sld [smem:$0x3FDB];
	s0 =	simm.s32 @p2 $0x1  }
0x17: {  	s4 =	simm.s32 $0x1BF5;
	[smem:$0x3FB7] =	sst s0  }
0x18: {  	s0 =	sld [smem:$0x3F9A];
	_ =	swait.ge [sflag:s4], $0x0  }
0x19: {  	s7 =	sld [smem:$0x3F9B]  }
0x1a: {  	s8 =	sadd.s32 $0xFFFFE003, lr  }
0x1b: {  	s9 =	sadd.s32 $0xFFFFFEF7, lr;
	s5 =	simm.s32 $0xFFFFFFFF;
	p2 =	slt.u32 s8, $0xFFFFF086  }
0x1c: {  	p1 =	slt.u32 s9, $0xF7A;
	s5 =	simm.s32 @!p2 $0x0  }
0x1d: {  	s5 =	simm.s32 @p1 $0x1;
	p0 =	seq.s32 s7, s2  }
0x1e: {  	s7 =	smul.u32 @!p0 $0xF7A, s2;
	p2 =	seq.s32 @!p0 s5, $0x0  }
0x1f: {  	s9 =	smul.u32 $0xF7A, s1;
	s8 =	simm.s32 @!p0 $0x1BF5;
	p2 =	por !p2, p0  }
0x20: {  	[sflag:s8] =	ssyncset.s32 @!p0 $0xFFFFF086;
	s6 =	sadd.s32 @!p0 s3, s7;
	s7 =	simm.s32 @!p0 $0x108  }
0x21: {  	s3 =	sadd.s32 s3, s9;
	s6 =	sadd.s32 @!p0 $0x88, s6;
	s7 =	simm.s32 @p2 $0x1082  }
0x22: {  	[simem:s7], [sflag:s8] =	dma.local @!p0 [hbm:s6], $0xF7A  }
0x23: {  	s9 =	sor.u32 $0xD0000000, s2;
	s6 =	simm.s32 $0x108;
	_ =	swait.ge @!p0 [sflag:s8], $0x0  }
0x24: {  	s3 =	sadd.s32 $0x88, s3;
	s6 =	simm.s32 @!p1 $0x1082;
	[sflag:s4] =	ssyncset.s32 $0xFFFFF086  }
0x25: {  	[simem:s6], [sflag:s4] =	dma.local [hbm:s3], $0xF7A  }
0x26: {  	[smem:$0x3F9B] =	sst s1;
	(tag) =	ssettag s2;
	_ =	strace s9  }
0x27: {  	s1 =	sld [smem:$0x3FAB]  }
0x28: {  	s2 =	sld [smem:$0x3FAC]  }
0x29: {  	s4 =	sld [smem:$0x3FAE]  }
0x2a: {  	p0 =	seq.s32 s5, $0x0;
	s5 =	sld [smem:$0x3FAF]  }
0x2b: {  	s6 =	sld [smem:$0x3FB0]  }
0x2c: {  	s7 =	sld [smem:$0x3FB1]  }
0x2d: {  	s3 =	simm.s32 $0x108;
	s8 =	sld [smem:$0x3FB2]  }
0x2e: {  	s3 =	simm.s32 @!p0 $0x1082;
	s9 =	sld [smem:$0x3FB3]  }
0x2f: {  	lr =	sadd.s32 s0, s3;
	s0 =	sld [smem:$0x3FAA]  }
0x30: {  	s3 =	sld [smem:$0x3FAD]  }
0x31: {  	[smem:$0x3FB6] =	sst s10  }
0x32: {  	s10 =	sld [smem:$0x3FB4];
	_ =	sdelay $0x3  }
0x33: {  	p0 =	seq.s32 s10, $0x1;
	s10 =	sld [smem:$0x3FB6];
	_ =	sdelay $0x3  }
0x34: {  	[smem:$0x3FB6] =	sst s10  }
0x35: {  	s10 =	sld [smem:$0x3FB5];
	_ =	sdelay $0x3  }
0x36: {  	p1 =	seq.s32 s10, $0x1;
	s10 =	sld [smem:$0x3FB6];
	_ =	sdelay $0x3  }
0x37: {  	[smem:$0x3FB6] =	sst s10  }
0x38: {  	s10 =	sld [smem:$0x3FB7]  }
0x39: {  	_ = 	snop;
	(pc) =	sbr.ind lr, $3  }
0x3a: {  	_ = 	snop  }
0x3b: {  	_ = 	snop  }
0x3c: {  	p2 =	seq.s32 s10, $0x1;
	s10 =	sld [smem:$0x3FB6]  }
0x3d: {  	_ =	shalt  }
0x3e: {  	_ =	shalt  }
0x3f: {  	_ =	shalt  }
0x40: {  	_ =	shalt  }
0x41: {  	_ =	shalt  }
0x42: {  	_ =	shalt  }
0x43: {  	_ =	shalt  }
0x44: {  	_ =	shalt  }
0x45: {  	_ =	shalt  }
0x46: {  	_ =	shalt  }
0x47: {  	_ =	shalt  }
0x48: {  	_ =	shalt  }
0x49: {  	_ =	shalt  }
0x4a: {  	_ =	shalt  }
0x4b: {  	_ =	shalt  }
0x4c: {  	_ =	shalt  }
0x4d: {  	_ =	shalt  }
0x4e: {  	_ =	shalt  }
0x4f: {  	_ =	shalt  }
0x50: {  	_ =	shalt  }
0x51: {  	_ =	shalt  }
0x52: {  	_ =	shalt  }
0x53: {  	_ =	shalt  }
0x54: {  	_ =	shalt  }
0x55: {  	_ =	shalt  }
0x56: {  	_ =	shalt  }
0x57: {  	_ =	shalt  }
0x58: {  	_ =	shalt  }
0x59: {  	_ =	shalt  }
0x5a: {  	_ =	shalt  }
0x5b: {  	_ =	shalt  }
0x5c: {  	_ =	shalt  }
0x5d: {  	_ =	shalt  }
0x5e: {  	_ =	shalt  }
0x5f: {  	_ =	shalt  }
0x60: {  	_ =	shalt  }
0x61: {  	_ =	shalt  }
0x62: {  	_ =	shalt  }
0x63: {  	_ =	shalt  }
0x64: {  	_ =	shalt  }
0x65: {  	_ =	shalt  }
0x66: {  	_ =	shalt  }
0x67: {  	_ =	shalt  }
0x68: {  	_ =	shalt  }
0x69: {  	_ =	shalt  }
0x6a: {  	_ =	shalt  }
0x6b: {  	_ =	shalt  }
0x6c: {  	_ =	shalt  }
0x6d: {  	_ =	shalt  }
0x6e: {  	_ =	shalt  }
0x6f: {  	_ =	shalt  }
0x70: {  	_ =	shalt  }
0x71: {  	_ =	shalt  }
0x72: {  	_ =	shalt  }
0x73: {  	_ =	shalt  }
0x74: {  	_ =	shalt  }
0x75: {  	_ =	shalt  }
0x76: {  	_ =	shalt  }
0x77: {  	_ =	shalt  }
0x78: {  	_ =	shalt  }
0x79: {  	_ =	shalt  }
0x7a: {  	_ =	shalt  }
0x7b: {  	_ =	shalt  }
0x7c: {  	_ =	shalt  }
0x7d: {  	_ =	shalt  }
0x7e: {  	_ =	shalt  }
0x7f: {  	_ =	shalt  }
0x80: {  	_ =	shalt  }
0x81: {  	_ =	shalt  }
0x82: {  	_ =	shalt  }
0x83: {  	_ =	shalt  }
0x84: {  	_ =	shalt  }
0x85: {  	_ =	shalt  }
0x86: {  	_ =	shalt  }
0x87: {  	_ =	shalt  }
.Lfunc_end0:
.L_simem_size_0:
called_computation_lowered:
.L_overlay_start_0:
0x88: {  	s2 =	sld [smem:$0x3FD9]  }
0x89: {  	s3 =	sld [smem:$0x3FFE];
	_ =	sdelay $0x1  }
0x8a: {  	s1 =	srdreg.scid  }
0x8b: {  	s0 =	sand.u32 $0x1, s1  }
0x8c: {  	s17 =	sshll.u32 s0, $0xA;
	s2 =	sadd.s32 s3, s2  }
0x8d: {  	s2 =	sadd.s32 s2, s17  }
0x8e: {  	[smem:$0x3FC2] =	sst s2  }
0x8f: {  	_ = 	snop  }
0x90: {  	s2 =	sld [smem:$0x3FD0];
	(tm) =	ssettm $0x1  }
0x91: {  	s18 =	sld [smem:$0x3FFB];
	_ =	sdelay $0x3  }
0x92: {  	_ =	strace s18  }
0x93: {  	s3 =	sld [smem:$0x3FFC];
	_ =	sdelay $0x3  }
0x94: {  	_ =	strace s3  }
0x95: {  	s3 =	sld [smem:$0x3FFD];
	_ =	sdelay $0x3  }
0x96: {  	_ =	strace s3  }
0x97: {  	_ =	strace $0x8FFFFFFF  }
0x98: {  	s19 =	sld [smem:$0x3FDB];
	_ =	sdelay $0x1  }
0x99: {  	s4 =	simm.s32 $_scs_section_size  }
0x9a: {  	s5 =	simm.s32 $_size__tile_overlayer_lowered;
	s6 =	simm.s32 $_tile_overlayer_lowered  }
0x9b: {  	s22 =	simm.s32 $0x1BFF;
	s21 =	sshll.u32 s6, $0x1;
	s3 =	sadd.s32 s4, s19  }
0x9c: {  	s7 =	simm.s32 $0x0;
	s20 =	sshll.u32 s5, $0x1;
	s5 =	sadd.s32 s21, s3  }
0x9d: {  	[timem:s7], [sflag:s22] =	dma.local [hbm:s5], s20  }
0x9e: {  	_ =	swait.ge [sflag:s22], s20  }
0x9f: {  	s4 =	ssub.s32 $0x0, s20;
	[sflag:s22] =	ssyncset.done $0x0  }
0xa0: {  	[sflag:s22] =	ssyncadd.s32 s4;
	_ =	sdelay $0x1  }
0xa1: {  	s23 =	simm.s32 $0x1B8B  }
0xa2: {  	_ =	swait.ge [sflag:s23], $0x1  }
0xa3: {  	[sflag:s23] =	ssyncset.done $0x0  }
0xa4: {  	s25 =	simm.s32 $0x1B8E;
	s24 =	sld [smem:$0x3FFE];
	[sflag:s23] =	ssyncadd.s32 $0xFFFFFFFF  }
0xa5: {  	s26 =	simm.s32 $execute0_lowered;
	[smem:$0x3FD2] =	sst s25  }
0xa6: {  	s5 =	sshll.u32 s26, $0x1;
	_ =	strace $0x80000046;
	[dreg:$0x1] =	wrdreg $0xFFFFFFFF  }
0xa7: {  	s28 =	simm.s32 $_size_execute0_lowered;
	s3 =	sadd.s32 s3, s5;
	[dreg:$0x0] =	wrdreg $0x0  }
0xa8: {  	s5 =	sshll.u32 s28, $0x1;
	[dreg:$0x2] =	wrdreg s3  }
0xa9: {  	[dreg:$0x3] =	wrdreg s5  }
0xaa: {  	[dreg:$0x4] =	wrdreg $0xC0  }
0xab: {  	_ =	task [dreg:s7], $0x5FFFF  }
0xac: {  	[dreg:$0x1] =	wrdreg $0xFFFFFFFF  }
0xad: {  	[dreg:$0x0] =	wrdreg $0x60  }
0xae: {  	[dreg:$0x2] =	wrdreg s2  }
0xaf: {  	[dreg:$0x3] =	wrdreg s24  }
0xb0: {  	[dreg:$0x4] =	wrdreg $0xA8000  }
0xb1: {  	[dreg:$0x5] =	wrdreg $0x9  }
0xb2: {  	_ =	task.clear_ibuf [dreg:s7], $0x6FFFF;
	_ =	strace $0x90000046  }
0xb3: {  	s29 =	simm.s32 $0x9;
	_ =	strace $0x80000048  }
0xb4: {  	_ =	swait.ge [sflag:s29], $0x1  }
0xb5: {  	[sflag:s29] =	ssyncadd.s32 $0xFFFFFFFF  }
0xb6: {  	_ =	strace $0x90000048  }
0xb7: {  	_ =	sfence  }
0xb8: {  	s30 =	sld [smem:$0x0];
	_ =	sdelay $0x2  }
0xb9: {  	s31 =	sshll.u32 s1, $0xD;
	s1 =	sshrl.u32 s1, $0x2  }
0xba: {  	s3 =	sand.u32 $0x4000, s31;
	s1 =	sadd.s32 s1, s30  }
0xbb: {  	s0 =	sor.u32 s3, s0;
	s1 =	sshll.u32 s1, $0x11  }
0xbc: {  	s0 =	sor.u32 s1, s0  }
0xbd: {  	s0 =	sadd.s32 $0x8F2B, s0  }
0xbe: {  	[sflag:s0] =	ssyncadd.remote.s32 $0x1  }
0xbf: {  	_ =	sfence.sel $0xFFFF  }
0xc0: {  	[dreg:$0x0] =	wrdreg $0xFFFFFFFF;
	(pc) =	sbr.abs _section_cstart, $3  }
0xc1: {  	[dreg:$0x1] =	wrdreg $0xFFFFFFFF  }
0xc2: {  	_ =	task.clear_ibuf [dreg:s7], $0x2FFFF;
	_ =	strace $0x9FFFFFFF  }
0xc3: {  	(tm) =	ssettm $0x7FFFFFFF  }
tec
execute0_lowered:
.L_overlay_start_1:
0x0: {  	(tag) =	ssettag $0x1  }
0x1: {  	s9 =	rddreg [dreg:$0x0]  }
0x2: {  	s4 =	rddreg [dreg:$0x1]  }
0x3: {  	s0 =	srdreg.scid;
	s2 =	rddreg [dreg:$0x2]  }
0x4: {  	s1 =	rddreg [dreg:$0x3];
	s3 =	simm.s32 $0x0;
	s5 =	sand.u32 $0x1, s0  }
0x5: {  	s13 =	simm.s32 $0x2;
	s0 =	stileid.u32;
	s6 =	smul.u32 $0x140000, s5  }
0x6: {  	s14 =	simm.s32 $0x80;
	s15 =	simm.s32 $0x2800;
	s7 =	smul.u32 $0x14000, s0  }
0x7: {  	s16 =	simm.s32 $0x1;
	[smem:$0x7FF] =	sst s3;
	s30 =	smul.u32 $0x50000, s0  }
0x8: {  	_ =	strace $0x80000047;
	s8 =	smul.u32 $0x28000, s5;
	s5 =	ssub.s32 $0x2, s5  }
0x9: {  	s10 =	smul.u32 $0x2800, s0;
	s17 =	sshll.u32 s0, $0x6;
	s31 =	sshrl.u32 s5, $0x1  }
0xa: {  	s17 =	sor.u32 $0x1C02, s17;
	s6 =	sadd.s32 s7, s6;
	s7 =	sshrl.u32 s30, $0x2  }
0xb: {  	s12 =	ssub.s32 s5, s31;
	s8 =	sadd.s32 s10, s8;
	s6 =	sshrl.u32 s6, $0x3  }
0xc: {  	s10 =	sshrl.u32 s8, $0x3;
	s11 =	sadd.s32 s6, s4;
	s4 =	sadd.s32 s7, s2  }
0xd: {  	s9 =	sadd.s32 s9, s10;
	s5 =	sadd.s32 $0x4000, s4;
	s6 =	sadd.s32 $0x8000, s4  }
0xe: {  	s7 =	sadd.s32 $0xC000, s4;
	s8 =	sadd.s32 $0x10000, s4;
	s10 =	sadd.s32 $0xC200, s11  }
0xf: {  	v0 =	vimm.f32 $1.000000000e+00;
	v1 =	vimm.f32 $0.0e+00;
	s11 =	smax.u32 s12, $0x1;
	s12 =	simm.s32 $0x6800;
	s18 =	sshrl.u32 s4, $0x3  }
.LBB2_1:
0x10: {  	s19 =	simm.s32 $0x0;
	s20 =	simm.s32 $0x200  }
.LBB2_2:
0x11: {  	p0 =	sne.s32 s20, $0xFE00;
	[tilespmem:s19+$0x6870] =	vst v1  }
0x12: {  	[tilespmem:s19+$0x2800] =	vst v0  }
0x13: {  	[tilespmem:s19+$0x6800] =	vst v1  }
0x14: {  	[tilespmem:s19+$0x2810] =	vst v0  }
0x15: {  	[tilespmem:s19+$0x6810] =	vst v1  }
0x16: {  	[tilespmem:s19+$0x2820] =	vst v0  }
0x17: {  	[tilespmem:s19+$0x6820] =	vst v1  }
0x18: {  	[tilespmem:s19+$0x2830] =	vst v0  }
0x19: {  	[tilespmem:s19+$0x6830] =	vst v1  }
0x1a: {  	[tilespmem:s19+$0x2840] =	vst v0  }
0x1b: {  	[tilespmem:s19+$0x6840] =	vst v1  }
.Ltmp0:
0x1c: {  	[tilespmem:s19+$0x2850] =	vst v0;
	(pc) =	sbr.rel @p0 .LBB2_2-.Ltmp0, $4  }
0x1d: {  	[tilespmem:s19+$0x6850] =	vst v1  }
0x1e: {  	[tilespmem:s19+$0x2860] =	vst v0  }
0x1f: {  	[tilespmem:s19+$0x6860] =	vst v1  }
0x20: {  	[tilespmem:s19+$0x2870] =	vst v0;
	s19 =	sshra.s32 s20, $0x2;
	s20 =	sadd.s32 $0x200, s20  }
0x21: {  	[tilespmem:s19+$0x6870] =	vst v1  }
0x22: {  	[tilespmem:s19+$0x2800] =	vst v0  }
0x23: {  	[tilespmem:s19+$0x6800] =	vst v1  }
0x24: {  	[tilespmem:s19+$0x2810] =	vst v0  }
0x25: {  	[tilespmem:s19+$0x6810] =	vst v1  }
0x26: {  	[tilespmem:s19+$0x2820] =	vst v0  }
0x27: {  	[tilespmem:s19+$0x6820] =	vst v1  }
0x28: {  	[tilespmem:s19+$0x2830] =	vst v0  }
0x29: {  	[tilespmem:s19+$0x6830] =	vst v1  }
0x2a: {  	[tilespmem:s19+$0x2840] =	vst v0  }
0x2b: {  	[tilespmem:s19+$0x6840] =	vst v1  }
0x2c: {  	[tilespmem:s19+$0x2850] =	vst v0  }
0x2d: {  	[tilespmem:s19+$0x6850] =	vst v1  }
0x2e: {  	[tilespmem:s19+$0x2860] =	vst v0  }
0x2f: {  	[tilespmem:s19+$0x6860] =	vst v1  }
0x30: {  	[tilespmem:s19+$0x2870] =	vst v0  }
0x31: {  	[spmem:s4] =	stream.linear.scatter [tilespmem:s12], [sflag:$0x2], $0x4000, $0x38;
	[tilespmem:$0x1E800] =	vst v63  }
0x32: {  	_ =	swait.ge [sflag:s13], $0x4000  }
0x33: {  	[sflag:s13] =	ssyncset.done $0x0  }
0x34: {  	[sflag:s13] =	ssyncadd.s32 $0xFFFFC000  }
0x35: {  	[spmem:s5] =	stream.linear.scatter [tilespmem:s12], [sflag:$0x2], $0x4000, $0x38;
	[tilespmem:$0x1E800] =	vst v63  }
0x36: {  	_ =	swait.ge [sflag:s13], $0x4000  }
0x37: {  	[sflag:s13] =	ssyncset.done $0x0  }
0x38: {  	[sflag:s13] =	ssyncadd.s32 $0xFFFFC000  }
0x39: {  	[spmem:s6] =	stream.linear.scatter [tilespmem:s12], [sflag:$0x2], $0x4000, $0x38;
	[tilespmem:$0x1E800] =	vst v63  }
0x3a: {  	_ =	swait.ge [sflag:s13], $0x4000  }
0x3b: {  	[sflag:s13] =	ssyncset.done $0x0  }
0x3c: {  	[sflag:s13] =	ssyncadd.s32 $0xFFFFC000  }
0x3d: {  	[spmem:s7] =	stream.linear.scatter [tilespmem:s12], [sflag:$0x2], $0x4000, $0x38;
	[tilespmem:$0x1E800] =	vst v63  }
0x3e: {  	_ =	swait.ge [sflag:s13], $0x4000  }
0x3f: {  	[sflag:s13] =	ssyncset.done $0x0  }
0x40: {  	[sflag:s13] =	ssyncadd.s32 $0xFFFFC000  }
0x41: {  	[spmem:s8] =	stream.linear.scatter [tilespmem:s12], [sflag:$0x2], $0x4000, $0x38;
	[tilespmem:$0x1E800] =	vst v63  }
0x42: {  	_ =	swait.ge [sflag:s13], $0x4000  }
0x43: {  	[sflag:s13] =	ssyncset.done $0x0  }
0x44: {  	s19 =	simm.s32 $0x0;
	[sflag:s13] =	ssyncadd.s32 $0xFFFFC000  }
0x45: {  	[tilespmem:s19], [sflag:$0x2] =	stream.linear.gather [hbm4b:s9+s19], $0x2800, $0x38;
	[tilespmem:$0x1E800] =	vst v63  }
0x46: {  	_ =	swait.ge [sflag:s13], $0x2800  }
0x47: {  	[sflag:s13] =	ssyncset.done $0x0  }
0x48: {  	[sflag:s13] =	ssyncadd.s32 $0xFFFFD800  }
0x49: {  	[bflag:$0x0] =	sbarrier.arrive $0xFFFF  }
.LBB2_4:
0x4a: {  	p0 =	sne.s32 s19, $0x9E00  }
.Ltmp1:
0x4b: {  	_ = 	snop;
	(pc) =	sbr.rel @p0 .LBB2_4-.Ltmp1, $3  }
0x4c: {  	_ =	sdelay $0x1  }
0x4d: {  	s20 =	sshra.s32 s19, $0x2;
	s19 =	sadd.s32 $0x200, s19  }
0x4e: {  	[spmem:s2] =	stream.indirect.scatter.add.f32 [tilespmem:s15], [sflag:$0x1], $0x80, s20, s14, $0xb8;
	[tilespmem:$0x1E800] =	vst v63  }
0x4f: {  	_ =	swait.ge [sflag:s16], $0x4000  }
0x50: {  	s19 =	simm.s32 $0x4F;
	[sflag:s16] =	ssyncset.done $0x0  }
.LBB2_6:
0x51: {  	p0 =	sne.s32 s19, $0x1;
	s19 =	sadd.s32 $0xFFFFFFFF, s19;
	[sflag:s16] =	ssyncadd.s32 $0xFFFFC000  }
.Ltmp2:
0x52: {  	(pc) =	sbr.rel @p0 .LBB2_6-.Ltmp2, $3  }
0x53: {  	_ =	sdelay $0x1  }
0x54: {  	_ =	swait.ge [sflag:s16], $0x4000  }
0x55: {  	[sflag:s16] =	ssyncset.done $0x0  }
0x56: {  	s3 =	sadd.s32 $0x1, s3  }
0x57: {  	[sflag:s16] =	ssyncadd.s32 $0xFFFFC000;
	p0 =	sne.s32 s3, s11  }
.Ltmp3:
0x58: {  	[bflag:$0x0] =	sbarrier.arrive $0xFFFF;
	(pc) =	sbr.rel @p0 .LBB2_1-.Ltmp3, $4  }
0x59: {  	[hbm:s10], [sflag:s17] =	dma.local [spmem:s18], $0x2800  }
0x5a: {  	_ =	swait.ge [sflag:s13], $0x2800  }
0x5b: {  	[sflag:s13] =	ssyncset.done $0x0  }
0x5c: {  	[sflag:s13] =	ssyncadd.s32 $0xFFFFD800  }
0x5d: {  	_ =	sfence.sel $0x180000  }
0x5e: {  	[bflag:$0x0] =	sbarrier.arrive $0xFFFF  }
0x5f: {  	p0 =	sne.s32 s0, $0x0;
	_ =	strace $0x90000047  }
0x60: {  	s0 =	sadd.s32 @!p0 $0x100000, s1;
	[bflag:$0x2] =	sbarrier.arrive $0xFFFF  }
0x61: {  	[sflag:s0] =	ssyncadd.tile.s32 @!p0 $0x1;
	_ =	shalt  }
.Lfunc_end2:
_tile_overlayer_lowered:
.L_overlay_start_2:
0x62: {  	(tag) =	ssettag $0x2  }
0x63: {  	s0 =	rddreg [dreg:$0x0];
	s2 =	stileid.u32  }
0x64: {  	s1 =	rddreg [dreg:$0x1];
	p0 =	sne.s32 s2, $0x0  }
0x65: {  	s3 =	rddreg [dreg:$0x2];
	[bflag:$0x3] =	sbarrier.arrive $0xFFFF;
	s2 =	simm.s32 @!p0 $0x1C02  }
0x66: {  	[timem:s3], [sflag:s2] =	dma.local @!p0 [hbm:s0], s1  }
0x67: {  	s0 =	simm.s32 @!p0 $0x2  }
0x68: {  	_ =	swait.ge @!p0 [sflag:s0], s1  }
0x69: {  	s1 =	ssub.s32 @!p0 $0x0, s1;
	[sflag:s0] =	ssyncset.done @!p0 $0x0  }
0x6a: {  	[sflag:s0] =	ssyncadd.s32 @!p0 s1  }
0x6b: {  	[bflag:$0x3] =	sbarrier.arrive $0xFFFF  }
0x6c: {  	_ =	shalt  }

</sc_bundles>
